<compile_context>
chip_gen: v7x
topology: tpu7x:2x2x1
jax: 0.10.2.dev20260603
libtpu: 0.0.44.dev20260713+nightly
codegen_flags: <defaults>
</compile_context>

<pallas_src>
import functools

import jax
import jax.numpy as jnp
from jax import lax
from jax.experimental import pallas as pl
from jax.experimental.pallas import tpu as pltpu
from jax.experimental.pallas import tpu_sc as plsc

NC = 2
NS = 16
NW = NC * NS
CB = 128

def _make_deg(np_rows, e):
    et = e // NW
    kf = et // CB
    tail = et - kf * CB
    rpt = np_rows // NS
    mesh = plsc.VectorSubcoreMesh(core_axis_name="c", subcore_axis_name="s")

    @functools.partial(
        pl.kernel,
        out_type=jax.ShapeDtypeStruct((NC, np_rows, 16), jnp.float32),
        mesh=mesh,
        compiler_params=pltpu.CompilerParams(use_tc_tiling_on_sc=False),
        scratch_types=[
            pltpu.VMEM((et,), jnp.int32),
            pltpu.VMEM((CB, 16), jnp.float32),
            pltpu.VMEM_SHARED((np_rows, 16), jnp.float32),
            pltpu.SemaphoreType.DMA,
        ],
    )
    def deg_kernel(ei_hbm, zeros_hbm, ones_hbm, out_hbm, dst_v, ones_v, acc,
                   sem):
        c = lax.axis_index("c")
        s = lax.axis_index("s")
        wid = c * NS + s
        pltpu.sync_copy(zeros_hbm.at[pl.ds(s * rpt, rpt)],
                        acc.at[pl.ds(s * rpt, rpt)])
        pltpu.sync_copy(ei_hbm.at[1, pl.ds(wid * et, et)], dst_v)
        pltpu.sync_copy(ones_hbm, ones_v)
        plsc.subcore_barrier()

        nbd = 8

        def body(j, carry):
            pltpu.async_copy(ones_v, acc.at[dst_v.at[pl.ds(j * CB, CB)]],
                             sem, add=True)

            @pl.when(j >= nbd)
            def _():
                pltpu.make_async_copy(ones_v,
                                      acc.at[dst_v.at[pl.ds(0, CB)]],
                                      sem).wait()

            return carry

        lax.fori_loop(0, kf, body, 0)
        for _ in range(min(nbd, kf)):
            pltpu.make_async_copy(ones_v, acc.at[dst_v.at[pl.ds(0, CB)]],
                                  sem).wait()
        if tail:
            pltpu.sync_copy(ones_v.at[pl.ds(0, tail)],
                            acc.at[dst_v.at[pl.ds(kf * CB, tail)]], add=True)
        plsc.subcore_barrier()
        pltpu.sync_copy(acc.at[pl.ds(s * rpt, rpt)],
                        out_hbm.at[c, pl.ds(s * rpt, rpt)])

    return deg_kernel


def _prescale_body(degp_ref, x_ref, g1_ref, dinv_ref):
    deg = degp_ref[0, :, 0:1] + degp_ref[1, :, 0:1] + 1.0
    dinv = lax.rsqrt(deg)
    d = x_ref.shape[1]
    g1_ref[0] = x_ref[:, : d // 2] * dinv
    g1_ref[1] = x_ref[:, d // 2:] * dinv
    dinv_ref[...] = jnp.broadcast_to(dinv, dinv_ref.shape)


def _ring_propagate(gh, src_v, dst_v, rows_v, acc, gsem, ssem, kf, tail, nb):
    for b in range(nb):
        pltpu.async_copy(gh.at[src_v.at[pl.ds(b * CB, CB)]], rows_v.at[b],
                         gsem)

    def body(j, carry):
        bj = lax.rem(j, nb)
        pltpu.make_async_copy(gh.at[src_v.at[pl.ds(bj * CB, CB)]],
                              rows_v.at[bj], gsem).wait()
        pltpu.async_copy(rows_v.at[bj], acc.at[dst_v.at[pl.ds(j * CB, CB)]],
                         ssem, add=True)
        nxt = j + (nb - 1)

        @pl.when((j >= 1) & (nxt < kf))
        def _():
            bp = lax.rem(nxt, nb)
            pltpu.make_async_copy(rows_v.at[bp],
                                  acc.at[dst_v.at[pl.ds(0, CB)]], ssem).wait()
            pltpu.async_copy(gh.at[src_v.at[pl.ds(nxt * CB, CB)]],
                             rows_v.at[bp], gsem)

        return carry

    lax.fori_loop(0, kf, body, 0)
    for _ in range(nb):
        pltpu.make_async_copy(rows_v.at[0], acc.at[dst_v.at[pl.ds(0, CB)]],
                              ssem).wait()
    if tail:
        t0 = kf * CB
        pltpu.async_copy(gh.at[src_v.at[pl.ds(t0, tail)]],
                         rows_v.at[0, pl.ds(0, tail)], gsem).wait()
        pltpu.sync_copy(rows_v.at[0, pl.ds(0, tail)],
                        acc.at[dst_v.at[pl.ds(t0, tail)]], add=True)


def _init_acc_from_g(acc, g_hbm, zeros_hbm, c, s, n, rpt, last, last_cnt):
    r0 = s * rpt

    @pl.when(s < last)
    def _():
        pltpu.sync_copy(g_hbm.at[c, pl.ds(r0, rpt)], acc.at[pl.ds(r0, rpt)])

    @pl.when(s == last)
    def _():
        pltpu.sync_copy(g_hbm.at[c, pl.ds(r0, last_cnt)],
                        acc.at[pl.ds(r0, last_cnt)])
        pltpu.sync_copy(zeros_hbm.at[pl.ds(0, rpt - last_cnt)],
                        acc.at[pl.ds(r0 + last_cnt, rpt - last_cnt)])


def _make_prop(n, np_rows, dh, e, nb):
    et = e // NS
    kf = et // CB
    tail = et - kf * CB
    rpt = np_rows // NS
    last = NS - 1
    last_cnt = n - last * rpt
    mesh = plsc.VectorSubcoreMesh(core_axis_name="c", subcore_axis_name="s")

    @functools.partial(
        pl.kernel,
        out_type=jax.ShapeDtypeStruct((NC, np_rows, dh), jnp.float32),
        mesh=mesh,
        compiler_params=pltpu.CompilerParams(use_tc_tiling_on_sc=False),
        scratch_types=[
            pltpu.VMEM((et,), jnp.int32),
            pltpu.VMEM((et,), jnp.int32),
            pltpu.VMEM((nb, CB, dh), jnp.float32),
            pltpu.VMEM_SHARED((np_rows, dh), jnp.float32),
            pltpu.SemaphoreType.DMA,
            pltpu.SemaphoreType.DMA,
        ],
    )
    def prop_kernel(ei_hbm, g_hbm, zeros_hbm, out_hbm,
                    src_v, dst_v, rows_v, acc, gsem, ssem):
        c = lax.axis_index("c")
        s = lax.axis_index("s")
        _init_acc_from_g(acc, g_hbm, zeros_hbm, c, s, n, rpt, last, last_cnt)
        pltpu.sync_copy(ei_hbm.at[0, pl.ds(s * et, et)], src_v)
        pltpu.sync_copy(ei_hbm.at[1, pl.ds(s * et, et)], dst_v)
        plsc.subcore_barrier()
        _ring_propagate(g_hbm.at[c], src_v, dst_v, rows_v, acc,
                        gsem, ssem, kf, tail, nb)
        plsc.subcore_barrier()
        pltpu.sync_copy(acc.at[pl.ds(s * rpt, rpt)],
                        out_hbm.at[c, pl.ds(s * rpt, rpt)])

    return prop_kernel


def _make_prop_final(n, np_rows, dh, e, nb):
    et = e // NS
    kf = et // CB
    tail = et - kf * CB
    rpt = np_rows // NS
    last = NS - 1
    last_cnt = n - last * rpt
    mesh = plsc.VectorSubcoreMesh(core_axis_name="c", subcore_axis_name="s")

    @functools.partial(
        pl.kernel,
        out_type=jax.ShapeDtypeStruct((NC, n, dh), jnp.float32),
        mesh=mesh,
        compiler_params=pltpu.CompilerParams(use_tc_tiling_on_sc=False),
        scratch_types=[
            pltpu.VMEM((et,), jnp.int32),
            pltpu.VMEM((et,), jnp.int32),
            pltpu.VMEM((nb, CB, dh), jnp.float32),
            pltpu.VMEM((rpt, dh), jnp.float32),
            pltpu.VMEM((rpt, 16), jnp.float32),
            pltpu.VMEM((dh,), jnp.float32),
            pltpu.VMEM_SHARED((np_rows, dh), jnp.float32),
            pltpu.SemaphoreType.DMA,
            pltpu.SemaphoreType.DMA,
        ],
    )
    def prop_kernel(ei_hbm, g_hbm, zeros_hbm, dinv_hbm, bias_hbm,
                    out_hbm, src_v, dst_v, rows_v, res_v, dinv_v,
                    bias_v, acc, gsem, ssem):
        c = lax.axis_index("c")
        s = lax.axis_index("s")
        _init_acc_from_g(acc, g_hbm, zeros_hbm, c, s, n, rpt, last, last_cnt)
        pltpu.sync_copy(ei_hbm.at[0, pl.ds(s * et, et)], src_v)
        pltpu.sync_copy(ei_hbm.at[1, pl.ds(s * et, et)], dst_v)
        pltpu.sync_copy(bias_hbm.at[c], bias_v)
        plsc.subcore_barrier()
        _ring_propagate(g_hbm.at[c], src_v, dst_v, rows_v, acc,
                        gsem, ssem, kf, tail, nb)
        plsc.subcore_barrier()

        r0 = s * rpt
        pltpu.sync_copy(acc.at[pl.ds(r0, rpt)], res_v)
        bias = bias_v[:]

        def fin(i, carry):
            for kk in range(dh // 16):
                sl = pl.ds(kk * 16, 16)
                res_v[i, sl] = res_v[i, sl] * dinv_v[i, pl.ds(0, 16)] + bias
            return carry

        @pl.when(s < last)
        def _():
            pltpu.sync_copy(dinv_hbm.at[pl.ds(r0, rpt)], dinv_v)
            lax.fori_loop(0, rpt, fin, 0)
            pltpu.sync_copy(res_v, out_hbm.at[c, pl.ds(r0, rpt)])

        @pl.when(s == last)
        def _():
            pltpu.sync_copy(dinv_hbm.at[pl.ds(r0, last_cnt)],
                            dinv_v.at[pl.ds(0, last_cnt)])
            lax.fori_loop(0, last_cnt, fin, 0)
            pltpu.sync_copy(res_v.at[pl.ds(0, last_cnt)],
                            out_hbm.at[c, pl.ds(r0, last_cnt)])

    return prop_kernel


def _mlp_body(dinv16_ref, s1_ref, w1_ref, b1_ref, w2_ref, g2_ref):
    dinv = dinv16_ref[:, 0:1]
    a1 = jnp.concatenate([s1_ref[0], s1_ref[1]], axis=1) * dinv
    h = jnp.dot(a1, w1_ref[...], preferred_element_type=jnp.float32)
    h = jnp.maximum(h + b1_ref[...], 0.0)
    t = jnp.dot(h, w2_ref[...], preferred_element_type=jnp.float32)
    g2 = t * dinv
    ch = t.shape[1] // 2
    g2_ref[0] = g2[:, :ch]
    g2_ref[1] = g2[:, ch:]


def kernel(x, edge_index, W1, b1, W2, b2):
    n, d = x.shape
    h_dim = W1.shape[1]
    c_dim = W2.shape[1]
    e = edge_index.shape[1]
    dh = d // 2

    np_rows = -(-n // (NS * 8)) * NS * 8

    z16 = jnp.zeros((np_rows, 16), jnp.float32)
    zd = jnp.zeros((np_rows // NS, dh), jnp.float32)
    zc = jnp.zeros((np_rows // NS, c_dim // 2), jnp.float32)
    ones = jnp.ones((CB, 16), jnp.float32)

    degp = _make_deg(np_rows, e)(edge_index, z16, ones)

    bn = 1000
    grid = (n // bn,)
    g1, dinv16 = pl.pallas_call(
        _prescale_body,
        grid=grid,
        in_specs=[
            pl.BlockSpec((2, bn, 16), lambda i: (0, i, 0)),
            pl.BlockSpec((bn, d), lambda i: (i, 0)),
        ],
        out_specs=[
            pl.BlockSpec((2, bn, dh), lambda i: (0, i, 0)),
            pl.BlockSpec((bn, 16), lambda i: (i, 0)),
        ],
        out_shape=[
            jax.ShapeDtypeStruct((2, n, dh), jnp.float32),
            jax.ShapeDtypeStruct((n, 16), jnp.float32),
        ],
    )(degp, x)

    s1 = _make_prop(n, np_rows, dh, e, 6)(edge_index, g1, zd)
    g2 = pl.pallas_call(
        _mlp_body,
        grid=grid,
        in_specs=[
            pl.BlockSpec((bn, 16), lambda i: (i, 0)),
            pl.BlockSpec((2, bn, dh), lambda i: (0, i, 0)),
            pl.BlockSpec((d, h_dim), lambda i: (0, 0)),
            pl.BlockSpec((1, h_dim), lambda i: (0, 0)),
            pl.BlockSpec((h_dim, c_dim), lambda i: (0, 0)),
        ],
        out_specs=pl.BlockSpec((2, bn, c_dim // 2), lambda i: (0, i, 0)),
        out_shape=jax.ShapeDtypeStruct((2, n, c_dim // 2), jnp.float32),
    )(dinv16, s1, W1, b1.reshape(1, h_dim), W2)

    b2h = b2.reshape(NC, c_dim // 2)
    outh = _make_prop_final(n, np_rows, c_dim // 2, e, 12)(
        edge_index, g2, zc, dinv16, b2h)
    return jnp.concatenate([outh[0], outh[1]], axis=1)

# --- scband reference (transcript-rebuilt; emitter-appended) ---
"""Pipeline reference for scband-ligand-gnnv1-81295140979332 (READ-ONLY COPY).

The authoritative reference and input builder live on the scoring server;
editing this copy changes nothing except your own understanding.
"""

import jax, jax.numpy as jnp
import numpy as np

N = 10000
E = 320000
D = 128
H = 2 * D
C = 32


def setup_inputs(seed: int = 0) -> dict:
    key = jax.random.key(seed)
    k0, k1, k2, k3 = jax.random.split(key, 4)
    x = jax.random.normal(k0, (N, D), dtype=jnp.float32)
    edge_index = jax.random.randint(k1, (2, E), 0, N, dtype=jnp.int32)
    W1 = jax.random.normal(k2, (D, H), dtype=jnp.float32) * 0.05
    b1 = jnp.zeros((H,), dtype=jnp.float32)
    W2 = jax.random.normal(k3, (H, C), dtype=jnp.float32) * 0.05
    b2 = jnp.zeros((C,), dtype=jnp.float32)
    return {"x": x, "edge_index": edge_index, "W1": W1, "b1": b1, "W2": W2, "b2": b2}


def _gcn_conv(x, edge_index, W, b):
    # Faithful PyG GCNConv: add self-loops, symmetric degree normalization,
    # linear transform, gather at src, scatter-add at dst, add bias.
    n = x.shape[0]
    loops = jnp.arange(n, dtype=edge_index.dtype)
    src = jnp.concatenate([edge_index[0], loops])
    dst = jnp.concatenate([edge_index[1], loops])
    deg = jnp.zeros((n,), dtype=x.dtype).at[dst].add(1.0)
    dinv = jnp.where(deg > 0, 1.0 / jnp.sqrt(deg), 0.0)
    norm = dinv[src] * dinv[dst]
    h = x @ W
    msgs = h[src] * norm[:, None]
    out = jnp.zeros((n, W.shape[1]), dtype=x.dtype).at[dst].add(msgs)
    return out + b


def reference(x, edge_index, W1, b1, W2, b2):
    h = _gcn_conv(x, edge_index, W1, b1)
    h = jax.nn.relu(h)
    out = _gcn_conv(h, edge_index, W2, b2)
    return out

if __name__ == "__main__":
    import jax
    _d = setup_inputs()
    print(jax.jit(kernel)(*tuple(_d.values())))

</pallas_src>

<mosaic_0001>
#map = affine_map<(d0, d1) -> (0, 0)>
#map1 = affine_map<(d0, d1) -> (0, 0, 0)>
module attributes {stable_mosaic.version = 14 : i64} {
  func.func @prop_kernel(%arg0: i32, %arg1: i32, %arg2: memref<2x320000xi32, #tpu.memory_space<hbm>>, %arg3: memref<2x10000x64xf32, #tpu.memory_space<hbm>>, %arg4: memref<632x64xf32, #tpu.memory_space<hbm>>, %arg5: memref<2x10112x64xf32, #tpu.memory_space<hbm>>, %arg6: memref<20000xi32, #tpu.memory_space<vmem>>, %arg7: memref<20000xi32, #tpu.memory_space<vmem>>, %arg8: memref<6x128x64xf32, #tpu.memory_space<vmem>>, %arg9: memref<10112x64xf32, #tpu.memory_space<vmem_shared>>, %arg10: memref<!tpu.dma_semaphore, #tpu.memory_space<semaphore_mem>>, %arg11: memref<!tpu.dma_semaphore, #tpu.memory_space<semaphore_mem>>) attributes {dimension_semantics = [#tpu.dimension_semantics<core_parallel>, #tpu.dimension_semantics<subcore_parallel>], iteration_bounds = array<i64: 2, 16>, scalar_prefetch = 0 : i64, scratch_operands = 6 : i64, tpu.core_type = #tpu.core_type<sc_vector_subcore>, window_params = [{transform_indices = #map}, {transform_indices = #map1}, {transform_indices = #map}, {transform_indices = #map1}]} {
    %mul3A = arith.constant 632 : i32
    %mul3A_0 = arith.muli %arg1, %mul3A : i32
    %lt3A = arith.constant 15 : i32
    %lt3A_1 = arith.cmpi slt, %arg1, %lt3A : i32
    %convert_element_type3A = arith.extui %lt3A_1 : i1 to i32
    %cond3A = arith.constant 0 : i32
    %cond3A_2 = arith.cmpi ne, %convert_element_type3A, %cond3A : i32
    scf.if %cond3A_2 {
      "tpu.region"() ({
        %run_scoped3A_193 = tpu.sem_alloc : memref<!tpu.dma_semaphore, #tpu.memory_space<semaphore_mem>>
        %dma_start3A_194 = arith.constant 0 : i32
        %dma_start3A_195 = tpu.memref_slice %arg9[%mul3A_0, %dma_start3A_194] : memref<10112x64xf32, #tpu.memory_space<vmem_shared>> -> memref<632x64xf32, #tpu.memory_space<vmem_shared>>
        %dma_start3A_196 = arith.constant 0 : i32
        %dma_start3A_197 = tpu.memref_slice %arg3[%arg0, %mul3A_0, %dma_start3A_196] : memref<2x10000x64xf32, #tpu.memory_space<hbm>> -> memref<1x632x64xf32, #tpu.memory_space<hbm>>
        %dma_start3A_198 = tpu.memref_squeeze %dma_start3A_197 : memref<1x632x64xf32, #tpu.memory_space<hbm>> -> memref<632x64xf32, #tpu.memory_space<hbm>>
        tpu.enqueue_dma source(%dma_start3A_198 : memref<632x64xf32, #tpu.memory_space<hbm>>) target(%dma_start3A_195 : memref<632x64xf32, #tpu.memory_space<vmem_shared>>) target_semaphore(%run_scoped3A_193 : memref<!tpu.dma_semaphore, #tpu.memory_space<semaphore_mem>>)
        %dma_wait3A_199 = arith.constant 0 : i32
        %dma_wait3A_200 = tpu.memref_slice %arg9[%mul3A_0, %dma_wait3A_199] : memref<10112x64xf32, #tpu.memory_space<vmem_shared>> -> memref<632x64xf32, #tpu.memory_space<vmem_shared>>
        %dma_wait3A_201 = arith.constant 0 : i32
        %dma_wait3A_202 = tpu.memref_slice %arg3[%arg0, %mul3A_0, %dma_wait3A_201] : memref<2x10000x64xf32, #tpu.memory_space<hbm>> -> memref<1x632x64xf32, #tpu.memory_space<hbm>>
        %dma_wait3A_203 = tpu.memref_squeeze %dma_wait3A_202 : memref<1x632x64xf32, #tpu.memory_space<hbm>> -> memref<632x64xf32, #tpu.memory_space<hbm>>
        tpu.wait_dma2 semaphore(%run_scoped3A_193 : memref<!tpu.dma_semaphore, #tpu.memory_space<semaphore_mem>>) src(%dma_wait3A_203 : memref<632x64xf32, #tpu.memory_space<hbm>>) dst(%dma_wait3A_200 : memref<632x64xf32, #tpu.memory_space<vmem_shared>>)
        tpu.yield
      }) : () -> ()
    } else {
    }
    %eq3A = arith.constant 15 : i32
    %eq3A_3 = arith.cmpi eq, %arg1, %eq3A : i32
    %convert_element_type3A_4 = arith.extui %eq3A_3 : i1 to i32
    %cond3A_5 = arith.constant 0 : i32
    %cond3A_6 = arith.cmpi ne, %convert_element_type3A_4, %cond3A_5 : i32
    scf.if %cond3A_6 {
      "tpu.region"() ({
        %run_scoped3A_194 = tpu.sem_alloc : memref<!tpu.dma_semaphore, #tpu.memory_space<semaphore_mem>>
        %dma_start3A_195 = arith.constant 0 : i32
        %dma_start3A_196 = tpu.memref_slice %arg9[%mul3A_0, %dma_start3A_195] : memref<10112x64xf32, #tpu.memory_space<vmem_shared>> -> memref<520x64xf32, #tpu.memory_space<vmem_shared>>
        %dma_start3A_197 = arith.constant 0 : i32
        %dma_start3A_198 = tpu.memref_slice %arg3[%arg0, %mul3A_0, %dma_start3A_197] : memref<2x10000x64xf32, #tpu.memory_space<hbm>> -> memref<1x520x64xf32, #tpu.memory_space<hbm>>
        %dma_start3A_199 = tpu.memref_squeeze %dma_start3A_198 : memref<1x520x64xf32, #tpu.memory_space<hbm>> -> memref<520x64xf32, #tpu.memory_space<hbm>>
        tpu.enqueue_dma source(%dma_start3A_199 : memref<520x64xf32, #tpu.memory_space<hbm>>) target(%dma_start3A_196 : memref<520x64xf32, #tpu.memory_space<vmem_shared>>) target_semaphore(%run_scoped3A_194 : memref<!tpu.dma_semaphore, #tpu.memory_space<semaphore_mem>>)
        %dma_wait3A_200 = arith.constant 0 : i32
        %dma_wait3A_201 = tpu.memref_slice %arg9[%mul3A_0, %dma_wait3A_200] : memref<10112x64xf32, #tpu.memory_space<vmem_shared>> -> memref<520x64xf32, #tpu.memory_space<vmem_shared>>
        %dma_wait3A_202 = arith.constant 0 : i32
        %dma_wait3A_203 = tpu.memref_slice %arg3[%arg0, %mul3A_0, %dma_wait3A_202] : memref<2x10000x64xf32, #tpu.memory_space<hbm>> -> memref<1x520x64xf32, #tpu.memory_space<hbm>>
        %dma_wait3A_204 = tpu.memref_squeeze %dma_wait3A_203 : memref<1x520x64xf32, #tpu.memory_space<hbm>> -> memref<520x64xf32, #tpu.memory_space<hbm>>
        tpu.wait_dma2 semaphore(%run_scoped3A_194 : memref<!tpu.dma_semaphore, #tpu.memory_space<semaphore_mem>>) src(%dma_wait3A_204 : memref<520x64xf32, #tpu.memory_space<hbm>>) dst(%dma_wait3A_201 : memref<520x64xf32, #tpu.memory_space<vmem_shared>>)
        tpu.yield
      }) : () -> ()
      %add3A = arith.constant 520 : i32
      %add3A_193 = arith.addi %mul3A_0, %add3A : i32
      "tpu.region"() ({
        %run_scoped3A_194 = tpu.sem_alloc : memref<!tpu.dma_semaphore, #tpu.memory_space<semaphore_mem>>
        %dma_start3A_195 = arith.constant 0 : i32
        %dma_start3A_196 = tpu.memref_slice %arg9[%add3A_193, %dma_start3A_195] : memref<10112x64xf32, #tpu.memory_space<vmem_shared>> -> memref<112x64xf32, #tpu.memory_space<vmem_shared>>
        %dma_start3A_197 = arith.constant 0 : i32
        %dma_start3A_198 = arith.constant 0 : i32
        %dma_start3A_199 = tpu.memref_slice %arg4[%dma_start3A_197, %dma_start3A_198] : memref<632x64xf32, #tpu.memory_space<hbm>> -> memref<112x64xf32, #tpu.memory_space<hbm>>
        tpu.enqueue_dma source(%dma_start3A_199 : memref<112x64xf32, #tpu.memory_space<hbm>>) target(%dma_start3A_196 : memref<112x64xf32, #tpu.memory_space<vmem_shared>>) target_semaphore(%run_scoped3A_194 : memref<!tpu.dma_semaphore, #tpu.memory_space<semaphore_mem>>)
        %dma_wait3A_200 = arith.constant 0 : i32
        %dma_wait3A_201 = tpu.memref_slice %arg9[%add3A_193, %dma_wait3A_200] : memref<10112x64xf32, #tpu.memory_space<vmem_shared>> -> memref<112x64xf32, #tpu.memory_space<vmem_shared>>
        %dma_wait3A_202 = arith.constant 0 : i32
        %dma_wait3A_203 = arith.constant 0 : i32
        %dma_wait3A_204 = tpu.memref_slice %arg4[%dma_wait3A_202, %dma_wait3A_203] : memref<632x64xf32, #tpu.memory_space<hbm>> -> memref<112x64xf32, #tpu.memory_space<hbm>>
        tpu.wait_dma2 semaphore(%run_scoped3A_194 : memref<!tpu.dma_semaphore, #tpu.memory_space<semaphore_mem>>) src(%dma_wait3A_204 : memref<112x64xf32, #tpu.memory_space<hbm>>) dst(%dma_wait3A_201 : memref<112x64xf32, #tpu.memory_space<vmem_shared>>)
        tpu.yield
      }) : () -> ()
    } else {
    }
    %mul3A_7 = arith.constant 20000 : i32
    %mul3A_8 = arith.muli %arg1, %mul3A_7 : i32
    %run_scoped3A = arith.constant 0 : i32
    "tpu.region"() ({
      %run_scoped3A_193 = tpu.sem_alloc : memref<!tpu.dma_semaphore, #tpu.memory_space<semaphore_mem>>
      %dma_start3A_194 = tpu.memref_slice %arg2[%run_scoped3A, %mul3A_8] : memref<2x320000xi32, #tpu.memory_space<hbm>> -> memref<1x20000xi32, #tpu.memory_space<hbm>>
      %dma_start3A_195 = tpu.memref_squeeze %dma_start3A_194 : memref<1x20000xi32, #tpu.memory_space<hbm>> -> memref<20000xi32, #tpu.memory_space<hbm>>
      %dma_start3A_196 = tpu.memref_slice %arg2[%run_scoped3A, %mul3A_8] : memref<2x320000xi32, #tpu.memory_space<hbm>> -> memref<1x20000xi32, #tpu.memory_space<hbm>>
      %dma_start3A_197 = tpu.memref_squeeze %dma_start3A_196 : memref<1x20000xi32, #tpu.memory_space<hbm>> -> memref<20000xi32, #tpu.memory_space<hbm>>
      tpu.enqueue_dma source(%dma_start3A_197 : memref<20000xi32, #tpu.memory_space<hbm>>) target(%arg6 : memref<20000xi32, #tpu.memory_space<vmem>>) target_semaphore(%run_scoped3A_193 : memref<!tpu.dma_semaphore, #tpu.memory_space<semaphore_mem>>)
      %dma_wait3A_198 = tpu.memref_slice %arg2[%run_scoped3A, %mul3A_8] : memref<2x320000xi32, #tpu.memory_space<hbm>> -> memref<1x20000xi32, #tpu.memory_space<hbm>>
      %dma_wait3A_199 = tpu.memref_squeeze %dma_wait3A_198 : memref<1x20000xi32, #tpu.memory_space<hbm>> -> memref<20000xi32, #tpu.memory_space<hbm>>
      %dma_wait3A_200 = tpu.memref_slice %arg2[%run_scoped3A, %mul3A_8] : memref<2x320000xi32, #tpu.memory_space<hbm>> -> memref<1x20000xi32, #tpu.memory_space<hbm>>
      %dma_wait3A_201 = tpu.memref_squeeze %dma_wait3A_200 : memref<1x20000xi32, #tpu.memory_space<hbm>> -> memref<20000xi32, #tpu.memory_space<hbm>>
      tpu.wait_dma2 semaphore(%run_scoped3A_193 : memref<!tpu.dma_semaphore, #tpu.memory_space<semaphore_mem>>) src(%dma_wait3A_201 : memref<20000xi32, #tpu.memory_space<hbm>>) dst(%arg6 : memref<20000xi32, #tpu.memory_space<vmem>>)
      tpu.yield
    }) : () -> ()
    %mul3A_9 = arith.constant 20000 : i32
    %mul3A_10 = arith.muli %arg1, %mul3A_9 : i32
    %run_scoped3A_11 = arith.constant 1 : i32
    "tpu.region"() ({
      %run_scoped3A_193 = tpu.sem_alloc : memref<!tpu.dma_semaphore, #tpu.memory_space<semaphore_mem>>
      %dma_start3A_194 = tpu.memref_slice %arg2[%run_scoped3A_11, %mul3A_10] : memref<2x320000xi32, #tpu.memory_space<hbm>> -> memref<1x20000xi32, #tpu.memory_space<hbm>>
      %dma_start3A_195 = tpu.memref_squeeze %dma_start3A_194 : memref<1x20000xi32, #tpu.memory_space<hbm>> -> memref<20000xi32, #tpu.memory_space<hbm>>
      %dma_start3A_196 = tpu.memref_slice %arg2[%run_scoped3A_11, %mul3A_10] : memref<2x320000xi32, #tpu.memory_space<hbm>> -> memref<1x20000xi32, #tpu.memory_space<hbm>>
      %dma_start3A_197 = tpu.memref_squeeze %dma_start3A_196 : memref<1x20000xi32, #tpu.memory_space<hbm>> -> memref<20000xi32, #tpu.memory_space<hbm>>
      tpu.enqueue_dma source(%dma_start3A_197 : memref<20000xi32, #tpu.memory_space<hbm>>) target(%arg7 : memref<20000xi32, #tpu.memory_space<vmem>>) target_semaphore(%run_scoped3A_193 : memref<!tpu.dma_semaphore, #tpu.memory_space<semaphore_mem>>)
      %dma_wait3A_198 = tpu.memref_slice %arg2[%run_scoped3A_11, %mul3A_10] : memref<2x320000xi32, #tpu.memory_space<hbm>> -> memref<1x20000xi32, #tpu.memory_space<hbm>>
      %dma_wait3A_199 = tpu.memref_squeeze %dma_wait3A_198 : memref<1x20000xi32, #tpu.memory_space<hbm>> -> memref<20000xi32, #tpu.memory_space<hbm>>
      %dma_wait3A_200 = tpu.memref_slice %arg2[%run_scoped3A_11, %mul3A_10] : memref<2x320000xi32, #tpu.memory_space<hbm>> -> memref<1x20000xi32, #tpu.memory_space<hbm>>
      %dma_wait3A_201 = tpu.memref_squeeze %dma_wait3A_200 : memref<1x20000xi32, #tpu.memory_space<hbm>> -> memref<20000xi32, #tpu.memory_space<hbm>>
      tpu.wait_dma2 semaphore(%run_scoped3A_193 : memref<!tpu.dma_semaphore, #tpu.memory_space<semaphore_mem>>) src(%dma_wait3A_201 : memref<20000xi32, #tpu.memory_space<hbm>>) dst(%arg7 : memref<20000xi32, #tpu.memory_space<vmem>>)
      tpu.yield
    }) : () -> ()
    %barrier3A = arith.constant 0 : index
    tpu.barrier barrier_id(%barrier3A)
    %dma_start3A = arith.constant 0 : i32
    %dma_start3A_12 = arith.constant 0 : i32
    %dma_start3A_13 = arith.constant 0 : i32
    %dma_start3A_14 = tpu.memref_slice %arg8[%dma_start3A, %dma_start3A_12, %dma_start3A_13] : memref<6x128x64xf32, #tpu.memory_space<vmem>> -> memref<1x128x64xf32, #tpu.memory_space<vmem>>
    %dma_start3A_15 = tpu.memref_squeeze %dma_start3A_14 : memref<1x128x64xf32, #tpu.memory_space<vmem>> -> memref<128x64xf32, #tpu.memory_space<vmem>>
    %dma_start3A_16 = arith.constant 0 : i32
    %dma_start3A_17 = tpu.memref_slice %arg6[%dma_start3A_16] : memref<20000xi32, #tpu.memory_space<vmem>> -> memref<128xi32, #tpu.memory_space<vmem>>
    %dma_start3A_18 = arith.constant 0 : i32
    %dma_start3A_19 = arith.constant 0 : i32
    %dma_start3A_20 = tpu.memref_slice %arg3[%arg0, %dma_start3A_18, %dma_start3A_19] : memref<2x10000x64xf32, #tpu.memory_space<hbm>> -> memref<1x10000x64xf32, #tpu.memory_space<hbm>>
    %dma_start3A_21 = tpu.memref_squeeze %dma_start3A_20 : memref<1x10000x64xf32, #tpu.memory_space<hbm>> -> memref<10000x64xf32, #tpu.memory_space<hbm>>
    %dma_start3A_22 = arith.constant 0 : i32
    %dma_start3A_23 = arith.constant 0 : i32
    %dma_start3A_24 = tpu.memref_slice %dma_start3A_21[%dma_start3A_22, %dma_start3A_23] : memref<10000x64xf32, #tpu.memory_space<hbm>> -> memref<10000x64xf32, #tpu.memory_space<hbm>>
    tpu.enqueue_indirect_dma source(%dma_start3A_24 : memref<10000x64xf32, #tpu.memory_space<hbm>>) target(%dma_start3A_15 : memref<128x64xf32, #tpu.memory_space<vmem>>) offsets(%dma_start3A_17 : memref<128xi32, #tpu.memory_space<vmem>>) semaphore(%arg10 : memref<!tpu.dma_semaphore, #tpu.memory_space<semaphore_mem>>)
    %dma_start3A_25 = arith.constant 1 : i32
    %dma_start3A_26 = arith.constant 0 : i32
    %dma_start3A_27 = arith.constant 0 : i32
    %dma_start3A_28 = tpu.memref_slice %arg8[%dma_start3A_25, %dma_start3A_26, %dma_start3A_27] : memref<6x128x64xf32, #tpu.memory_space<vmem>> -> memref<1x128x64xf32, #tpu.memory_space<vmem>>
    %dma_start3A_29 = tpu.memref_squeeze %dma_start3A_28 : memref<1x128x64xf32, #tpu.memory_space<vmem>> -> memref<128x64xf32, #tpu.memory_space<vmem>>
    %dma_start3A_30 = arith.constant 128 : i32
    %dma_start3A_31 = tpu.memref_slice %arg6[%dma_start3A_30] : memref<20000xi32, #tpu.memory_space<vmem>> -> memref<128xi32, #tpu.memory_space<vmem>>
    %dma_start3A_32 = arith.constant 0 : i32
    %dma_start3A_33 = arith.constant 0 : i32
    %dma_start3A_34 = tpu.memref_slice %arg3[%arg0, %dma_start3A_32, %dma_start3A_33] : memref<2x10000x64xf32, #tpu.memory_space<hbm>> -> memref<1x10000x64xf32, #tpu.memory_space<hbm>>
    %dma_start3A_35 = tpu.memref_squeeze %dma_start3A_34 : memref<1x10000x64xf32, #tpu.memory_space<hbm>> -> memref<10000x64xf32, #tpu.memory_space<hbm>>
    %dma_start3A_36 = arith.constant 0 : i32
    %dma_start3A_37 = arith.constant 0 : i32
    %dma_start3A_38 = tpu.memref_slice %dma_start3A_35[%dma_start3A_36, %dma_start3A_37] : memref<10000x64xf32, #tpu.memory_space<hbm>> -> memref<10000x64xf32, #tpu.memory_space<hbm>>
    tpu.enqueue_indirect_dma source(%dma_start3A_38 : memref<10000x64xf32, #tpu.memory_space<hbm>>) target(%dma_start3A_29 : memref<128x64xf32, #tpu.memory_space<vmem>>) offsets(%dma_start3A_31 : memref<128xi32, #tpu.memory_space<vmem>>) semaphore(%arg10 : memref<!tpu.dma_semaphore, #tpu.memory_space<semaphore_mem>>)
    %dma_start3A_39 = arith.constant 2 : i32
    %dma_start3A_40 = arith.constant 0 : i32
    %dma_start3A_41 = arith.constant 0 : i32
    %dma_start3A_42 = tpu.memref_slice %arg8[%dma_start3A_39, %dma_start3A_40, %dma_start3A_41] : memref<6x128x64xf32, #tpu.memory_space<vmem>> -> memref<1x128x64xf32, #tpu.memory_space<vmem>>
    %dma_start3A_43 = tpu.memref_squeeze %dma_start3A_42 : memref<1x128x64xf32, #tpu.memory_space<vmem>> -> memref<128x64xf32, #tpu.memory_space<vmem>>
    %dma_start3A_44 = arith.constant 256 : i32
    %dma_start3A_45 = tpu.memref_slice %arg6[%dma_start3A_44] : memref<20000xi32, #tpu.memory_space<vmem>> -> memref<128xi32, #tpu.memory_space<vmem>>
    %dma_start3A_46 = arith.constant 0 : i32
    %dma_start3A_47 = arith.constant 0 : i32
    %dma_start3A_48 = tpu.memref_slice %arg3[%arg0, %dma_start3A_46, %dma_start3A_47] : memref<2x10000x64xf32, #tpu.memory_space<hbm>> -> memref<1x10000x64xf32, #tpu.memory_space<hbm>>
    %dma_start3A_49 = tpu.memref_squeeze %dma_start3A_48 : memref<1x10000x64xf32, #tpu.memory_space<hbm>> -> memref<10000x64xf32, #tpu.memory_space<hbm>>
    %dma_start3A_50 = arith.constant 0 : i32
    %dma_start3A_51 = arith.constant 0 : i32
    %dma_start3A_52 = tpu.memref_slice %dma_start3A_49[%dma_start3A_50, %dma_start3A_51] : memref<10000x64xf32, #tpu.memory_space<hbm>> -> memref<10000x64xf32, #tpu.memory_space<hbm>>
    tpu.enqueue_indirect_dma source(%dma_start3A_52 : memref<10000x64xf32, #tpu.memory_space<hbm>>) target(%dma_start3A_43 : memref<128x64xf32, #tpu.memory_space<vmem>>) offsets(%dma_start3A_45 : memref<128xi32, #tpu.memory_space<vmem>>) semaphore(%arg10 : memref<!tpu.dma_semaphore, #tpu.memory_space<semaphore_mem>>)
    %dma_start3A_53 = arith.constant 3 : i32
    %dma_start3A_54 = arith.constant 0 : i32
    %dma_start3A_55 = arith.constant 0 : i32
    %dma_start3A_56 = tpu.memref_slice %arg8[%dma_start3A_53, %dma_start3A_54, %dma_start3A_55] : memref<6x128x64xf32, #tpu.memory_space<vmem>> -> memref<1x128x64xf32, #tpu.memory_space<vmem>>
    %dma_start3A_57 = tpu.memref_squeeze %dma_start3A_56 : memref<1x128x64xf32, #tpu.memory_space<vmem>> -> memref<128x64xf32, #tpu.memory_space<vmem>>
    %dma_start3A_58 = arith.constant 384 : i32
    %dma_start3A_59 = tpu.memref_slice %arg6[%dma_start3A_58] : memref<20000xi32, #tpu.memory_space<vmem>> -> memref<128xi32, #tpu.memory_space<vmem>>
    %dma_start3A_60 = arith.constant 0 : i32
    %dma_start3A_61 = arith.constant 0 : i32
    %dma_start3A_62 = tpu.memref_slice %arg3[%arg0, %dma_start3A_60, %dma_start3A_61] : memref<2x10000x64xf32, #tpu.memory_space<hbm>> -> memref<1x10000x64xf32, #tpu.memory_space<hbm>>
    %dma_start3A_63 = tpu.memref_squeeze %dma_start3A_62 : memref<1x10000x64xf32, #tpu.memory_space<hbm>> -> memref<10000x64xf32, #tpu.memory_space<hbm>>
    %dma_start3A_64 = arith.constant 0 : i32
    %dma_start3A_65 = arith.constant 0 : i32
    %dma_start3A_66 = tpu.memref_slice %dma_start3A_63[%dma_start3A_64, %dma_start3A_65] : memref<10000x64xf32, #tpu.memory_space<hbm>> -> memref<10000x64xf32, #tpu.memory_space<hbm>>
    tpu.enqueue_indirect_dma source(%dma_start3A_66 : memref<10000x64xf32, #tpu.memory_space<hbm>>) target(%dma_start3A_57 : memref<128x64xf32, #tpu.memory_space<vmem>>) offsets(%dma_start3A_59 : memref<128xi32, #tpu.memory_space<vmem>>) semaphore(%arg10 : memref<!tpu.dma_semaphore, #tpu.memory_space<semaphore_mem>>)
    %dma_start3A_67 = arith.constant 4 : i32
    %dma_start3A_68 = arith.constant 0 : i32
    %dma_start3A_69 = arith.constant 0 : i32
    %dma_start3A_70 = tpu.memref_slice %arg8[%dma_start3A_67, %dma_start3A_68, %dma_start3A_69] : memref<6x128x64xf32, #tpu.memory_space<vmem>> -> memref<1x128x64xf32, #tpu.memory_space<vmem>>
    %dma_start3A_71 = tpu.memref_squeeze %dma_start3A_70 : memref<1x128x64xf32, #tpu.memory_space<vmem>> -> memref<128x64xf32, #tpu.memory_space<vmem>>
    %dma_start3A_72 = arith.constant 512 : i32
    %dma_start3A_73 = tpu.memref_slice %arg6[%dma_start3A_72] : memref<20000xi32, #tpu.memory_space<vmem>> -> memref<128xi32, #tpu.memory_space<vmem>>
    %dma_start3A_74 = arith.constant 0 : i32
    %dma_start3A_75 = arith.constant 0 : i32
    %dma_start3A_76 = tpu.memref_slice %arg3[%arg0, %dma_start3A_74, %dma_start3A_75] : memref<2x10000x64xf32, #tpu.memory_space<hbm>> -> memref<1x10000x64xf32, #tpu.memory_space<hbm>>
    %dma_start3A_77 = tpu.memref_squeeze %dma_start3A_76 : memref<1x10000x64xf32, #tpu.memory_space<hbm>> -> memref<10000x64xf32, #tpu.memory_space<hbm>>
    %dma_start3A_78 = arith.constant 0 : i32
    %dma_start3A_79 = arith.constant 0 : i32
    %dma_start3A_80 = tpu.memref_slice %dma_start3A_77[%dma_start3A_78, %dma_start3A_79] : memref<10000x64xf32, #tpu.memory_space<hbm>> -> memref<10000x64xf32, #tpu.memory_space<hbm>>
    tpu.enqueue_indirect_dma source(%dma_start3A_80 : memref<10000x64xf32, #tpu.memory_space<hbm>>) target(%dma_start3A_71 : memref<128x64xf32, #tpu.memory_space<vmem>>) offsets(%dma_start3A_73 : memref<128xi32, #tpu.memory_space<vmem>>) semaphore(%arg10 : memref<!tpu.dma_semaphore, #tpu.memory_space<semaphore_mem>>)
    %dma_start3A_81 = arith.constant 5 : i32
    %dma_start3A_82 = arith.constant 0 : i32
    %dma_start3A_83 = arith.constant 0 : i32
    %dma_start3A_84 = tpu.memref_slice %arg8[%dma_start3A_81, %dma_start3A_82, %dma_start3A_83] : memref<6x128x64xf32, #tpu.memory_space<vmem>> -> memref<1x128x64xf32, #tpu.memory_space<vmem>>
    %dma_start3A_85 = tpu.memref_squeeze %dma_start3A_84 : memref<1x128x64xf32, #tpu.memory_space<vmem>> -> memref<128x64xf32, #tpu.memory_space<vmem>>
    %dma_start3A_86 = arith.constant 640 : i32
    %dma_start3A_87 = tpu.memref_slice %arg6[%dma_start3A_86] : memref<20000xi32, #tpu.memory_space<vmem>> -> memref<128xi32, #tpu.memory_space<vmem>>
    %dma_start3A_88 = arith.constant 0 : i32
    %dma_start3A_89 = arith.constant 0 : i32
    %dma_start3A_90 = tpu.memref_slice %arg3[%arg0, %dma_start3A_88, %dma_start3A_89] : memref<2x10000x64xf32, #tpu.memory_space<hbm>> -> memref<1x10000x64xf32, #tpu.memory_space<hbm>>
    %dma_start3A_91 = tpu.memref_squeeze %dma_start3A_90 : memref<1x10000x64xf32, #tpu.memory_space<hbm>> -> memref<10000x64xf32, #tpu.memory_space<hbm>>
    %dma_start3A_92 = arith.constant 0 : i32
    %dma_start3A_93 = arith.constant 0 : i32
    %dma_start3A_94 = tpu.memref_slice %dma_start3A_91[%dma_start3A_92, %dma_start3A_93] : memref<10000x64xf32, #tpu.memory_space<hbm>> -> memref<10000x64xf32, #tpu.memory_space<hbm>>
    tpu.enqueue_indirect_dma source(%dma_start3A_94 : memref<10000x64xf32, #tpu.memory_space<hbm>>) target(%dma_start3A_85 : memref<128x64xf32, #tpu.memory_space<vmem>>) offsets(%dma_start3A_87 : memref<128xi32, #tpu.memory_space<vmem>>) semaphore(%arg10 : memref<!tpu.dma_semaphore, #tpu.memory_space<semaphore_mem>>)
    %scan3A = arith.constant 0 : i32
    %scan3A_95 = arith.constant 0 : i32
    %scan3A_96 = arith.constant 156 : i32
    %scan3A_97 = arith.addi %scan3A_95, %scan3A_96 : i32
    %scan3A_98 = arith.constant 1 : i32
    scf.for %scan3A_193 = %scan3A_95 to %scan3A_97 step %scan3A_98  : i32 {
      %rem3A = arith.constant 6 : i32
      %rem3A_194 = arith.remsi %scan3A_193, %rem3A : i32
      %mul3A_195 = arith.constant 128 : i32
      %mul3A_196 = arith.muli %rem3A_194, %mul3A_195 : i32
      %dma_wait3A_197 = arith.constant 0 : i32
      %dma_wait3A_198 = arith.constant 0 : i32
      %dma_wait3A_199 = tpu.memref_slice %arg8[%rem3A_194, %dma_wait3A_197, %dma_wait3A_198] : memref<6x128x64xf32, #tpu.memory_space<vmem>> -> memref<1x128x64xf32, #tpu.memory_space<vmem>>
      %dma_wait3A_200 = tpu.memref_squeeze %dma_wait3A_199 : memref<1x128x64xf32, #tpu.memory_space<vmem>> -> memref<128x64xf32, #tpu.memory_space<vmem>>
      %dma_wait3A_201 = tpu.memref_slice %arg6[%mul3A_196] : memref<20000xi32, #tpu.memory_space<vmem>> -> memref<128xi32, #tpu.memory_space<vmem>>
      %dma_wait3A_202 = arith.constant 0 : i32
      %dma_wait3A_203 = arith.constant 0 : i32
      %dma_wait3A_204 = tpu.memref_slice %arg3[%arg0, %dma_wait3A_202, %dma_wait3A_203] : memref<2x10000x64xf32, #tpu.memory_space<hbm>> -> memref<1x10000x64xf32, #tpu.memory_space<hbm>>
      %dma_wait3A_205 = tpu.memref_squeeze %dma_wait3A_204 : memref<1x10000x64xf32, #tpu.memory_space<hbm>> -> memref<10000x64xf32, #tpu.memory_space<hbm>>
      %dma_wait3A_206 = arith.constant 0 : i32
      %dma_wait3A_207 = arith.constant 0 : i32
      %dma_wait3A_208 = tpu.memref_slice %dma_wait3A_205[%dma_wait3A_206, %dma_wait3A_207] : memref<10000x64xf32, #tpu.memory_space<hbm>> -> memref<10000x64xf32, #tpu.memory_space<hbm>>
      tpu.wait_indirect_dma semaphore(%arg10 : memref<!tpu.dma_semaphore, #tpu.memory_space<semaphore_mem>>) src(%dma_wait3A_208 : memref<10000x64xf32, #tpu.memory_space<hbm>>) dst(%dma_wait3A_200 : memref<128x64xf32, #tpu.memory_space<vmem>>)
      %mul3A_209 = arith.constant 128 : i32
      %mul3A_210 = arith.muli %scan3A_193, %mul3A_209 : i32
      %dma_start3A_211 = arith.constant 0 : i32
      %dma_start3A_212 = arith.constant 0 : i32
      %dma_start3A_213 = tpu.memref_slice %arg8[%rem3A_194, %dma_start3A_211, %dma_start3A_212] : memref<6x128x64xf32, #tpu.memory_space<vmem>> -> memref<1x128x64xf32, #tpu.memory_space<vmem>>
      %dma_start3A_214 = tpu.memref_squeeze %dma_start3A_213 : memref<1x128x64xf32, #tpu.memory_space<vmem>> -> memref<128x64xf32, #tpu.memory_space<vmem>>
      %dma_start3A_215 = tpu.memref_slice %arg7[%mul3A_210] : memref<20000xi32, #tpu.memory_space<vmem>> -> memref<128xi32, #tpu.memory_space<vmem>>
      %dma_start3A_216 = arith.constant 0 : i32
      %dma_start3A_217 = arith.constant 0 : i32
      %dma_start3A_218 = tpu.memref_slice %arg9[%dma_start3A_216, %dma_start3A_217] : memref<10112x64xf32, #tpu.memory_space<vmem_shared>> -> memref<10112x64xf32, #tpu.memory_space<vmem_shared>>
      tpu.enqueue_indirect_dma source(%dma_start3A_214 : memref<128x64xf32, #tpu.memory_space<vmem>>) target(%dma_start3A_218 : memref<10112x64xf32, #tpu.memory_space<vmem_shared>>) offsets(%dma_start3A_215 : memref<128xi32, #tpu.memory_space<vmem>>) semaphore(%arg11 : memref<!tpu.dma_semaphore, #tpu.memory_space<semaphore_mem>>) {add = true}
      %add3A = arith.constant 5 : i32
      %add3A_219 = arith.addi %scan3A_193, %add3A : i32
      %ge3A = arith.constant 1 : i32
      %ge3A_220 = arith.cmpi sge, %scan3A_193, %ge3A : i32
      %lt3A_221 = arith.constant 156 : i32
      %lt3A_222 = arith.cmpi slt, %add3A_219, %lt3A_221 : i32
      %and3A = arith.andi %ge3A_220, %lt3A_222 : i1
      %convert_element_type3A_223 = arith.extui %and3A : i1 to i32
      %cond3A_224 = arith.constant 0 : i32
      %cond3A_225 = arith.cmpi ne, %convert_element_type3A_223, %cond3A_224 : i32
      scf.if %cond3A_225 {
        %rem3A_226 = arith.constant 6 : i32
        %rem3A_227 = arith.remsi %add3A_219, %rem3A_226 : i32
        %dma_wait3A_228 = arith.constant 0 : i32
        %dma_wait3A_229 = arith.constant 0 : i32
        %dma_wait3A_230 = tpu.memref_slice %arg8[%rem3A_227, %dma_wait3A_228, %dma_wait3A_229] : memref<6x128x64xf32, #tpu.memory_space<vmem>> -> memref<1x128x64xf32, #tpu.memory_space<vmem>>
        %dma_wait3A_231 = tpu.memref_squeeze %dma_wait3A_230 : memref<1x128x64xf32, #tpu.memory_space<vmem>> -> memref<128x64xf32, #tpu.memory_space<vmem>>
        %dma_wait3A_232 = arith.constant 0 : i32
        %dma_wait3A_233 = tpu.memref_slice %arg7[%dma_wait3A_232] : memref<20000xi32, #tpu.memory_space<vmem>> -> memref<128xi32, #tpu.memory_space<vmem>>
        %dma_wait3A_234 = arith.constant 0 : i32
        %dma_wait3A_235 = arith.constant 0 : i32
        %dma_wait3A_236 = tpu.memref_slice %arg9[%dma_wait3A_234, %dma_wait3A_235] : memref<10112x64xf32, #tpu.memory_space<vmem_shared>> -> memref<10112x64xf32, #tpu.memory_space<vmem_shared>>
        tpu.wait_indirect_dma semaphore(%arg11 : memref<!tpu.dma_semaphore, #tpu.memory_space<semaphore_mem>>) src(%dma_wait3A_231 : memref<128x64xf32, #tpu.memory_space<vmem>>) dst(%dma_wait3A_236 : memref<10112x64xf32, #tpu.memory_space<vmem_shared>>)
        %mul3A_237 = arith.constant 128 : i32
        %mul3A_238 = arith.muli %add3A_219, %mul3A_237 : i32
        %dma_start3A_239 = arith.constant 0 : i32
        %dma_start3A_240 = arith.constant 0 : i32
        %dma_start3A_241 = tpu.memref_slice %arg8[%rem3A_227, %dma_start3A_239, %dma_start3A_240] : memref<6x128x64xf32, #tpu.memory_space<vmem>> -> memref<1x128x64xf32, #tpu.memory_space<vmem>>
        %dma_start3A_242 = tpu.memref_squeeze %dma_start3A_241 : memref<1x128x64xf32, #tpu.memory_space<vmem>> -> memref<128x64xf32, #tpu.memory_space<vmem>>
        %dma_start3A_243 = tpu.memref_slice %arg6[%mul3A_238] : memref<20000xi32, #tpu.memory_space<vmem>> -> memref<128xi32, #tpu.memory_space<vmem>>
        %dma_start3A_244 = arith.constant 0 : i32
        %dma_start3A_245 = arith.constant 0 : i32
        %dma_start3A_246 = tpu.memref_slice %arg3[%arg0, %dma_start3A_244, %dma_start3A_245] : memref<2x10000x64xf32, #tpu.memory_space<hbm>> -> memref<1x10000x64xf32, #tpu.memory_space<hbm>>
        %dma_start3A_247 = tpu.memref_squeeze %dma_start3A_246 : memref<1x10000x64xf32, #tpu.memory_space<hbm>> -> memref<10000x64xf32, #tpu.memory_space<hbm>>
        %dma_start3A_248 = arith.constant 0 : i32
        %dma_start3A_249 = arith.constant 0 : i32
        %dma_start3A_250 = tpu.memref_slice %dma_start3A_247[%dma_start3A_248, %dma_start3A_249] : memref<10000x64xf32, #tpu.memory_space<hbm>> -> memref<10000x64xf32, #tpu.memory_space<hbm>>
        tpu.enqueue_indirect_dma source(%dma_start3A_250 : memref<10000x64xf32, #tpu.memory_space<hbm>>) target(%dma_start3A_242 : memref<128x64xf32, #tpu.memory_space<vmem>>) offsets(%dma_start3A_243 : memref<128xi32, #tpu.memory_space<vmem>>) semaphore(%arg10 : memref<!tpu.dma_semaphore, #tpu.memory_space<semaphore_mem>>)
      } else {
      }
    }
    %scan3A_99 = arith.constant 156 : i32
    %dma_wait3A = arith.constant 0 : i32
    %dma_wait3A_100 = arith.constant 0 : i32
    %dma_wait3A_101 = arith.constant 0 : i32
    %dma_wait3A_102 = tpu.memref_slice %arg8[%dma_wait3A, %dma_wait3A_100, %dma_wait3A_101] : memref<6x128x64xf32, #tpu.memory_space<vmem>> -> memref<1x128x64xf32, #tpu.memory_space<vmem>>
    %dma_wait3A_103 = tpu.memref_squeeze %dma_wait3A_102 : memref<1x128x64xf32, #tpu.memory_space<vmem>> -> memref<128x64xf32, #tpu.memory_space<vmem>>
    %dma_wait3A_104 = arith.constant 0 : i32
    %dma_wait3A_105 = tpu.memref_slice %arg7[%dma_wait3A_104] : memref<20000xi32, #tpu.memory_space<vmem>> -> memref<128xi32, #tpu.memory_space<vmem>>
    %dma_wait3A_106 = arith.constant 0 : i32
    %dma_wait3A_107 = arith.constant 0 : i32
    %dma_wait3A_108 = tpu.memref_slice %arg9[%dma_wait3A_106, %dma_wait3A_107] : memref<10112x64xf32, #tpu.memory_space<vmem_shared>> -> memref<10112x64xf32, #tpu.memory_space<vmem_shared>>
    tpu.wait_indirect_dma semaphore(%arg11 : memref<!tpu.dma_semaphore, #tpu.memory_space<semaphore_mem>>) src(%dma_wait3A_103 : memref<128x64xf32, #tpu.memory_space<vmem>>) dst(%dma_wait3A_108 : memref<10112x64xf32, #tpu.memory_space<vmem_shared>>)
    %dma_wait3A_109 = arith.constant 0 : i32
    %dma_wait3A_110 = arith.constant 0 : i32
    %dma_wait3A_111 = arith.constant 0 : i32
    %dma_wait3A_112 = tpu.memref_slice %arg8[%dma_wait3A_109, %dma_wait3A_110, %dma_wait3A_111] : memref<6x128x64xf32, #tpu.memory_space<vmem>> -> memref<1x128x64xf32, #tpu.memory_space<vmem>>
    %dma_wait3A_113 = tpu.memref_squeeze %dma_wait3A_112 : memref<1x128x64xf32, #tpu.memory_space<vmem>> -> memref<128x64xf32, #tpu.memory_space<vmem>>
    %dma_wait3A_114 = arith.constant 0 : i32
    %dma_wait3A_115 = tpu.memref_slice %arg7[%dma_wait3A_114] : memref<20000xi32, #tpu.memory_space<vmem>> -> memref<128xi32, #tpu.memory_space<vmem>>
    %dma_wait3A_116 = arith.constant 0 : i32
    %dma_wait3A_117 = arith.constant 0 : i32
    %dma_wait3A_118 = tpu.memref_slice %arg9[%dma_wait3A_116, %dma_wait3A_117] : memref<10112x64xf32, #tpu.memory_space<vmem_shared>> -> memref<10112x64xf32, #tpu.memory_space<vmem_shared>>
    tpu.wait_indirect_dma semaphore(%arg11 : memref<!tpu.dma_semaphore, #tpu.memory_space<semaphore_mem>>) src(%dma_wait3A_113 : memref<128x64xf32, #tpu.memory_space<vmem>>) dst(%dma_wait3A_118 : memref<10112x64xf32, #tpu.memory_space<vmem_shared>>)
    %dma_wait3A_119 = arith.constant 0 : i32
    %dma_wait3A_120 = arith.constant 0 : i32
    %dma_wait3A_121 = arith.constant 0 : i32
    %dma_wait3A_122 = tpu.memref_slice %arg8[%dma_wait3A_119, %dma_wait3A_120, %dma_wait3A_121] : memref<6x128x64xf32, #tpu.memory_space<vmem>> -> memref<1x128x64xf32, #tpu.memory_space<vmem>>
    %dma_wait3A_123 = tpu.memref_squeeze %dma_wait3A_122 : memref<1x128x64xf32, #tpu.memory_space<vmem>> -> memref<128x64xf32, #tpu.memory_space<vmem>>
    %dma_wait3A_124 = arith.constant 0 : i32
    %dma_wait3A_125 = tpu.memref_slice %arg7[%dma_wait3A_124] : memref<20000xi32, #tpu.memory_space<vmem>> -> memref<128xi32, #tpu.memory_space<vmem>>
    %dma_wait3A_126 = arith.constant 0 : i32
    %dma_wait3A_127 = arith.constant 0 : i32
    %dma_wait3A_128 = tpu.memref_slice %arg9[%dma_wait3A_126, %dma_wait3A_127] : memref<10112x64xf32, #tpu.memory_space<vmem_shared>> -> memref<10112x64xf32, #tpu.memory_space<vmem_shared>>
    tpu.wait_indirect_dma semaphore(%arg11 : memref<!tpu.dma_semaphore, #tpu.memory_space<semaphore_mem>>) src(%dma_wait3A_123 : memref<128x64xf32, #tpu.memory_space<vmem>>) dst(%dma_wait3A_128 : memref<10112x64xf32, #tpu.memory_space<vmem_shared>>)
    %dma_wait3A_129 = arith.constant 0 : i32
    %dma_wait3A_130 = arith.constant 0 : i32
    %dma_wait3A_131 = arith.constant 0 : i32
    %dma_wait3A_132 = tpu.memref_slice %arg8[%dma_wait3A_129, %dma_wait3A_130, %dma_wait3A_131] : memref<6x128x64xf32, #tpu.memory_space<vmem>> -> memref<1x128x64xf32, #tpu.memory_space<vmem>>
    %dma_wait3A_133 = tpu.memref_squeeze %dma_wait3A_132 : memref<1x128x64xf32, #tpu.memory_space<vmem>> -> memref<128x64xf32, #tpu.memory_space<vmem>>
    %dma_wait3A_134 = arith.constant 0 : i32
    %dma_wait3A_135 = tpu.memref_slice %arg7[%dma_wait3A_134] : memref<20000xi32, #tpu.memory_space<vmem>> -> memref<128xi32, #tpu.memory_space<vmem>>
    %dma_wait3A_136 = arith.constant 0 : i32
    %dma_wait3A_137 = arith.constant 0 : i32
    %dma_wait3A_138 = tpu.memref_slice %arg9[%dma_wait3A_136, %dma_wait3A_137] : memref<10112x64xf32, #tpu.memory_space<vmem_shared>> -> memref<10112x64xf32, #tpu.memory_space<vmem_shared>>
    tpu.wait_indirect_dma semaphore(%arg11 : memref<!tpu.dma_semaphore, #tpu.memory_space<semaphore_mem>>) src(%dma_wait3A_133 : memref<128x64xf32, #tpu.memory_space<vmem>>) dst(%dma_wait3A_138 : memref<10112x64xf32, #tpu.memory_space<vmem_shared>>)
    %dma_wait3A_139 = arith.constant 0 : i32
    %dma_wait3A_140 = arith.constant 0 : i32
    %dma_wait3A_141 = arith.constant 0 : i32
    %dma_wait3A_142 = tpu.memref_slice %arg8[%dma_wait3A_139, %dma_wait3A_140, %dma_wait3A_141] : memref<6x128x64xf32, #tpu.memory_space<vmem>> -> memref<1x128x64xf32, #tpu.memory_space<vmem>>
    %dma_wait3A_143 = tpu.memref_squeeze %dma_wait3A_142 : memref<1x128x64xf32, #tpu.memory_space<vmem>> -> memref<128x64xf32, #tpu.memory_space<vmem>>
    %dma_wait3A_144 = arith.constant 0 : i32
    %dma_wait3A_145 = tpu.memref_slice %arg7[%dma_wait3A_144] : memref<20000xi32, #tpu.memory_space<vmem>> -> memref<128xi32, #tpu.memory_space<vmem>>
    %dma_wait3A_146 = arith.constant 0 : i32
    %dma_wait3A_147 = arith.constant 0 : i32
    %dma_wait3A_148 = tpu.memref_slice %arg9[%dma_wait3A_146, %dma_wait3A_147] : memref<10112x64xf32, #tpu.memory_space<vmem_shared>> -> memref<10112x64xf32, #tpu.memory_space<vmem_shared>>
    tpu.wait_indirect_dma semaphore(%arg11 : memref<!tpu.dma_semaphore, #tpu.memory_space<semaphore_mem>>) src(%dma_wait3A_143 : memref<128x64xf32, #tpu.memory_space<vmem>>) dst(%dma_wait3A_148 : memref<10112x64xf32, #tpu.memory_space<vmem_shared>>)
    %dma_wait3A_149 = arith.constant 0 : i32
    %dma_wait3A_150 = arith.constant 0 : i32
    %dma_wait3A_151 = arith.constant 0 : i32
    %dma_wait3A_152 = tpu.memref_slice %arg8[%dma_wait3A_149, %dma_wait3A_150, %dma_wait3A_151] : memref<6x128x64xf32, #tpu.memory_space<vmem>> -> memref<1x128x64xf32, #tpu.memory_space<vmem>>
    %dma_wait3A_153 = tpu.memref_squeeze %dma_wait3A_152 : memref<1x128x64xf32, #tpu.memory_space<vmem>> -> memref<128x64xf32, #tpu.memory_space<vmem>>
    %dma_wait3A_154 = arith.constant 0 : i32
    %dma_wait3A_155 = tpu.memref_slice %arg7[%dma_wait3A_154] : memref<20000xi32, #tpu.memory_space<vmem>> -> memref<128xi32, #tpu.memory_space<vmem>>
    %dma_wait3A_156 = arith.constant 0 : i32
    %dma_wait3A_157 = arith.constant 0 : i32
    %dma_wait3A_158 = tpu.memref_slice %arg9[%dma_wait3A_156, %dma_wait3A_157] : memref<10112x64xf32, #tpu.memory_space<vmem_shared>> -> memref<10112x64xf32, #tpu.memory_space<vmem_shared>>
    tpu.wait_indirect_dma semaphore(%arg11 : memref<!tpu.dma_semaphore, #tpu.memory_space<semaphore_mem>>) src(%dma_wait3A_153 : memref<128x64xf32, #tpu.memory_space<vmem>>) dst(%dma_wait3A_158 : memref<10112x64xf32, #tpu.memory_space<vmem_shared>>)
    %dma_start3A_159 = arith.constant 0 : i32
    %dma_start3A_160 = arith.constant 0 : i32
    %dma_start3A_161 = arith.constant 0 : i32
    %dma_start3A_162 = tpu.memref_slice %arg8[%dma_start3A_159, %dma_start3A_160, %dma_start3A_161] : memref<6x128x64xf32, #tpu.memory_space<vmem>> -> memref<1x32x64xf32, #tpu.memory_space<vmem>>
    %dma_start3A_163 = tpu.memref_squeeze %dma_start3A_162 : memref<1x32x64xf32, #tpu.memory_space<vmem>> -> memref<32x64xf32, #tpu.memory_space<vmem>>
    %dma_start3A_164 = arith.constant 19968 : i32
    %dma_start3A_165 = tpu.memref_slice %arg6[%dma_start3A_164] : memref<20000xi32, #tpu.memory_space<vmem>> -> memref<32xi32, #tpu.memory_space<vmem>>
    %dma_start3A_166 = arith.constant 0 : i32
    %dma_start3A_167 = arith.constant 0 : i32
    %dma_start3A_168 = tpu.memref_slice %arg3[%arg0, %dma_start3A_166, %dma_start3A_167] : memref<2x10000x64xf32, #tpu.memory_space<hbm>> -> memref<1x10000x64xf32, #tpu.memory_space<hbm>>
    %dma_start3A_169 = tpu.memref_squeeze %dma_start3A_168 : memref<1x10000x64xf32, #tpu.memory_space<hbm>> -> memref<10000x64xf32, #tpu.memory_space<hbm>>
    %dma_start3A_170 = arith.constant 0 : i32
    %dma_start3A_171 = arith.constant 0 : i32
    %dma_start3A_172 = tpu.memref_slice %dma_start3A_169[%dma_start3A_170, %dma_start3A_171] : memref<10000x64xf32, #tpu.memory_space<hbm>> -> memref<10000x64xf32, #tpu.memory_space<hbm>>
    tpu.enqueue_indirect_dma source(%dma_start3A_172 : memref<10000x64xf32, #tpu.memory_space<hbm>>) target(%dma_start3A_163 : memref<32x64xf32, #tpu.memory_space<vmem>>) offsets(%dma_start3A_165 : memref<32xi32, #tpu.memory_space<vmem>>) semaphore(%arg10 : memref<!tpu.dma_semaphore, #tpu.memory_space<semaphore_mem>>)
    %dma_wait3A_173 = arith.constant 0 : i32
    %dma_wait3A_174 = arith.constant 0 : i32
    %dma_wait3A_175 = arith.constant 0 : i32
    %dma_wait3A_176 = tpu.memref_slice %arg8[%dma_wait3A_173, %dma_wait3A_174, %dma_wait3A_175] : memref<6x128x64xf32, #tpu.memory_space<vmem>> -> memref<1x32x64xf32, #tpu.memory_space<vmem>>
    %dma_wait3A_177 = tpu.memref_squeeze %dma_wait3A_176 : memref<1x32x64xf32, #tpu.memory_space<vmem>> -> memref<32x64xf32, #tpu.memory_space<vmem>>
    %dma_wait3A_178 = arith.constant 19968 : i32
    %dma_wait3A_179 = tpu.memref_slice %arg6[%dma_wait3A_178] : memref<20000xi32, #tpu.memory_space<vmem>> -> memref<32xi32, #tpu.memory_space<vmem>>
    %dma_wait3A_180 = arith.constant 0 : i32
    %dma_wait3A_181 = arith.constant 0 : i32
    %dma_wait3A_182 = tpu.memref_slice %arg3[%arg0, %dma_wait3A_180, %dma_wait3A_181] : memref<2x10000x64xf32, #tpu.memory_space<hbm>> -> memref<1x10000x64xf32, #tpu.memory_space<hbm>>
    %dma_wait3A_183 = tpu.memref_squeeze %dma_wait3A_182 : memref<1x10000x64xf32, #tpu.memory_space<hbm>> -> memref<10000x64xf32, #tpu.memory_space<hbm>>
    %dma_wait3A_184 = arith.constant 0 : i32
    %dma_wait3A_185 = arith.constant 0 : i32
    %dma_wait3A_186 = tpu.memref_slice %dma_wait3A_183[%dma_wait3A_184, %dma_wait3A_185] : memref<10000x64xf32, #tpu.memory_space<hbm>> -> memref<10000x64xf32, #tpu.memory_space<hbm>>
    tpu.wait_indirect_dma semaphore(%arg10 : memref<!tpu.dma_semaphore, #tpu.memory_space<semaphore_mem>>) src(%dma_wait3A_186 : memref<10000x64xf32, #tpu.memory_space<hbm>>) dst(%dma_wait3A_177 : memref<32x64xf32, #tpu.memory_space<vmem>>)
    %run_scoped3A_187 = arith.constant 0 : i32
    "tpu.region"() ({
      %run_scoped3A_193 = tpu.sem_alloc : memref<!tpu.dma_semaphore, #tpu.memory_space<semaphore_mem>>
      %dma_start3A_194 = arith.constant 0 : i32
      %dma_start3A_195 = arith.constant 0 : i32
      %dma_start3A_196 = tpu.memref_slice %arg8[%run_scoped3A_187, %dma_start3A_194, %dma_start3A_195] : memref<6x128x64xf32, #tpu.memory_space<vmem>> -> memref<1x32x64xf32, #tpu.memory_space<vmem>>
      %dma_start3A_197 = tpu.memref_squeeze %dma_start3A_196 : memref<1x32x64xf32, #tpu.memory_space<vmem>> -> memref<32x64xf32, #tpu.memory_space<vmem>>
      %dma_start3A_198 = arith.constant 19968 : i32
      %dma_start3A_199 = tpu.memref_slice %arg7[%dma_start3A_198] : memref<20000xi32, #tpu.memory_space<vmem>> -> memref<32xi32, #tpu.memory_space<vmem>>
      %dma_start3A_200 = arith.constant 0 : i32
      %dma_start3A_201 = arith.constant 0 : i32
      %dma_start3A_202 = tpu.memref_slice %arg9[%dma_start3A_200, %dma_start3A_201] : memref<10112x64xf32, #tpu.memory_space<vmem_shared>> -> memref<10112x64xf32, #tpu.memory_space<vmem_shared>>
      tpu.enqueue_indirect_dma source(%dma_start3A_197 : memref<32x64xf32, #tpu.memory_space<vmem>>) target(%dma_start3A_202 : memref<10112x64xf32, #tpu.memory_space<vmem_shared>>) offsets(%dma_start3A_199 : memref<32xi32, #tpu.memory_space<vmem>>) semaphore(%run_scoped3A_193 : memref<!tpu.dma_semaphore, #tpu.memory_space<semaphore_mem>>) {add = true}
      %dma_wait3A_203 = arith.constant 0 : i32
      %dma_wait3A_204 = arith.constant 0 : i32
      %dma_wait3A_205 = tpu.memref_slice %arg8[%run_scoped3A_187, %dma_wait3A_203, %dma_wait3A_204] : memref<6x128x64xf32, #tpu.memory_space<vmem>> -> memref<1x32x64xf32, #tpu.memory_space<vmem>>
      %dma_wait3A_206 = tpu.memref_squeeze %dma_wait3A_205 : memref<1x32x64xf32, #tpu.memory_space<vmem>> -> memref<32x64xf32, #tpu.memory_space<vmem>>
      %dma_wait3A_207 = arith.constant 19968 : i32
      %dma_wait3A_208 = tpu.memref_slice %arg7[%dma_wait3A_207] : memref<20000xi32, #tpu.memory_space<vmem>> -> memref<32xi32, #tpu.memory_space<vmem>>
      %dma_wait3A_209 = arith.constant 0 : i32
      %dma_wait3A_210 = arith.constant 0 : i32
      %dma_wait3A_211 = tpu.memref_slice %arg9[%dma_wait3A_209, %dma_wait3A_210] : memref<10112x64xf32, #tpu.memory_space<vmem_shared>> -> memref<10112x64xf32, #tpu.memory_space<vmem_shared>>
      tpu.wait_indirect_dma semaphore(%run_scoped3A_193 : memref<!tpu.dma_semaphore, #tpu.memory_space<semaphore_mem>>) src(%dma_wait3A_206 : memref<32x64xf32, #tpu.memory_space<vmem>>) dst(%dma_wait3A_211 : memref<10112x64xf32, #tpu.memory_space<vmem_shared>>)
      tpu.yield
    }) : () -> ()
    %barrier3A_188 = arith.constant 0 : index
    tpu.barrier barrier_id(%barrier3A_188)
    %mul3A_189 = arith.constant 632 : i32
    %mul3A_190 = arith.muli %arg1, %mul3A_189 : i32
    %mul3A_191 = arith.constant 632 : i32
    %mul3A_192 = arith.muli %arg1, %mul3A_191 : i32
    "tpu.region"() ({
      %run_scoped3A_193 = tpu.sem_alloc : memref<!tpu.dma_semaphore, #tpu.memory_space<semaphore_mem>>
      %dma_start3A_194 = arith.constant 0 : i32
      %dma_start3A_195 = tpu.memref_slice %arg5[%arg0, %mul3A_192, %dma_start3A_194] : memref<2x10112x64xf32, #tpu.memory_space<hbm>> -> memref<1x632x64xf32, #tpu.memory_space<hbm>>
      %dma_start3A_196 = tpu.memref_squeeze %dma_start3A_195 : memref<1x632x64xf32, #tpu.memory_space<hbm>> -> memref<632x64xf32, #tpu.memory_space<hbm>>
      %dma_start3A_197 = arith.constant 0 : i32
      %dma_start3A_198 = tpu.memref_slice %arg9[%mul3A_190, %dma_start3A_197] : memref<10112x64xf32, #tpu.memory_space<vmem_shared>> -> memref<632x64xf32, #tpu.memory_space<vmem_shared>>
      tpu.enqueue_dma source(%dma_start3A_198 : memref<632x64xf32, #tpu.memory_space<vmem_shared>>) target(%dma_start3A_196 : memref<632x64xf32, #tpu.memory_space<hbm>>) target_semaphore(%run_scoped3A_193 : memref<!tpu.dma_semaphore, #tpu.memory_space<semaphore_mem>>)
      %dma_wait3A_199 = arith.constant 0 : i32
      %dma_wait3A_200 = tpu.memref_slice %arg5[%arg0, %mul3A_192, %dma_wait3A_199] : memref<2x10112x64xf32, #tpu.memory_space<hbm>> -> memref<1x632x64xf32, #tpu.memory_space<hbm>>
      %dma_wait3A_201 = tpu.memref_squeeze %dma_wait3A_200 : memref<1x632x64xf32, #tpu.memory_space<hbm>> -> memref<632x64xf32, #tpu.memory_space<hbm>>
      %dma_wait3A_202 = arith.constant 0 : i32
      %dma_wait3A_203 = tpu.memref_slice %arg9[%mul3A_190, %dma_wait3A_202] : memref<10112x64xf32, #tpu.memory_space<vmem_shared>> -> memref<632x64xf32, #tpu.memory_space<vmem_shared>>
      tpu.wait_dma2 semaphore(%run_scoped3A_193 : memref<!tpu.dma_semaphore, #tpu.memory_space<semaphore_mem>>) src(%dma_wait3A_203 : memref<632x64xf32, #tpu.memory_space<vmem_shared>>) dst(%dma_wait3A_201 : memref<632x64xf32, #tpu.memory_space<hbm>>)
      tpu.yield
    }) : () -> ()
    return
  }
}

#map = affine_map<(d0, d1) -> (0, 0)>
#map1 = affine_map<(d0, d1) -> (0, 0, 0)>
module attributes {stable_mosaic.version = 14 : i64} {
  func.func @deg_kernel(%arg0: i32, %arg1: i32, %arg2: memref<2x320000xi32, #tpu.memory_space<hbm>>, %arg3: memref<10112x16xf32, #tpu.memory_space<hbm>>, %arg4: memref<128x16xf32, #tpu.memory_space<hbm>>, %arg5: memref<2x10112x16xf32, #tpu.memory_space<hbm>>, %arg6: memref<10000xi32, #tpu.memory_space<vmem>>, %arg7: memref<128x16xf32, #tpu.memory_space<vmem>>, %arg8: memref<10112x16xf32, #tpu.memory_space<vmem_shared>>, %arg9: memref<!tpu.dma_semaphore, #tpu.memory_space<semaphore_mem>>) attributes {dimension_semantics = [#tpu.dimension_semantics<core_parallel>, #tpu.dimension_semantics<subcore_parallel>], iteration_bounds = array<i64: 2, 16>, scalar_prefetch = 0 : i64, scratch_operands = 4 : i64, tpu.core_type = #tpu.core_type<sc_vector_subcore>, window_params = [{transform_indices = #map}, {transform_indices = #map}, {transform_indices = #map}, {transform_indices = #map1}]} {
    %mul3A = arith.constant 16 : i32
    %mul3A_0 = arith.muli %arg0, %mul3A : i32
    %add3A = arith.addi %mul3A_0, %arg1 : i32
    %mul3A_1 = arith.constant 632 : i32
    %mul3A_2 = arith.muli %arg1, %mul3A_1 : i32
    %mul3A_3 = arith.constant 632 : i32
    %mul3A_4 = arith.muli %arg1, %mul3A_3 : i32
    "tpu.region"() ({
      %run_scoped3A_56 = tpu.sem_alloc : memref<!tpu.dma_semaphore, #tpu.memory_space<semaphore_mem>>
      %dma_start3A = arith.constant 0 : i32
      %dma_start3A_57 = tpu.memref_slice %arg8[%mul3A_4, %dma_start3A] : memref<10112x16xf32, #tpu.memory_space<vmem_shared>> -> memref<632x16xf32, #tpu.memory_space<vmem_shared>>
      %dma_start3A_58 = arith.constant 0 : i32
      %dma_start3A_59 = tpu.memref_slice %arg3[%mul3A_2, %dma_start3A_58] : memref<10112x16xf32, #tpu.memory_space<hbm>> -> memref<632x16xf32, #tpu.memory_space<hbm>>
      tpu.enqueue_dma source(%dma_start3A_59 : memref<632x16xf32, #tpu.memory_space<hbm>>) target(%dma_start3A_57 : memref<632x16xf32, #tpu.memory_space<vmem_shared>>) target_semaphore(%run_scoped3A_56 : memref<!tpu.dma_semaphore, #tpu.memory_space<semaphore_mem>>)
      %dma_wait3A_60 = arith.constant 0 : i32
      %dma_wait3A_61 = tpu.memref_slice %arg8[%mul3A_4, %dma_wait3A_60] : memref<10112x16xf32, #tpu.memory_space<vmem_shared>> -> memref<632x16xf32, #tpu.memory_space<vmem_shared>>
      %dma_wait3A_62 = arith.constant 0 : i32
      %dma_wait3A_63 = tpu.memref_slice %arg3[%mul3A_2, %dma_wait3A_62] : memref<10112x16xf32, #tpu.memory_space<hbm>> -> memref<632x16xf32, #tpu.memory_space<hbm>>
      tpu.wait_dma2 semaphore(%run_scoped3A_56 : memref<!tpu.dma_semaphore, #tpu.memory_space<semaphore_mem>>) src(%dma_wait3A_63 : memref<632x16xf32, #tpu.memory_space<hbm>>) dst(%dma_wait3A_61 : memref<632x16xf32, #tpu.memory_space<vmem_shared>>)
      tpu.yield
    }) : () -> ()
    %mul3A_5 = arith.constant 10000 : i32
    %mul3A_6 = arith.muli %add3A, %mul3A_5 : i32
    %run_scoped3A = arith.constant 1 : i32
    "tpu.region"() ({
      %run_scoped3A_56 = tpu.sem_alloc : memref<!tpu.dma_semaphore, #tpu.memory_space<semaphore_mem>>
      %dma_start3A = tpu.memref_slice %arg2[%run_scoped3A, %mul3A_6] : memref<2x320000xi32, #tpu.memory_space<hbm>> -> memref<1x10000xi32, #tpu.memory_space<hbm>>
      %dma_start3A_57 = tpu.memref_squeeze %dma_start3A : memref<1x10000xi32, #tpu.memory_space<hbm>> -> memref<10000xi32, #tpu.memory_space<hbm>>
      %dma_start3A_58 = tpu.memref_slice %arg2[%run_scoped3A, %mul3A_6] : memref<2x320000xi32, #tpu.memory_space<hbm>> -> memref<1x10000xi32, #tpu.memory_space<hbm>>
      %dma_start3A_59 = tpu.memref_squeeze %dma_start3A_58 : memref<1x10000xi32, #tpu.memory_space<hbm>> -> memref<10000xi32, #tpu.memory_space<hbm>>
      tpu.enqueue_dma source(%dma_start3A_59 : memref<10000xi32, #tpu.memory_space<hbm>>) target(%arg6 : memref<10000xi32, #tpu.memory_space<vmem>>) target_semaphore(%run_scoped3A_56 : memref<!tpu.dma_semaphore, #tpu.memory_space<semaphore_mem>>)
      %dma_wait3A_60 = tpu.memref_slice %arg2[%run_scoped3A, %mul3A_6] : memref<2x320000xi32, #tpu.memory_space<hbm>> -> memref<1x10000xi32, #tpu.memory_space<hbm>>
      %dma_wait3A_61 = tpu.memref_squeeze %dma_wait3A_60 : memref<1x10000xi32, #tpu.memory_space<hbm>> -> memref<10000xi32, #tpu.memory_space<hbm>>
      %dma_wait3A_62 = tpu.memref_slice %arg2[%run_scoped3A, %mul3A_6] : memref<2x320000xi32, #tpu.memory_space<hbm>> -> memref<1x10000xi32, #tpu.memory_space<hbm>>
      %dma_wait3A_63 = tpu.memref_squeeze %dma_wait3A_62 : memref<1x10000xi32, #tpu.memory_space<hbm>> -> memref<10000xi32, #tpu.memory_space<hbm>>
      tpu.wait_dma2 semaphore(%run_scoped3A_56 : memref<!tpu.dma_semaphore, #tpu.memory_space<semaphore_mem>>) src(%dma_wait3A_63 : memref<10000xi32, #tpu.memory_space<hbm>>) dst(%arg6 : memref<10000xi32, #tpu.memory_space<vmem>>)
      tpu.yield
    }) : () -> ()
    "tpu.region"() ({
      %run_scoped3A_56 = tpu.sem_alloc : memref<!tpu.dma_semaphore, #tpu.memory_space<semaphore_mem>>
      tpu.enqueue_dma source(%arg4 : memref<128x16xf32, #tpu.memory_space<hbm>>) target(%arg7 : memref<128x16xf32, #tpu.memory_space<vmem>>) target_semaphore(%run_scoped3A_56 : memref<!tpu.dma_semaphore, #tpu.memory_space<semaphore_mem>>)
      tpu.wait_dma2 semaphore(%run_scoped3A_56 : memref<!tpu.dma_semaphore, #tpu.memory_space<semaphore_mem>>) src(%arg4 : memref<128x16xf32, #tpu.memory_space<hbm>>) dst(%arg7 : memref<128x16xf32, #tpu.memory_space<vmem>>)
      tpu.yield
    }) : () -> ()
    %barrier3A = arith.constant 0 : index
    tpu.barrier barrier_id(%barrier3A)
    %scan3A = arith.constant 0 : i32
    %scan3A_7 = arith.constant 0 : i32
    %scan3A_8 = arith.constant 78 : i32
    %scan3A_9 = arith.addi %scan3A_7, %scan3A_8 : i32
    %scan3A_10 = arith.constant 1 : i32
    scf.for %scan3A_56 = %scan3A_7 to %scan3A_9 step %scan3A_10  : i32 {
      %mul3A_57 = arith.constant 128 : i32
      %mul3A_58 = arith.muli %scan3A_56, %mul3A_57 : i32
      %dma_start3A = tpu.memref_slice %arg6[%mul3A_58] : memref<10000xi32, #tpu.memory_space<vmem>> -> memref<128xi32, #tpu.memory_space<vmem>>
      %dma_start3A_59 = arith.constant 0 : i32
      %dma_start3A_60 = arith.constant 0 : i32
      %dma_start3A_61 = tpu.memref_slice %arg8[%dma_start3A_59, %dma_start3A_60] : memref<10112x16xf32, #tpu.memory_space<vmem_shared>> -> memref<10112x16xf32, #tpu.memory_space<vmem_shared>>
      tpu.enqueue_indirect_dma source(%arg7 : memref<128x16xf32, #tpu.memory_space<vmem>>) target(%dma_start3A_61 : memref<10112x16xf32, #tpu.memory_space<vmem_shared>>) offsets(%dma_start3A : memref<128xi32, #tpu.memory_space<vmem>>) semaphore(%arg9 : memref<!tpu.dma_semaphore, #tpu.memory_space<semaphore_mem>>) {add = true}
      %ge3A = arith.constant 8 : i32
      %ge3A_62 = arith.cmpi sge, %scan3A_56, %ge3A : i32
      %convert_element_type3A = arith.extui %ge3A_62 : i1 to i32
      %cond3A = arith.constant 0 : i32
      %cond3A_63 = arith.cmpi ne, %convert_element_type3A, %cond3A : i32
      scf.if %cond3A_63 {
        %dma_wait3A_64 = arith.constant 0 : i32
        %dma_wait3A_65 = tpu.memref_slice %arg6[%dma_wait3A_64] : memref<10000xi32, #tpu.memory_space<vmem>> -> memref<128xi32, #tpu.memory_space<vmem>>
        %dma_wait3A_66 = arith.constant 0 : i32
        %dma_wait3A_67 = arith.constant 0 : i32
        %dma_wait3A_68 = tpu.memref_slice %arg8[%dma_wait3A_66, %dma_wait3A_67] : memref<10112x16xf32, #tpu.memory_space<vmem_shared>> -> memref<10112x16xf32, #tpu.memory_space<vmem_shared>>
        tpu.wait_indirect_dma semaphore(%arg9 : memref<!tpu.dma_semaphore, #tpu.memory_space<semaphore_mem>>) src(%arg7 : memref<128x16xf32, #tpu.memory_space<vmem>>) dst(%dma_wait3A_68 : memref<10112x16xf32, #tpu.memory_space<vmem_shared>>)
      } else {
      }
    }
    %scan3A_11 = arith.constant 78 : i32
    %dma_wait3A = arith.constant 0 : i32
    %dma_wait3A_12 = tpu.memref_slice %arg6[%dma_wait3A] : memref<10000xi32, #tpu.memory_space<vmem>> -> memref<128xi32, #tpu.memory_space<vmem>>
    %dma_wait3A_13 = arith.constant 0 : i32
    %dma_wait3A_14 = arith.constant 0 : i32
    %dma_wait3A_15 = tpu.memref_slice %arg8[%dma_wait3A_13, %dma_wait3A_14] : memref<10112x16xf32, #tpu.memory_space<vmem_shared>> -> memref<10112x16xf32, #tpu.memory_space<vmem_shared>>
    tpu.wait_indirect_dma semaphore(%arg9 : memref<!tpu.dma_semaphore, #tpu.memory_space<semaphore_mem>>) src(%arg7 : memref<128x16xf32, #tpu.memory_space<vmem>>) dst(%dma_wait3A_15 : memref<10112x16xf32, #tpu.memory_space<vmem_shared>>)
    %dma_wait3A_16 = arith.constant 0 : i32
    %dma_wait3A_17 = tpu.memref_slice %arg6[%dma_wait3A_16] : memref<10000xi32, #tpu.memory_space<vmem>> -> memref<128xi32, #tpu.memory_space<vmem>>
    %dma_wait3A_18 = arith.constant 0 : i32
    %dma_wait3A_19 = arith.constant 0 : i32
    %dma_wait3A_20 = tpu.memref_slice %arg8[%dma_wait3A_18, %dma_wait3A_19] : memref<10112x16xf32, #tpu.memory_space<vmem_shared>> -> memref<10112x16xf32, #tpu.memory_space<vmem_shared>>
    tpu.wait_indirect_dma semaphore(%arg9 : memref<!tpu.dma_semaphore, #tpu.memory_space<semaphore_mem>>) src(%arg7 : memref<128x16xf32, #tpu.memory_space<vmem>>) dst(%dma_wait3A_20 : memref<10112x16xf32, #tpu.memory_space<vmem_shared>>)
    %dma_wait3A_21 = arith.constant 0 : i32
    %dma_wait3A_22 = tpu.memref_slice %arg6[%dma_wait3A_21] : memref<10000xi32, #tpu.memory_space<vmem>> -> memref<128xi32, #tpu.memory_space<vmem>>
    %dma_wait3A_23 = arith.constant 0 : i32
    %dma_wait3A_24 = arith.constant 0 : i32
    %dma_wait3A_25 = tpu.memref_slice %arg8[%dma_wait3A_23, %dma_wait3A_24] : memref<10112x16xf32, #tpu.memory_space<vmem_shared>> -> memref<10112x16xf32, #tpu.memory_space<vmem_shared>>
    tpu.wait_indirect_dma semaphore(%arg9 : memref<!tpu.dma_semaphore, #tpu.memory_space<semaphore_mem>>) src(%arg7 : memref<128x16xf32, #tpu.memory_space<vmem>>) dst(%dma_wait3A_25 : memref<10112x16xf32, #tpu.memory_space<vmem_shared>>)
    %dma_wait3A_26 = arith.constant 0 : i32
    %dma_wait3A_27 = tpu.memref_slice %arg6[%dma_wait3A_26] : memref<10000xi32, #tpu.memory_space<vmem>> -> memref<128xi32, #tpu.memory_space<vmem>>
    %dma_wait3A_28 = arith.constant 0 : i32
    %dma_wait3A_29 = arith.constant 0 : i32
    %dma_wait3A_30 = tpu.memref_slice %arg8[%dma_wait3A_28, %dma_wait3A_29] : memref<10112x16xf32, #tpu.memory_space<vmem_shared>> -> memref<10112x16xf32, #tpu.memory_space<vmem_shared>>
    tpu.wait_indirect_dma semaphore(%arg9 : memref<!tpu.dma_semaphore, #tpu.memory_space<semaphore_mem>>) src(%arg7 : memref<128x16xf32, #tpu.memory_space<vmem>>) dst(%dma_wait3A_30 : memref<10112x16xf32, #tpu.memory_space<vmem_shared>>)
    %dma_wait3A_31 = arith.constant 0 : i32
    %dma_wait3A_32 = tpu.memref_slice %arg6[%dma_wait3A_31] : memref<10000xi32, #tpu.memory_space<vmem>> -> memref<128xi32, #tpu.memory_space<vmem>>
    %dma_wait3A_33 = arith.constant 0 : i32
    %dma_wait3A_34 = arith.constant 0 : i32
    %dma_wait3A_35 = tpu.memref_slice %arg8[%dma_wait3A_33, %dma_wait3A_34] : memref<10112x16xf32, #tpu.memory_space<vmem_shared>> -> memref<10112x16xf32, #tpu.memory_space<vmem_shared>>
    tpu.wait_indirect_dma semaphore(%arg9 : memref<!tpu.dma_semaphore, #tpu.memory_space<semaphore_mem>>) src(%arg7 : memref<128x16xf32, #tpu.memory_space<vmem>>) dst(%dma_wait3A_35 : memref<10112x16xf32, #tpu.memory_space<vmem_shared>>)
    %dma_wait3A_36 = arith.constant 0 : i32
    %dma_wait3A_37 = tpu.memref_slice %arg6[%dma_wait3A_36] : memref<10000xi32, #tpu.memory_space<vmem>> -> memref<128xi32, #tpu.memory_space<vmem>>
    %dma_wait3A_38 = arith.constant 0 : i32
    %dma_wait3A_39 = arith.constant 0 : i32
    %dma_wait3A_40 = tpu.memref_slice %arg8[%dma_wait3A_38, %dma_wait3A_39] : memref<10112x16xf32, #tpu.memory_space<vmem_shared>> -> memref<10112x16xf32, #tpu.memory_space<vmem_shared>>
    tpu.wait_indirect_dma semaphore(%arg9 : memref<!tpu.dma_semaphore, #tpu.memory_space<semaphore_mem>>) src(%arg7 : memref<128x16xf32, #tpu.memory_space<vmem>>) dst(%dma_wait3A_40 : memref<10112x16xf32, #tpu.memory_space<vmem_shared>>)
    %dma_wait3A_41 = arith.constant 0 : i32
    %dma_wait3A_42 = tpu.memref_slice %arg6[%dma_wait3A_41] : memref<10000xi32, #tpu.memory_space<vmem>> -> memref<128xi32, #tpu.memory_space<vmem>>
    %dma_wait3A_43 = arith.constant 0 : i32
    %dma_wait3A_44 = arith.constant 0 : i32
    %dma_wait3A_45 = tpu.memref_slice %arg8[%dma_wait3A_43, %dma_wait3A_44] : memref<10112x16xf32, #tpu.memory_space<vmem_shared>> -> memref<10112x16xf32, #tpu.memory_space<vmem_shared>>
    tpu.wait_indirect_dma semaphore(%arg9 : memref<!tpu.dma_semaphore, #tpu.memory_space<semaphore_mem>>) src(%arg7 : memref<128x16xf32, #tpu.memory_space<vmem>>) dst(%dma_wait3A_45 : memref<10112x16xf32, #tpu.memory_space<vmem_shared>>)
    %dma_wait3A_46 = arith.constant 0 : i32
    %dma_wait3A_47 = tpu.memref_slice %arg6[%dma_wait3A_46] : memref<10000xi32, #tpu.memory_space<vmem>> -> memref<128xi32, #tpu.memory_space<vmem>>
    %dma_wait3A_48 = arith.constant 0 : i32
    %dma_wait3A_49 = arith.constant 0 : i32
    %dma_wait3A_50 = tpu.memref_slice %arg8[%dma_wait3A_48, %dma_wait3A_49] : memref<10112x16xf32, #tpu.memory_space<vmem_shared>> -> memref<10112x16xf32, #tpu.memory_space<vmem_shared>>
    tpu.wait_indirect_dma semaphore(%arg9 : memref<!tpu.dma_semaphore, #tpu.memory_space<semaphore_mem>>) src(%arg7 : memref<128x16xf32, #tpu.memory_space<vmem>>) dst(%dma_wait3A_50 : memref<10112x16xf32, #tpu.memory_space<vmem_shared>>)
    "tpu.region"() ({
      %run_scoped3A_56 = tpu.sem_alloc : memref<!tpu.dma_semaphore, #tpu.memory_space<semaphore_mem>>
      %dma_start3A = arith.constant 0 : i32
      %dma_start3A_57 = arith.constant 0 : i32
      %dma_start3A_58 = tpu.memref_slice %arg7[%dma_start3A, %dma_start3A_57] : memref<128x16xf32, #tpu.memory_space<vmem>> -> memref<16x16xf32, #tpu.memory_space<vmem>>
      %dma_start3A_59 = arith.constant 9984 : i32
      %dma_start3A_60 = tpu.memref_slice %arg6[%dma_start3A_59] : memref<10000xi32, #tpu.memory_space<vmem>> -> memref<16xi32, #tpu.memory_space<vmem>>
      %dma_start3A_61 = arith.constant 0 : i32
      %dma_start3A_62 = arith.constant 0 : i32
      %dma_start3A_63 = tpu.memref_slice %arg8[%dma_start3A_61, %dma_start3A_62] : memref<10112x16xf32, #tpu.memory_space<vmem_shared>> -> memref<10112x16xf32, #tpu.memory_space<vmem_shared>>
      tpu.enqueue_indirect_dma source(%dma_start3A_58 : memref<16x16xf32, #tpu.memory_space<vmem>>) target(%dma_start3A_63 : memref<10112x16xf32, #tpu.memory_space<vmem_shared>>) offsets(%dma_start3A_60 : memref<16xi32, #tpu.memory_space<vmem>>) semaphore(%run_scoped3A_56 : memref<!tpu.dma_semaphore, #tpu.memory_space<semaphore_mem>>) {add = true}
      %dma_wait3A_64 = arith.constant 0 : i32
      %dma_wait3A_65 = arith.constant 0 : i32
      %dma_wait3A_66 = tpu.memref_slice %arg7[%dma_wait3A_64, %dma_wait3A_65] : memref<128x16xf32, #tpu.memory_space<vmem>> -> memref<16x16xf32, #tpu.memory_space<vmem>>
      %dma_wait3A_67 = arith.constant 9984 : i32
      %dma_wait3A_68 = tpu.memref_slice %arg6[%dma_wait3A_67] : memref<10000xi32, #tpu.memory_space<vmem>> -> memref<16xi32, #tpu.memory_space<vmem>>
      %dma_wait3A_69 = arith.constant 0 : i32
      %dma_wait3A_70 = arith.constant 0 : i32
      %dma_wait3A_71 = tpu.memref_slice %arg8[%dma_wait3A_69, %dma_wait3A_70] : memref<10112x16xf32, #tpu.memory_space<vmem_shared>> -> memref<10112x16xf32, #tpu.memory_space<vmem_shared>>
      tpu.wait_indirect_dma semaphore(%run_scoped3A_56 : memref<!tpu.dma_semaphore, #tpu.memory_space<semaphore_mem>>) src(%dma_wait3A_66 : memref<16x16xf32, #tpu.memory_space<vmem>>) dst(%dma_wait3A_71 : memref<10112x16xf32, #tpu.memory_space<vmem_shared>>)
      tpu.yield
    }) : () -> ()
    %barrier3A_51 = arith.constant 0 : index
    tpu.barrier barrier_id(%barrier3A_51)
    %mul3A_52 = arith.constant 632 : i32
    %mul3A_53 = arith.muli %arg1, %mul3A_52 : i32
    %mul3A_54 = arith.constant 632 : i32
    %mul3A_55 = arith.muli %arg1, %mul3A_54 : i32
    "tpu.region"() ({
      %run_scoped3A_56 = tpu.sem_alloc : memref<!tpu.dma_semaphore, #tpu.memory_space<semaphore_mem>>
      %dma_start3A = arith.constant 0 : i32
      %dma_start3A_57 = tpu.memref_slice %arg5[%arg0, %mul3A_55, %dma_start3A] : memref<2x10112x16xf32, #tpu.memory_space<hbm>> -> memref<1x632x16xf32, #tpu.memory_space<hbm>>
      %dma_start3A_58 = tpu.memref_squeeze %dma_start3A_57 : memref<1x632x16xf32, #tpu.memory_space<hbm>> -> memref<632x16xf32, #tpu.memory_space<hbm>>
      %dma_start3A_59 = arith.constant 0 : i32
      %dma_start3A_60 = tpu.memref_slice %arg8[%mul3A_53, %dma_start3A_59] : memref<10112x16xf32, #tpu.memory_space<vmem_shared>> -> memref<632x16xf32, #tpu.memory_space<vmem_shared>>
      tpu.enqueue_dma source(%dma_start3A_60 : memref<632x16xf32, #tpu.memory_space<vmem_shared>>) target(%dma_start3A_58 : memref<632x16xf32, #tpu.memory_space<hbm>>) target_semaphore(%run_scoped3A_56 : memref<!tpu.dma_semaphore, #tpu.memory_space<semaphore_mem>>)
      %dma_wait3A_61 = arith.constant 0 : i32
      %dma_wait3A_62 = tpu.memref_slice %arg5[%arg0, %mul3A_55, %dma_wait3A_61] : memref<2x10112x16xf32, #tpu.memory_space<hbm>> -> memref<1x632x16xf32, #tpu.memory_space<hbm>>
      %dma_wait3A_63 = tpu.memref_squeeze %dma_wait3A_62 : memref<1x632x16xf32, #tpu.memory_space<hbm>> -> memref<632x16xf32, #tpu.memory_space<hbm>>
      %dma_wait3A_64 = arith.constant 0 : i32
      %dma_wait3A_65 = tpu.memref_slice %arg8[%mul3A_53, %dma_wait3A_64] : memref<10112x16xf32, #tpu.memory_space<vmem_shared>> -> memref<632x16xf32, #tpu.memory_space<vmem_shared>>
      tpu.wait_dma2 semaphore(%run_scoped3A_56 : memref<!tpu.dma_semaphore, #tpu.memory_space<semaphore_mem>>) src(%dma_wait3A_65 : memref<632x16xf32, #tpu.memory_space<vmem_shared>>) dst(%dma_wait3A_63 : memref<632x16xf32, #tpu.memory_space<hbm>>)
      tpu.yield
    }) : () -> ()
    return
  }
}

#map = affine_map<(d0, d1) -> (0, 0)>
#map1 = affine_map<(d0, d1) -> (0, 0, 0)>
module attributes {stable_mosaic.version = 14 : i64} {
  func.func @prop_kernel(%arg0: i32, %arg1: i32, %arg2: memref<2x320000xi32, #tpu.memory_space<hbm>>, %arg3: memref<2x10000x16xf32, #tpu.memory_space<hbm>>, %arg4: memref<632x16xf32, #tpu.memory_space<hbm>>, %arg5: memref<10000x16xf32, #tpu.memory_space<hbm>>, %arg6: memref<2x16xf32, #tpu.memory_space<hbm>>, %arg7: memref<2x10000x16xf32, #tpu.memory_space<hbm>>, %arg8: memref<20000xi32, #tpu.memory_space<vmem>>, %arg9: memref<20000xi32, #tpu.memory_space<vmem>>, %arg10: memref<12x128x16xf32, #tpu.memory_space<vmem>>, %arg11: memref<632x16xf32, #tpu.memory_space<vmem>>, %arg12: memref<632x16xf32, #tpu.memory_space<vmem>>, %arg13: memref<16xf32, #tpu.memory_space<vmem>>, %arg14: memref<10112x16xf32, #tpu.memory_space<vmem_shared>>, %arg15: memref<!tpu.dma_semaphore, #tpu.memory_space<semaphore_mem>>, %arg16: memref<!tpu.dma_semaphore, #tpu.memory_space<semaphore_mem>>) attributes {dimension_semantics = [#tpu.dimension_semantics<core_parallel>, #tpu.dimension_semantics<subcore_parallel>], iteration_bounds = array<i64: 2, 16>, scalar_prefetch = 0 : i64, scratch_operands = 9 : i64, tpu.core_type = #tpu.core_type<sc_vector_subcore>, window_params = [{transform_indices = #map}, {transform_indices = #map1}, {transform_indices = #map}, {transform_indices = #map}, {transform_indices = #map}, {transform_indices = #map1}]} {
    %mul3A = arith.constant 632 : i32
    %mul3A_0 = arith.muli %arg1, %mul3A : i32
    %lt3A = arith.constant 15 : i32
    %lt3A_1 = arith.cmpi slt, %arg1, %lt3A : i32
    %convert_element_type3A = arith.extui %lt3A_1 : i1 to i32
    %cond3A = arith.constant 0 : i32
    %cond3A_2 = arith.cmpi ne, %convert_element_type3A, %cond3A : i32
    scf.if %cond3A_2 {
      "tpu.region"() ({
        %run_scoped3A_347 = tpu.sem_alloc : memref<!tpu.dma_semaphore, #tpu.memory_space<semaphore_mem>>
        %dma_start3A_348 = arith.constant 0 : i32
        %dma_start3A_349 = tpu.memref_slice %arg14[%mul3A_0, %dma_start3A_348] : memref<10112x16xf32, #tpu.memory_space<vmem_shared>> -> memref<632x16xf32, #tpu.memory_space<vmem_shared>>
        %dma_start3A_350 = arith.constant 0 : i32
        %dma_start3A_351 = tpu.memref_slice %arg3[%arg0, %mul3A_0, %dma_start3A_350] : memref<2x10000x16xf32, #tpu.memory_space<hbm>> -> memref<1x632x16xf32, #tpu.memory_space<hbm>>
        %dma_start3A_352 = tpu.memref_squeeze %dma_start3A_351 : memref<1x632x16xf32, #tpu.memory_space<hbm>> -> memref<632x16xf32, #tpu.memory_space<hbm>>
        tpu.enqueue_dma source(%dma_start3A_352 : memref<632x16xf32, #tpu.memory_space<hbm>>) target(%dma_start3A_349 : memref<632x16xf32, #tpu.memory_space<vmem_shared>>) target_semaphore(%run_scoped3A_347 : memref<!tpu.dma_semaphore, #tpu.memory_space<semaphore_mem>>)
        %dma_wait3A_353 = arith.constant 0 : i32
        %dma_wait3A_354 = tpu.memref_slice %arg14[%mul3A_0, %dma_wait3A_353] : memref<10112x16xf32, #tpu.memory_space<vmem_shared>> -> memref<632x16xf32, #tpu.memory_space<vmem_shared>>
        %dma_wait3A_355 = arith.constant 0 : i32
        %dma_wait3A_356 = tpu.memref_slice %arg3[%arg0, %mul3A_0, %dma_wait3A_355] : memref<2x10000x16xf32, #tpu.memory_space<hbm>> -> memref<1x632x16xf32, #tpu.memory_space<hbm>>
        %dma_wait3A_357 = tpu.memref_squeeze %dma_wait3A_356 : memref<1x632x16xf32, #tpu.memory_space<hbm>> -> memref<632x16xf32, #tpu.memory_space<hbm>>
        tpu.wait_dma2 semaphore(%run_scoped3A_347 : memref<!tpu.dma_semaphore, #tpu.memory_space<semaphore_mem>>) src(%dma_wait3A_357 : memref<632x16xf32, #tpu.memory_space<hbm>>) dst(%dma_wait3A_354 : memref<632x16xf32, #tpu.memory_space<vmem_shared>>)
        tpu.yield
      }) : () -> ()
    } else {
    }
    %eq3A = arith.constant 15 : i32
    %eq3A_3 = arith.cmpi eq, %arg1, %eq3A : i32
    %convert_element_type3A_4 = arith.extui %eq3A_3 : i1 to i32
    %cond3A_5 = arith.constant 0 : i32
    %cond3A_6 = arith.cmpi ne, %convert_element_type3A_4, %cond3A_5 : i32
    scf.if %cond3A_6 {
      "tpu.region"() ({
        %run_scoped3A_348 = tpu.sem_alloc : memref<!tpu.dma_semaphore, #tpu.memory_space<semaphore_mem>>
        %dma_start3A_349 = arith.constant 0 : i32
        %dma_start3A_350 = tpu.memref_slice %arg14[%mul3A_0, %dma_start3A_349] : memref<10112x16xf32, #tpu.memory_space<vmem_shared>> -> memref<520x16xf32, #tpu.memory_space<vmem_shared>>
        %dma_start3A_351 = arith.constant 0 : i32
        %dma_start3A_352 = tpu.memref_slice %arg3[%arg0, %mul3A_0, %dma_start3A_351] : memref<2x10000x16xf32, #tpu.memory_space<hbm>> -> memref<1x520x16xf32, #tpu.memory_space<hbm>>
        %dma_start3A_353 = tpu.memref_squeeze %dma_start3A_352 : memref<1x520x16xf32, #tpu.memory_space<hbm>> -> memref<520x16xf32, #tpu.memory_space<hbm>>
        tpu.enqueue_dma source(%dma_start3A_353 : memref<520x16xf32, #tpu.memory_space<hbm>>) target(%dma_start3A_350 : memref<520x16xf32, #tpu.memory_space<vmem_shared>>) target_semaphore(%run_scoped3A_348 : memref<!tpu.dma_semaphore, #tpu.memory_space<semaphore_mem>>)
        %dma_wait3A_354 = arith.constant 0 : i32
        %dma_wait3A_355 = tpu.memref_slice %arg14[%mul3A_0, %dma_wait3A_354] : memref<10112x16xf32, #tpu.memory_space<vmem_shared>> -> memref<520x16xf32, #tpu.memory_space<vmem_shared>>
        %dma_wait3A_356 = arith.constant 0 : i32
        %dma_wait3A_357 = tpu.memref_slice %arg3[%arg0, %mul3A_0, %dma_wait3A_356] : memref<2x10000x16xf32, #tpu.memory_space<hbm>> -> memref<1x520x16xf32, #tpu.memory_space<hbm>>
        %dma_wait3A_358 = tpu.memref_squeeze %dma_wait3A_357 : memref<1x520x16xf32, #tpu.memory_space<hbm>> -> memref<520x16xf32, #tpu.memory_space<hbm>>
        tpu.wait_dma2 semaphore(%run_scoped3A_348 : memref<!tpu.dma_semaphore, #tpu.memory_space<semaphore_mem>>) src(%dma_wait3A_358 : memref<520x16xf32, #tpu.memory_space<hbm>>) dst(%dma_wait3A_355 : memref<520x16xf32, #tpu.memory_space<vmem_shared>>)
        tpu.yield
      }) : () -> ()
      %add3A = arith.constant 520 : i32
      %add3A_347 = arith.addi %mul3A_0, %add3A : i32
      "tpu.region"() ({
        %run_scoped3A_348 = tpu.sem_alloc : memref<!tpu.dma_semaphore, #tpu.memory_space<semaphore_mem>>
        %dma_start3A_349 = arith.constant 0 : i32
        %dma_start3A_350 = tpu.memref_slice %arg14[%add3A_347, %dma_start3A_349] : memref<10112x16xf32, #tpu.memory_space<vmem_shared>> -> memref<112x16xf32, #tpu.memory_space<vmem_shared>>
        %dma_start3A_351 = arith.constant 0 : i32
        %dma_start3A_352 = arith.constant 0 : i32
        %dma_start3A_353 = tpu.memref_slice %arg4[%dma_start3A_351, %dma_start3A_352] : memref<632x16xf32, #tpu.memory_space<hbm>> -> memref<112x16xf32, #tpu.memory_space<hbm>>
        tpu.enqueue_dma source(%dma_start3A_353 : memref<112x16xf32, #tpu.memory_space<hbm>>) target(%dma_start3A_350 : memref<112x16xf32, #tpu.memory_space<vmem_shared>>) target_semaphore(%run_scoped3A_348 : memref<!tpu.dma_semaphore, #tpu.memory_space<semaphore_mem>>)
        %dma_wait3A_354 = arith.constant 0 : i32
        %dma_wait3A_355 = tpu.memref_slice %arg14[%add3A_347, %dma_wait3A_354] : memref<10112x16xf32, #tpu.memory_space<vmem_shared>> -> memref<112x16xf32, #tpu.memory_space<vmem_shared>>
        %dma_wait3A_356 = arith.constant 0 : i32
        %dma_wait3A_357 = arith.constant 0 : i32
        %dma_wait3A_358 = tpu.memref_slice %arg4[%dma_wait3A_356, %dma_wait3A_357] : memref<632x16xf32, #tpu.memory_space<hbm>> -> memref<112x16xf32, #tpu.memory_space<hbm>>
        tpu.wait_dma2 semaphore(%run_scoped3A_348 : memref<!tpu.dma_semaphore, #tpu.memory_space<semaphore_mem>>) src(%dma_wait3A_358 : memref<112x16xf32, #tpu.memory_space<hbm>>) dst(%dma_wait3A_355 : memref<112x16xf32, #tpu.memory_space<vmem_shared>>)
        tpu.yield
      }) : () -> ()
    } else {
    }
    %mul3A_7 = arith.constant 20000 : i32
    %mul3A_8 = arith.muli %arg1, %mul3A_7 : i32
    %run_scoped3A = arith.constant 0 : i32
    "tpu.region"() ({
      %run_scoped3A_347 = tpu.sem_alloc : memref<!tpu.dma_semaphore, #tpu.memory_space<semaphore_mem>>
      %dma_start3A_348 = tpu.memref_slice %arg2[%run_scoped3A, %mul3A_8] : memref<2x320000xi32, #tpu.memory_space<hbm>> -> memref<1x20000xi32, #tpu.memory_space<hbm>>
      %dma_start3A_349 = tpu.memref_squeeze %dma_start3A_348 : memref<1x20000xi32, #tpu.memory_space<hbm>> -> memref<20000xi32, #tpu.memory_space<hbm>>
      %dma_start3A_350 = tpu.memref_slice %arg2[%run_scoped3A, %mul3A_8] : memref<2x320000xi32, #tpu.memory_space<hbm>> -> memref<1x20000xi32, #tpu.memory_space<hbm>>
      %dma_start3A_351 = tpu.memref_squeeze %dma_start3A_350 : memref<1x20000xi32, #tpu.memory_space<hbm>> -> memref<20000xi32, #tpu.memory_space<hbm>>
      tpu.enqueue_dma source(%dma_start3A_351 : memref<20000xi32, #tpu.memory_space<hbm>>) target(%arg8 : memref<20000xi32, #tpu.memory_space<vmem>>) target_semaphore(%run_scoped3A_347 : memref<!tpu.dma_semaphore, #tpu.memory_space<semaphore_mem>>)
      %dma_wait3A_352 = tpu.memref_slice %arg2[%run_scoped3A, %mul3A_8] : memref<2x320000xi32, #tpu.memory_space<hbm>> -> memref<1x20000xi32, #tpu.memory_space<hbm>>
      %dma_wait3A_353 = tpu.memref_squeeze %dma_wait3A_352 : memref<1x20000xi32, #tpu.memory_space<hbm>> -> memref<20000xi32, #tpu.memory_space<hbm>>
      %dma_wait3A_354 = tpu.memref_slice %arg2[%run_scoped3A, %mul3A_8] : memref<2x320000xi32, #tpu.memory_space<hbm>> -> memref<1x20000xi32, #tpu.memory_space<hbm>>
      %dma_wait3A_355 = tpu.memref_squeeze %dma_wait3A_354 : memref<1x20000xi32, #tpu.memory_space<hbm>> -> memref<20000xi32, #tpu.memory_space<hbm>>
      tpu.wait_dma2 semaphore(%run_scoped3A_347 : memref<!tpu.dma_semaphore, #tpu.memory_space<semaphore_mem>>) src(%dma_wait3A_355 : memref<20000xi32, #tpu.memory_space<hbm>>) dst(%arg8 : memref<20000xi32, #tpu.memory_space<vmem>>)
      tpu.yield
    }) : () -> ()
    %mul3A_9 = arith.constant 20000 : i32
    %mul3A_10 = arith.muli %arg1, %mul3A_9 : i32
    %run_scoped3A_11 = arith.constant 1 : i32
    "tpu.region"() ({
      %run_scoped3A_347 = tpu.sem_alloc : memref<!tpu.dma_semaphore, #tpu.memory_space<semaphore_mem>>
      %dma_start3A_348 = tpu.memref_slice %arg2[%run_scoped3A_11, %mul3A_10] : memref<2x320000xi32, #tpu.memory_space<hbm>> -> memref<1x20000xi32, #tpu.memory_space<hbm>>
      %dma_start3A_349 = tpu.memref_squeeze %dma_start3A_348 : memref<1x20000xi32, #tpu.memory_space<hbm>> -> memref<20000xi32, #tpu.memory_space<hbm>>
      %dma_start3A_350 = tpu.memref_slice %arg2[%run_scoped3A_11, %mul3A_10] : memref<2x320000xi32, #tpu.memory_space<hbm>> -> memref<1x20000xi32, #tpu.memory_space<hbm>>
      %dma_start3A_351 = tpu.memref_squeeze %dma_start3A_350 : memref<1x20000xi32, #tpu.memory_space<hbm>> -> memref<20000xi32, #tpu.memory_space<hbm>>
      tpu.enqueue_dma source(%dma_start3A_351 : memref<20000xi32, #tpu.memory_space<hbm>>) target(%arg9 : memref<20000xi32, #tpu.memory_space<vmem>>) target_semaphore(%run_scoped3A_347 : memref<!tpu.dma_semaphore, #tpu.memory_space<semaphore_mem>>)
      %dma_wait3A_352 = tpu.memref_slice %arg2[%run_scoped3A_11, %mul3A_10] : memref<2x320000xi32, #tpu.memory_space<hbm>> -> memref<1x20000xi32, #tpu.memory_space<hbm>>
      %dma_wait3A_353 = tpu.memref_squeeze %dma_wait3A_352 : memref<1x20000xi32, #tpu.memory_space<hbm>> -> memref<20000xi32, #tpu.memory_space<hbm>>
      %dma_wait3A_354 = tpu.memref_slice %arg2[%run_scoped3A_11, %mul3A_10] : memref<2x320000xi32, #tpu.memory_space<hbm>> -> memref<1x20000xi32, #tpu.memory_space<hbm>>
      %dma_wait3A_355 = tpu.memref_squeeze %dma_wait3A_354 : memref<1x20000xi32, #tpu.memory_space<hbm>> -> memref<20000xi32, #tpu.memory_space<hbm>>
      tpu.wait_dma2 semaphore(%run_scoped3A_347 : memref<!tpu.dma_semaphore, #tpu.memory_space<semaphore_mem>>) src(%dma_wait3A_355 : memref<20000xi32, #tpu.memory_space<hbm>>) dst(%arg9 : memref<20000xi32, #tpu.memory_space<vmem>>)
      tpu.yield
    }) : () -> ()
    "tpu.region"() ({
      %run_scoped3A_347 = tpu.sem_alloc : memref<!tpu.dma_semaphore, #tpu.memory_space<semaphore_mem>>
      %dma_start3A_348 = arith.constant 0 : i32
      %dma_start3A_349 = tpu.memref_slice %arg6[%arg0, %dma_start3A_348] : memref<2x16xf32, #tpu.memory_space<hbm>> -> memref<1x16xf32, #tpu.memory_space<hbm>>
      %dma_start3A_350 = tpu.memref_squeeze %dma_start3A_349 : memref<1x16xf32, #tpu.memory_space<hbm>> -> memref<16xf32, #tpu.memory_space<hbm>>
      %dma_start3A_351 = arith.constant 0 : i32
      %dma_start3A_352 = tpu.memref_slice %arg6[%arg0, %dma_start3A_351] : memref<2x16xf32, #tpu.memory_space<hbm>> -> memref<1x16xf32, #tpu.memory_space<hbm>>
      %dma_start3A_353 = tpu.memref_squeeze %dma_start3A_352 : memref<1x16xf32, #tpu.memory_space<hbm>> -> memref<16xf32, #tpu.memory_space<hbm>>
      tpu.enqueue_dma source(%dma_start3A_353 : memref<16xf32, #tpu.memory_space<hbm>>) target(%arg13 : memref<16xf32, #tpu.memory_space<vmem>>) target_semaphore(%run_scoped3A_347 : memref<!tpu.dma_semaphore, #tpu.memory_space<semaphore_mem>>)
      %dma_wait3A_354 = arith.constant 0 : i32
      %dma_wait3A_355 = tpu.memref_slice %arg6[%arg0, %dma_wait3A_354] : memref<2x16xf32, #tpu.memory_space<hbm>> -> memref<1x16xf32, #tpu.memory_space<hbm>>
      %dma_wait3A_356 = tpu.memref_squeeze %dma_wait3A_355 : memref<1x16xf32, #tpu.memory_space<hbm>> -> memref<16xf32, #tpu.memory_space<hbm>>
      %dma_wait3A_357 = arith.constant 0 : i32
      %dma_wait3A_358 = tpu.memref_slice %arg6[%arg0, %dma_wait3A_357] : memref<2x16xf32, #tpu.memory_space<hbm>> -> memref<1x16xf32, #tpu.memory_space<hbm>>
      %dma_wait3A_359 = tpu.memref_squeeze %dma_wait3A_358 : memref<1x16xf32, #tpu.memory_space<hbm>> -> memref<16xf32, #tpu.memory_space<hbm>>
      tpu.wait_dma2 semaphore(%run_scoped3A_347 : memref<!tpu.dma_semaphore, #tpu.memory_space<semaphore_mem>>) src(%dma_wait3A_359 : memref<16xf32, #tpu.memory_space<hbm>>) dst(%arg13 : memref<16xf32, #tpu.memory_space<vmem>>)
      tpu.yield
    }) : () -> ()
    %barrier3A = arith.constant 0 : index
    tpu.barrier barrier_id(%barrier3A)
    %dma_start3A = arith.constant 0 : i32
    %dma_start3A_12 = arith.constant 0 : i32
    %dma_start3A_13 = arith.constant 0 : i32
    %dma_start3A_14 = tpu.memref_slice %arg10[%dma_start3A, %dma_start3A_12, %dma_start3A_13] : memref<12x128x16xf32, #tpu.memory_space<vmem>> -> memref<1x128x16xf32, #tpu.memory_space<vmem>>
    %dma_start3A_15 = tpu.memref_squeeze %dma_start3A_14 : memref<1x128x16xf32, #tpu.memory_space<vmem>> -> memref<128x16xf32, #tpu.memory_space<vmem>>
    %dma_start3A_16 = arith.constant 0 : i32
    %dma_start3A_17 = tpu.memref_slice %arg8[%dma_start3A_16] : memref<20000xi32, #tpu.memory_space<vmem>> -> memref<128xi32, #tpu.memory_space<vmem>>
    %dma_start3A_18 = arith.constant 0 : i32
    %dma_start3A_19 = arith.constant 0 : i32
    %dma_start3A_20 = tpu.memref_slice %arg3[%arg0, %dma_start3A_18, %dma_start3A_19] : memref<2x10000x16xf32, #tpu.memory_space<hbm>> -> memref<1x10000x16xf32, #tpu.memory_space<hbm>>
    %dma_start3A_21 = tpu.memref_squeeze %dma_start3A_20 : memref<1x10000x16xf32, #tpu.memory_space<hbm>> -> memref<10000x16xf32, #tpu.memory_space<hbm>>
    %dma_start3A_22 = arith.constant 0 : i32
    %dma_start3A_23 = arith.constant 0 : i32
    %dma_start3A_24 = tpu.memref_slice %dma_start3A_21[%dma_start3A_22, %dma_start3A_23] : memref<10000x16xf32, #tpu.memory_space<hbm>> -> memref<10000x16xf32, #tpu.memory_space<hbm>>
    tpu.enqueue_indirect_dma source(%dma_start3A_24 : memref<10000x16xf32, #tpu.memory_space<hbm>>) target(%dma_start3A_15 : memref<128x16xf32, #tpu.memory_space<vmem>>) offsets(%dma_start3A_17 : memref<128xi32, #tpu.memory_space<vmem>>) semaphore(%arg15 : memref<!tpu.dma_semaphore, #tpu.memory_space<semaphore_mem>>)
    %dma_start3A_25 = arith.constant 1 : i32
    %dma_start3A_26 = arith.constant 0 : i32
    %dma_start3A_27 = arith.constant 0 : i32
    %dma_start3A_28 = tpu.memref_slice %arg10[%dma_start3A_25, %dma_start3A_26, %dma_start3A_27] : memref<12x128x16xf32, #tpu.memory_space<vmem>> -> memref<1x128x16xf32, #tpu.memory_space<vmem>>
    %dma_start3A_29 = tpu.memref_squeeze %dma_start3A_28 : memref<1x128x16xf32, #tpu.memory_space<vmem>> -> memref<128x16xf32, #tpu.memory_space<vmem>>
    %dma_start3A_30 = arith.constant 128 : i32
    %dma_start3A_31 = tpu.memref_slice %arg8[%dma_start3A_30] : memref<20000xi32, #tpu.memory_space<vmem>> -> memref<128xi32, #tpu.memory_space<vmem>>
    %dma_start3A_32 = arith.constant 0 : i32
    %dma_start3A_33 = arith.constant 0 : i32
    %dma_start3A_34 = tpu.memref_slice %arg3[%arg0, %dma_start3A_32, %dma_start3A_33] : memref<2x10000x16xf32, #tpu.memory_space<hbm>> -> memref<1x10000x16xf32, #tpu.memory_space<hbm>>
    %dma_start3A_35 = tpu.memref_squeeze %dma_start3A_34 : memref<1x10000x16xf32, #tpu.memory_space<hbm>> -> memref<10000x16xf32, #tpu.memory_space<hbm>>
    %dma_start3A_36 = arith.constant 0 : i32
    %dma_start3A_37 = arith.constant 0 : i32
    %dma_start3A_38 = tpu.memref_slice %dma_start3A_35[%dma_start3A_36, %dma_start3A_37] : memref<10000x16xf32, #tpu.memory_space<hbm>> -> memref<10000x16xf32, #tpu.memory_space<hbm>>
    tpu.enqueue_indirect_dma source(%dma_start3A_38 : memref<10000x16xf32, #tpu.memory_space<hbm>>) target(%dma_start3A_29 : memref<128x16xf32, #tpu.memory_space<vmem>>) offsets(%dma_start3A_31 : memref<128xi32, #tpu.memory_space<vmem>>) semaphore(%arg15 : memref<!tpu.dma_semaphore, #tpu.memory_space<semaphore_mem>>)
    %dma_start3A_39 = arith.constant 2 : i32
    %dma_start3A_40 = arith.constant 0 : i32
    %dma_start3A_41 = arith.constant 0 : i32
    %dma_start3A_42 = tpu.memref_slice %arg10[%dma_start3A_39, %dma_start3A_40, %dma_start3A_41] : memref<12x128x16xf32, #tpu.memory_space<vmem>> -> memref<1x128x16xf32, #tpu.memory_space<vmem>>
    %dma_start3A_43 = tpu.memref_squeeze %dma_start3A_42 : memref<1x128x16xf32, #tpu.memory_space<vmem>> -> memref<128x16xf32, #tpu.memory_space<vmem>>
    %dma_start3A_44 = arith.constant 256 : i32
    %dma_start3A_45 = tpu.memref_slice %arg8[%dma_start3A_44] : memref<20000xi32, #tpu.memory_space<vmem>> -> memref<128xi32, #tpu.memory_space<vmem>>
    %dma_start3A_46 = arith.constant 0 : i32
    %dma_start3A_47 = arith.constant 0 : i32
    %dma_start3A_48 = tpu.memref_slice %arg3[%arg0, %dma_start3A_46, %dma_start3A_47] : memref<2x10000x16xf32, #tpu.memory_space<hbm>> -> memref<1x10000x16xf32, #tpu.memory_space<hbm>>
    %dma_start3A_49 = tpu.memref_squeeze %dma_start3A_48 : memref<1x10000x16xf32, #tpu.memory_space<hbm>> -> memref<10000x16xf32, #tpu.memory_space<hbm>>
    %dma_start3A_50 = arith.constant 0 : i32
    %dma_start3A_51 = arith.constant 0 : i32
    %dma_start3A_52 = tpu.memref_slice %dma_start3A_49[%dma_start3A_50, %dma_start3A_51] : memref<10000x16xf32, #tpu.memory_space<hbm>> -> memref<10000x16xf32, #tpu.memory_space<hbm>>
    tpu.enqueue_indirect_dma source(%dma_start3A_52 : memref<10000x16xf32, #tpu.memory_space<hbm>>) target(%dma_start3A_43 : memref<128x16xf32, #tpu.memory_space<vmem>>) offsets(%dma_start3A_45 : memref<128xi32, #tpu.memory_space<vmem>>) semaphore(%arg15 : memref<!tpu.dma_semaphore, #tpu.memory_space<semaphore_mem>>)
    %dma_start3A_53 = arith.constant 3 : i32
    %dma_start3A_54 = arith.constant 0 : i32
    %dma_start3A_55 = arith.constant 0 : i32
    %dma_start3A_56 = tpu.memref_slice %arg10[%dma_start3A_53, %dma_start3A_54, %dma_start3A_55] : memref<12x128x16xf32, #tpu.memory_space<vmem>> -> memref<1x128x16xf32, #tpu.memory_space<vmem>>
    %dma_start3A_57 = tpu.memref_squeeze %dma_start3A_56 : memref<1x128x16xf32, #tpu.memory_space<vmem>> -> memref<128x16xf32, #tpu.memory_space<vmem>>
    %dma_start3A_58 = arith.constant 384 : i32
    %dma_start3A_59 = tpu.memref_slice %arg8[%dma_start3A_58] : memref<20000xi32, #tpu.memory_space<vmem>> -> memref<128xi32, #tpu.memory_space<vmem>>
    %dma_start3A_60 = arith.constant 0 : i32
    %dma_start3A_61 = arith.constant 0 : i32
    %dma_start3A_62 = tpu.memref_slice %arg3[%arg0, %dma_start3A_60, %dma_start3A_61] : memref<2x10000x16xf32, #tpu.memory_space<hbm>> -> memref<1x10000x16xf32, #tpu.memory_space<hbm>>
    %dma_start3A_63 = tpu.memref_squeeze %dma_start3A_62 : memref<1x10000x16xf32, #tpu.memory_space<hbm>> -> memref<10000x16xf32, #tpu.memory_space<hbm>>
    %dma_start3A_64 = arith.constant 0 : i32
    %dma_start3A_65 = arith.constant 0 : i32
    %dma_start3A_66 = tpu.memref_slice %dma_start3A_63[%dma_start3A_64, %dma_start3A_65] : memref<10000x16xf32, #tpu.memory_space<hbm>> -> memref<10000x16xf32, #tpu.memory_space<hbm>>
    tpu.enqueue_indirect_dma source(%dma_start3A_66 : memref<10000x16xf32, #tpu.memory_space<hbm>>) target(%dma_start3A_57 : memref<128x16xf32, #tpu.memory_space<vmem>>) offsets(%dma_start3A_59 : memref<128xi32, #tpu.memory_space<vmem>>) semaphore(%arg15 : memref<!tpu.dma_semaphore, #tpu.memory_space<semaphore_mem>>)
    %dma_start3A_67 = arith.constant 4 : i32
    %dma_start3A_68 = arith.constant 0 : i32
    %dma_start3A_69 = arith.constant 0 : i32
    %dma_start3A_70 = tpu.memref_slice %arg10[%dma_start3A_67, %dma_start3A_68, %dma_start3A_69] : memref<12x128x16xf32, #tpu.memory_space<vmem>> -> memref<1x128x16xf32, #tpu.memory_space<vmem>>
    %dma_start3A_71 = tpu.memref_squeeze %dma_start3A_70 : memref<1x128x16xf32, #tpu.memory_space<vmem>> -> memref<128x16xf32, #tpu.memory_space<vmem>>
    %dma_start3A_72 = arith.constant 512 : i32
    %dma_start3A_73 = tpu.memref_slice %arg8[%dma_start3A_72] : memref<20000xi32, #tpu.memory_space<vmem>> -> memref<128xi32, #tpu.memory_space<vmem>>
    %dma_start3A_74 = arith.constant 0 : i32
    %dma_start3A_75 = arith.constant 0 : i32
    %dma_start3A_76 = tpu.memref_slice %arg3[%arg0, %dma_start3A_74, %dma_start3A_75] : memref<2x10000x16xf32, #tpu.memory_space<hbm>> -> memref<1x10000x16xf32, #tpu.memory_space<hbm>>
    %dma_start3A_77 = tpu.memref_squeeze %dma_start3A_76 : memref<1x10000x16xf32, #tpu.memory_space<hbm>> -> memref<10000x16xf32, #tpu.memory_space<hbm>>
    %dma_start3A_78 = arith.constant 0 : i32
    %dma_start3A_79 = arith.constant 0 : i32
    %dma_start3A_80 = tpu.memref_slice %dma_start3A_77[%dma_start3A_78, %dma_start3A_79] : memref<10000x16xf32, #tpu.memory_space<hbm>> -> memref<10000x16xf32, #tpu.memory_space<hbm>>
    tpu.enqueue_indirect_dma source(%dma_start3A_80 : memref<10000x16xf32, #tpu.memory_space<hbm>>) target(%dma_start3A_71 : memref<128x16xf32, #tpu.memory_space<vmem>>) offsets(%dma_start3A_73 : memref<128xi32, #tpu.memory_space<vmem>>) semaphore(%arg15 : memref<!tpu.dma_semaphore, #tpu.memory_space<semaphore_mem>>)
    %dma_start3A_81 = arith.constant 5 : i32
    %dma_start3A_82 = arith.constant 0 : i32
    %dma_start3A_83 = arith.constant 0 : i32
    %dma_start3A_84 = tpu.memref_slice %arg10[%dma_start3A_81, %dma_start3A_82, %dma_start3A_83] : memref<12x128x16xf32, #tpu.memory_space<vmem>> -> memref<1x128x16xf32, #tpu.memory_space<vmem>>
    %dma_start3A_85 = tpu.memref_squeeze %dma_start3A_84 : memref<1x128x16xf32, #tpu.memory_space<vmem>> -> memref<128x16xf32, #tpu.memory_space<vmem>>
    %dma_start3A_86 = arith.constant 640 : i32
    %dma_start3A_87 = tpu.memref_slice %arg8[%dma_start3A_86] : memref<20000xi32, #tpu.memory_space<vmem>> -> memref<128xi32, #tpu.memory_space<vmem>>
    %dma_start3A_88 = arith.constant 0 : i32
    %dma_start3A_89 = arith.constant 0 : i32
    %dma_start3A_90 = tpu.memref_slice %arg3[%arg0, %dma_start3A_88, %dma_start3A_89] : memref<2x10000x16xf32, #tpu.memory_space<hbm>> -> memref<1x10000x16xf32, #tpu.memory_space<hbm>>
    %dma_start3A_91 = tpu.memref_squeeze %dma_start3A_90 : memref<1x10000x16xf32, #tpu.memory_space<hbm>> -> memref<10000x16xf32, #tpu.memory_space<hbm>>
    %dma_start3A_92 = arith.constant 0 : i32
    %dma_start3A_93 = arith.constant 0 : i32
    %dma_start3A_94 = tpu.memref_slice %dma_start3A_91[%dma_start3A_92, %dma_start3A_93] : memref<10000x16xf32, #tpu.memory_space<hbm>> -> memref<10000x16xf32, #tpu.memory_space<hbm>>
    tpu.enqueue_indirect_dma source(%dma_start3A_94 : memref<10000x16xf32, #tpu.memory_space<hbm>>) target(%dma_start3A_85 : memref<128x16xf32, #tpu.memory_space<vmem>>) offsets(%dma_start3A_87 : memref<128xi32, #tpu.memory_space<vmem>>) semaphore(%arg15 : memref<!tpu.dma_semaphore, #tpu.memory_space<semaphore_mem>>)
    %dma_start3A_95 = arith.constant 6 : i32
    %dma_start3A_96 = arith.constant 0 : i32
    %dma_start3A_97 = arith.constant 0 : i32
    %dma_start3A_98 = tpu.memref_slice %arg10[%dma_start3A_95, %dma_start3A_96, %dma_start3A_97] : memref<12x128x16xf32, #tpu.memory_space<vmem>> -> memref<1x128x16xf32, #tpu.memory_space<vmem>>
    %dma_start3A_99 = tpu.memref_squeeze %dma_start3A_98 : memref<1x128x16xf32, #tpu.memory_space<vmem>> -> memref<128x16xf32, #tpu.memory_space<vmem>>
    %dma_start3A_100 = arith.constant 768 : i32
    %dma_start3A_101 = tpu.memref_slice %arg8[%dma_start3A_100] : memref<20000xi32, #tpu.memory_space<vmem>> -> memref<128xi32, #tpu.memory_space<vmem>>
    %dma_start3A_102 = arith.constant 0 : i32
    %dma_start3A_103 = arith.constant 0 : i32
    %dma_start3A_104 = tpu.memref_slice %arg3[%arg0, %dma_start3A_102, %dma_start3A_103] : memref<2x10000x16xf32, #tpu.memory_space<hbm>> -> memref<1x10000x16xf32, #tpu.memory_space<hbm>>
    %dma_start3A_105 = tpu.memref_squeeze %dma_start3A_104 : memref<1x10000x16xf32, #tpu.memory_space<hbm>> -> memref<10000x16xf32, #tpu.memory_space<hbm>>
    %dma_start3A_106 = arith.constant 0 : i32
    %dma_start3A_107 = arith.constant 0 : i32
    %dma_start3A_108 = tpu.memref_slice %dma_start3A_105[%dma_start3A_106, %dma_start3A_107] : memref<10000x16xf32, #tpu.memory_space<hbm>> -> memref<10000x16xf32, #tpu.memory_space<hbm>>
    tpu.enqueue_indirect_dma source(%dma_start3A_108 : memref<10000x16xf32, #tpu.memory_space<hbm>>) target(%dma_start3A_99 : memref<128x16xf32, #tpu.memory_space<vmem>>) offsets(%dma_start3A_101 : memref<128xi32, #tpu.memory_space<vmem>>) semaphore(%arg15 : memref<!tpu.dma_semaphore, #tpu.memory_space<semaphore_mem>>)
    %dma_start3A_109 = arith.constant 7 : i32
    %dma_start3A_110 = arith.constant 0 : i32
    %dma_start3A_111 = arith.constant 0 : i32
    %dma_start3A_112 = tpu.memref_slice %arg10[%dma_start3A_109, %dma_start3A_110, %dma_start3A_111] : memref<12x128x16xf32, #tpu.memory_space<vmem>> -> memref<1x128x16xf32, #tpu.memory_space<vmem>>
    %dma_start3A_113 = tpu.memref_squeeze %dma_start3A_112 : memref<1x128x16xf32, #tpu.memory_space<vmem>> -> memref<128x16xf32, #tpu.memory_space<vmem>>
    %dma_start3A_114 = arith.constant 896 : i32
    %dma_start3A_115 = tpu.memref_slice %arg8[%dma_start3A_114] : memref<20000xi32, #tpu.memory_space<vmem>> -> memref<128xi32, #tpu.memory_space<vmem>>
    %dma_start3A_116 = arith.constant 0 : i32
    %dma_start3A_117 = arith.constant 0 : i32
    %dma_start3A_118 = tpu.memref_slice %arg3[%arg0, %dma_start3A_116, %dma_start3A_117] : memref<2x10000x16xf32, #tpu.memory_space<hbm>> -> memref<1x10000x16xf32, #tpu.memory_space<hbm>>
    %dma_start3A_119 = tpu.memref_squeeze %dma_start3A_118 : memref<1x10000x16xf32, #tpu.memory_space<hbm>> -> memref<10000x16xf32, #tpu.memory_space<hbm>>
    %dma_start3A_120 = arith.constant 0 : i32
    %dma_start3A_121 = arith.constant 0 : i32
    %dma_start3A_122 = tpu.memref_slice %dma_start3A_119[%dma_start3A_120, %dma_start3A_121] : memref<10000x16xf32, #tpu.memory_space<hbm>> -> memref<10000x16xf32, #tpu.memory_space<hbm>>
    tpu.enqueue_indirect_dma source(%dma_start3A_122 : memref<10000x16xf32, #tpu.memory_space<hbm>>) target(%dma_start3A_113 : memref<128x16xf32, #tpu.memory_space<vmem>>) offsets(%dma_start3A_115 : memref<128xi32, #tpu.memory_space<vmem>>) semaphore(%arg15 : memref<!tpu.dma_semaphore, #tpu.memory_space<semaphore_mem>>)
    %dma_start3A_123 = arith.constant 8 : i32
    %dma_start3A_124 = arith.constant 0 : i32
    %dma_start3A_125 = arith.constant 0 : i32
    %dma_start3A_126 = tpu.memref_slice %arg10[%dma_start3A_123, %dma_start3A_124, %dma_start3A_125] : memref<12x128x16xf32, #tpu.memory_space<vmem>> -> memref<1x128x16xf32, #tpu.memory_space<vmem>>
    %dma_start3A_127 = tpu.memref_squeeze %dma_start3A_126 : memref<1x128x16xf32, #tpu.memory_space<vmem>> -> memref<128x16xf32, #tpu.memory_space<vmem>>
    %dma_start3A_128 = arith.constant 1024 : i32
    %dma_start3A_129 = tpu.memref_slice %arg8[%dma_start3A_128] : memref<20000xi32, #tpu.memory_space<vmem>> -> memref<128xi32, #tpu.memory_space<vmem>>
    %dma_start3A_130 = arith.constant 0 : i32
    %dma_start3A_131 = arith.constant 0 : i32
    %dma_start3A_132 = tpu.memref_slice %arg3[%arg0, %dma_start3A_130, %dma_start3A_131] : memref<2x10000x16xf32, #tpu.memory_space<hbm>> -> memref<1x10000x16xf32, #tpu.memory_space<hbm>>
    %dma_start3A_133 = tpu.memref_squeeze %dma_start3A_132 : memref<1x10000x16xf32, #tpu.memory_space<hbm>> -> memref<10000x16xf32, #tpu.memory_space<hbm>>
    %dma_start3A_134 = arith.constant 0 : i32
    %dma_start3A_135 = arith.constant 0 : i32
    %dma_start3A_136 = tpu.memref_slice %dma_start3A_133[%dma_start3A_134, %dma_start3A_135] : memref<10000x16xf32, #tpu.memory_space<hbm>> -> memref<10000x16xf32, #tpu.memory_space<hbm>>
    tpu.enqueue_indirect_dma source(%dma_start3A_136 : memref<10000x16xf32, #tpu.memory_space<hbm>>) target(%dma_start3A_127 : memref<128x16xf32, #tpu.memory_space<vmem>>) offsets(%dma_start3A_129 : memref<128xi32, #tpu.memory_space<vmem>>) semaphore(%arg15 : memref<!tpu.dma_semaphore, #tpu.memory_space<semaphore_mem>>)
    %dma_start3A_137 = arith.constant 9 : i32
    %dma_start3A_138 = arith.constant 0 : i32
    %dma_start3A_139 = arith.constant 0 : i32
    %dma_start3A_140 = tpu.memref_slice %arg10[%dma_start3A_137, %dma_start3A_138, %dma_start3A_139] : memref<12x128x16xf32, #tpu.memory_space<vmem>> -> memref<1x128x16xf32, #tpu.memory_space<vmem>>
    %dma_start3A_141 = tpu.memref_squeeze %dma_start3A_140 : memref<1x128x16xf32, #tpu.memory_space<vmem>> -> memref<128x16xf32, #tpu.memory_space<vmem>>
    %dma_start3A_142 = arith.constant 1152 : i32
    %dma_start3A_143 = tpu.memref_slice %arg8[%dma_start3A_142] : memref<20000xi32, #tpu.memory_space<vmem>> -> memref<128xi32, #tpu.memory_space<vmem>>
    %dma_start3A_144 = arith.constant 0 : i32
    %dma_start3A_145 = arith.constant 0 : i32
    %dma_start3A_146 = tpu.memref_slice %arg3[%arg0, %dma_start3A_144, %dma_start3A_145] : memref<2x10000x16xf32, #tpu.memory_space<hbm>> -> memref<1x10000x16xf32, #tpu.memory_space<hbm>>
    %dma_start3A_147 = tpu.memref_squeeze %dma_start3A_146 : memref<1x10000x16xf32, #tpu.memory_space<hbm>> -> memref<10000x16xf32, #tpu.memory_space<hbm>>
    %dma_start3A_148 = arith.constant 0 : i32
    %dma_start3A_149 = arith.constant 0 : i32
    %dma_start3A_150 = tpu.memref_slice %dma_start3A_147[%dma_start3A_148, %dma_start3A_149] : memref<10000x16xf32, #tpu.memory_space<hbm>> -> memref<10000x16xf32, #tpu.memory_space<hbm>>
    tpu.enqueue_indirect_dma source(%dma_start3A_150 : memref<10000x16xf32, #tpu.memory_space<hbm>>) target(%dma_start3A_141 : memref<128x16xf32, #tpu.memory_space<vmem>>) offsets(%dma_start3A_143 : memref<128xi32, #tpu.memory_space<vmem>>) semaphore(%arg15 : memref<!tpu.dma_semaphore, #tpu.memory_space<semaphore_mem>>)
    %dma_start3A_151 = arith.constant 10 : i32
    %dma_start3A_152 = arith.constant 0 : i32
    %dma_start3A_153 = arith.constant 0 : i32
    %dma_start3A_154 = tpu.memref_slice %arg10[%dma_start3A_151, %dma_start3A_152, %dma_start3A_153] : memref<12x128x16xf32, #tpu.memory_space<vmem>> -> memref<1x128x16xf32, #tpu.memory_space<vmem>>
    %dma_start3A_155 = tpu.memref_squeeze %dma_start3A_154 : memref<1x128x16xf32, #tpu.memory_space<vmem>> -> memref<128x16xf32, #tpu.memory_space<vmem>>
    %dma_start3A_156 = arith.constant 1280 : i32
    %dma_start3A_157 = tpu.memref_slice %arg8[%dma_start3A_156] : memref<20000xi32, #tpu.memory_space<vmem>> -> memref<128xi32, #tpu.memory_space<vmem>>
    %dma_start3A_158 = arith.constant 0 : i32
    %dma_start3A_159 = arith.constant 0 : i32
    %dma_start3A_160 = tpu.memref_slice %arg3[%arg0, %dma_start3A_158, %dma_start3A_159] : memref<2x10000x16xf32, #tpu.memory_space<hbm>> -> memref<1x10000x16xf32, #tpu.memory_space<hbm>>
    %dma_start3A_161 = tpu.memref_squeeze %dma_start3A_160 : memref<1x10000x16xf32, #tpu.memory_space<hbm>> -> memref<10000x16xf32, #tpu.memory_space<hbm>>
    %dma_start3A_162 = arith.constant 0 : i32
    %dma_start3A_163 = arith.constant 0 : i32
    %dma_start3A_164 = tpu.memref_slice %dma_start3A_161[%dma_start3A_162, %dma_start3A_163] : memref<10000x16xf32, #tpu.memory_space<hbm>> -> memref<10000x16xf32, #tpu.memory_space<hbm>>
    tpu.enqueue_indirect_dma source(%dma_start3A_164 : memref<10000x16xf32, #tpu.memory_space<hbm>>) target(%dma_start3A_155 : memref<128x16xf32, #tpu.memory_space<vmem>>) offsets(%dma_start3A_157 : memref<128xi32, #tpu.memory_space<vmem>>) semaphore(%arg15 : memref<!tpu.dma_semaphore, #tpu.memory_space<semaphore_mem>>)
    %dma_start3A_165 = arith.constant 11 : i32
    %dma_start3A_166 = arith.constant 0 : i32
    %dma_start3A_167 = arith.constant 0 : i32
    %dma_start3A_168 = tpu.memref_slice %arg10[%dma_start3A_165, %dma_start3A_166, %dma_start3A_167] : memref<12x128x16xf32, #tpu.memory_space<vmem>> -> memref<1x128x16xf32, #tpu.memory_space<vmem>>
    %dma_start3A_169 = tpu.memref_squeeze %dma_start3A_168 : memref<1x128x16xf32, #tpu.memory_space<vmem>> -> memref<128x16xf32, #tpu.memory_space<vmem>>
    %dma_start3A_170 = arith.constant 1408 : i32
    %dma_start3A_171 = tpu.memref_slice %arg8[%dma_start3A_170] : memref<20000xi32, #tpu.memory_space<vmem>> -> memref<128xi32, #tpu.memory_space<vmem>>
    %dma_start3A_172 = arith.constant 0 : i32
    %dma_start3A_173 = arith.constant 0 : i32
    %dma_start3A_174 = tpu.memref_slice %arg3[%arg0, %dma_start3A_172, %dma_start3A_173] : memref<2x10000x16xf32, #tpu.memory_space<hbm>> -> memref<1x10000x16xf32, #tpu.memory_space<hbm>>
    %dma_start3A_175 = tpu.memref_squeeze %dma_start3A_174 : memref<1x10000x16xf32, #tpu.memory_space<hbm>> -> memref<10000x16xf32, #tpu.memory_space<hbm>>
    %dma_start3A_176 = arith.constant 0 : i32
    %dma_start3A_177 = arith.constant 0 : i32
    %dma_start3A_178 = tpu.memref_slice %dma_start3A_175[%dma_start3A_176, %dma_start3A_177] : memref<10000x16xf32, #tpu.memory_space<hbm>> -> memref<10000x16xf32, #tpu.memory_space<hbm>>
    tpu.enqueue_indirect_dma source(%dma_start3A_178 : memref<10000x16xf32, #tpu.memory_space<hbm>>) target(%dma_start3A_169 : memref<128x16xf32, #tpu.memory_space<vmem>>) offsets(%dma_start3A_171 : memref<128xi32, #tpu.memory_space<vmem>>) semaphore(%arg15 : memref<!tpu.dma_semaphore, #tpu.memory_space<semaphore_mem>>)
    %scan3A = arith.constant 0 : i32
    %scan3A_179 = arith.constant 0 : i32
    %scan3A_180 = arith.constant 156 : i32
    %scan3A_181 = arith.addi %scan3A_179, %scan3A_180 : i32
    %scan3A_182 = arith.constant 1 : i32
    scf.for %scan3A_347 = %scan3A_179 to %scan3A_181 step %scan3A_182  : i32 {
      %rem3A = arith.constant 12 : i32
      %rem3A_348 = arith.remsi %scan3A_347, %rem3A : i32
      %mul3A_349 = arith.constant 128 : i32
      %mul3A_350 = arith.muli %rem3A_348, %mul3A_349 : i32
      %dma_wait3A_351 = arith.constant 0 : i32
      %dma_wait3A_352 = arith.constant 0 : i32
      %dma_wait3A_353 = tpu.memref_slice %arg10[%rem3A_348, %dma_wait3A_351, %dma_wait3A_352] : memref<12x128x16xf32, #tpu.memory_space<vmem>> -> memref<1x128x16xf32, #tpu.memory_space<vmem>>
      %dma_wait3A_354 = tpu.memref_squeeze %dma_wait3A_353 : memref<1x128x16xf32, #tpu.memory_space<vmem>> -> memref<128x16xf32, #tpu.memory_space<vmem>>
      %dma_wait3A_355 = tpu.memref_slice %arg8[%mul3A_350] : memref<20000xi32, #tpu.memory_space<vmem>> -> memref<128xi32, #tpu.memory_space<vmem>>
      %dma_wait3A_356 = arith.constant 0 : i32
      %dma_wait3A_357 = arith.constant 0 : i32
      %dma_wait3A_358 = tpu.memref_slice %arg3[%arg0, %dma_wait3A_356, %dma_wait3A_357] : memref<2x10000x16xf32, #tpu.memory_space<hbm>> -> memref<1x10000x16xf32, #tpu.memory_space<hbm>>
      %dma_wait3A_359 = tpu.memref_squeeze %dma_wait3A_358 : memref<1x10000x16xf32, #tpu.memory_space<hbm>> -> memref<10000x16xf32, #tpu.memory_space<hbm>>
      %dma_wait3A_360 = arith.constant 0 : i32
      %dma_wait3A_361 = arith.constant 0 : i32
      %dma_wait3A_362 = tpu.memref_slice %dma_wait3A_359[%dma_wait3A_360, %dma_wait3A_361] : memref<10000x16xf32, #tpu.memory_space<hbm>> -> memref<10000x16xf32, #tpu.memory_space<hbm>>
      tpu.wait_indirect_dma semaphore(%arg15 : memref<!tpu.dma_semaphore, #tpu.memory_space<semaphore_mem>>) src(%dma_wait3A_362 : memref<10000x16xf32, #tpu.memory_space<hbm>>) dst(%dma_wait3A_354 : memref<128x16xf32, #tpu.memory_space<vmem>>)
      %mul3A_363 = arith.constant 128 : i32
      %mul3A_364 = arith.muli %scan3A_347, %mul3A_363 : i32
      %dma_start3A_365 = arith.constant 0 : i32
      %dma_start3A_366 = arith.constant 0 : i32
      %dma_start3A_367 = tpu.memref_slice %arg10[%rem3A_348, %dma_start3A_365, %dma_start3A_366] : memref<12x128x16xf32, #tpu.memory_space<vmem>> -> memref<1x128x16xf32, #tpu.memory_space<vmem>>
      %dma_start3A_368 = tpu.memref_squeeze %dma_start3A_367 : memref<1x128x16xf32, #tpu.memory_space<vmem>> -> memref<128x16xf32, #tpu.memory_space<vmem>>
      %dma_start3A_369 = tpu.memref_slice %arg9[%mul3A_364] : memref<20000xi32, #tpu.memory_space<vmem>> -> memref<128xi32, #tpu.memory_space<vmem>>
      %dma_start3A_370 = arith.constant 0 : i32
      %dma_start3A_371 = arith.constant 0 : i32
      %dma_start3A_372 = tpu.memref_slice %arg14[%dma_start3A_370, %dma_start3A_371] : memref<10112x16xf32, #tpu.memory_space<vmem_shared>> -> memref<10112x16xf32, #tpu.memory_space<vmem_shared>>
      tpu.enqueue_indirect_dma source(%dma_start3A_368 : memref<128x16xf32, #tpu.memory_space<vmem>>) target(%dma_start3A_372 : memref<10112x16xf32, #tpu.memory_space<vmem_shared>>) offsets(%dma_start3A_369 : memref<128xi32, #tpu.memory_space<vmem>>) semaphore(%arg16 : memref<!tpu.dma_semaphore, #tpu.memory_space<semaphore_mem>>) {add = true}
      %add3A = arith.constant 11 : i32
      %add3A_373 = arith.addi %scan3A_347, %add3A : i32
      %ge3A = arith.constant 1 : i32
      %ge3A_374 = arith.cmpi sge, %scan3A_347, %ge3A : i32
      %lt3A_375 = arith.constant 156 : i32
      %lt3A_376 = arith.cmpi slt, %add3A_373, %lt3A_375 : i32
      %and3A = arith.andi %ge3A_374, %lt3A_376 : i1
      %convert_element_type3A_377 = arith.extui %and3A : i1 to i32
      %cond3A_378 = arith.constant 0 : i32
      %cond3A_379 = arith.cmpi ne, %convert_element_type3A_377, %cond3A_378 : i32
      scf.if %cond3A_379 {
        %rem3A_380 = arith.constant 12 : i32
        %rem3A_381 = arith.remsi %add3A_373, %rem3A_380 : i32
        %dma_wait3A_382 = arith.constant 0 : i32
        %dma_wait3A_383 = arith.constant 0 : i32
        %dma_wait3A_384 = tpu.memref_slice %arg10[%rem3A_381, %dma_wait3A_382, %dma_wait3A_383] : memref<12x128x16xf32, #tpu.memory_space<vmem>> -> memref<1x128x16xf32, #tpu.memory_space<vmem>>
        %dma_wait3A_385 = tpu.memref_squeeze %dma_wait3A_384 : memref<1x128x16xf32, #tpu.memory_space<vmem>> -> memref<128x16xf32, #tpu.memory_space<vmem>>
        %dma_wait3A_386 = arith.constant 0 : i32
        %dma_wait3A_387 = tpu.memref_slice %arg9[%dma_wait3A_386] : memref<20000xi32, #tpu.memory_space<vmem>> -> memref<128xi32, #tpu.memory_space<vmem>>
        %dma_wait3A_388 = arith.constant 0 : i32
        %dma_wait3A_389 = arith.constant 0 : i32
        %dma_wait3A_390 = tpu.memref_slice %arg14[%dma_wait3A_388, %dma_wait3A_389] : memref<10112x16xf32, #tpu.memory_space<vmem_shared>> -> memref<10112x16xf32, #tpu.memory_space<vmem_shared>>
        tpu.wait_indirect_dma semaphore(%arg16 : memref<!tpu.dma_semaphore, #tpu.memory_space<semaphore_mem>>) src(%dma_wait3A_385 : memref<128x16xf32, #tpu.memory_space<vmem>>) dst(%dma_wait3A_390 : memref<10112x16xf32, #tpu.memory_space<vmem_shared>>)
        %mul3A_391 = arith.constant 128 : i32
        %mul3A_392 = arith.muli %add3A_373, %mul3A_391 : i32
        %dma_start3A_393 = arith.constant 0 : i32
        %dma_start3A_394 = arith.constant 0 : i32
        %dma_start3A_395 = tpu.memref_slice %arg10[%rem3A_381, %dma_start3A_393, %dma_start3A_394] : memref<12x128x16xf32, #tpu.memory_space<vmem>> -> memref<1x128x16xf32, #tpu.memory_space<vmem>>
        %dma_start3A_396 = tpu.memref_squeeze %dma_start3A_395 : memref<1x128x16xf32, #tpu.memory_space<vmem>> -> memref<128x16xf32, #tpu.memory_space<vmem>>
        %dma_start3A_397 = tpu.memref_slice %arg8[%mul3A_392] : memref<20000xi32, #tpu.memory_space<vmem>> -> memref<128xi32, #tpu.memory_space<vmem>>
        %dma_start3A_398 = arith.constant 0 : i32
        %dma_start3A_399 = arith.constant 0 : i32
        %dma_start3A_400 = tpu.memref_slice %arg3[%arg0, %dma_start3A_398, %dma_start3A_399] : memref<2x10000x16xf32, #tpu.memory_space<hbm>> -> memref<1x10000x16xf32, #tpu.memory_space<hbm>>
        %dma_start3A_401 = tpu.memref_squeeze %dma_start3A_400 : memref<1x10000x16xf32, #tpu.memory_space<hbm>> -> memref<10000x16xf32, #tpu.memory_space<hbm>>
        %dma_start3A_402 = arith.constant 0 : i32
        %dma_start3A_403 = arith.constant 0 : i32
        %dma_start3A_404 = tpu.memref_slice %dma_start3A_401[%dma_start3A_402, %dma_start3A_403] : memref<10000x16xf32, #tpu.memory_space<hbm>> -> memref<10000x16xf32, #tpu.memory_space<hbm>>
        tpu.enqueue_indirect_dma source(%dma_start3A_404 : memref<10000x16xf32, #tpu.memory_space<hbm>>) target(%dma_start3A_396 : memref<128x16xf32, #tpu.memory_space<vmem>>) offsets(%dma_start3A_397 : memref<128xi32, #tpu.memory_space<vmem>>) semaphore(%arg15 : memref<!tpu.dma_semaphore, #tpu.memory_space<semaphore_mem>>)
      } else {
      }
    }
    %scan3A_183 = arith.constant 156 : i32
    %dma_wait3A = arith.constant 0 : i32
    %dma_wait3A_184 = arith.constant 0 : i32
    %dma_wait3A_185 = arith.constant 0 : i32
    %dma_wait3A_186 = tpu.memref_slice %arg10[%dma_wait3A, %dma_wait3A_184, %dma_wait3A_185] : memref<12x128x16xf32, #tpu.memory_space<vmem>> -> memref<1x128x16xf32, #tpu.memory_space<vmem>>
    %dma_wait3A_187 = tpu.memref_squeeze %dma_wait3A_186 : memref<1x128x16xf32, #tpu.memory_space<vmem>> -> memref<128x16xf32, #tpu.memory_space<vmem>>
    %dma_wait3A_188 = arith.constant 0 : i32
    %dma_wait3A_189 = tpu.memref_slice %arg9[%dma_wait3A_188] : memref<20000xi32, #tpu.memory_space<vmem>> -> memref<128xi32, #tpu.memory_space<vmem>>
    %dma_wait3A_190 = arith.constant 0 : i32
    %dma_wait3A_191 = arith.constant 0 : i32
    %dma_wait3A_192 = tpu.memref_slice %arg14[%dma_wait3A_190, %dma_wait3A_191] : memref<10112x16xf32, #tpu.memory_space<vmem_shared>> -> memref<10112x16xf32, #tpu.memory_space<vmem_shared>>
    tpu.wait_indirect_dma semaphore(%arg16 : memref<!tpu.dma_semaphore, #tpu.memory_space<semaphore_mem>>) src(%dma_wait3A_187 : memref<128x16xf32, #tpu.memory_space<vmem>>) dst(%dma_wait3A_192 : memref<10112x16xf32, #tpu.memory_space<vmem_shared>>)
    %dma_wait3A_193 = arith.constant 0 : i32
    %dma_wait3A_194 = arith.constant 0 : i32
    %dma_wait3A_195 = arith.constant 0 : i32
    %dma_wait3A_196 = tpu.memref_slice %arg10[%dma_wait3A_193, %dma_wait3A_194, %dma_wait3A_195] : memref<12x128x16xf32, #tpu.memory_space<vmem>> -> memref<1x128x16xf32, #tpu.memory_space<vmem>>
    %dma_wait3A_197 = tpu.memref_squeeze %dma_wait3A_196 : memref<1x128x16xf32, #tpu.memory_space<vmem>> -> memref<128x16xf32, #tpu.memory_space<vmem>>
    %dma_wait3A_198 = arith.constant 0 : i32
    %dma_wait3A_199 = tpu.memref_slice %arg9[%dma_wait3A_198] : memref<20000xi32, #tpu.memory_space<vmem>> -> memref<128xi32, #tpu.memory_space<vmem>>
    %dma_wait3A_200 = arith.constant 0 : i32
    %dma_wait3A_201 = arith.constant 0 : i32
    %dma_wait3A_202 = tpu.memref_slice %arg14[%dma_wait3A_200, %dma_wait3A_201] : memref<10112x16xf32, #tpu.memory_space<vmem_shared>> -> memref<10112x16xf32, #tpu.memory_space<vmem_shared>>
    tpu.wait_indirect_dma semaphore(%arg16 : memref<!tpu.dma_semaphore, #tpu.memory_space<semaphore_mem>>) src(%dma_wait3A_197 : memref<128x16xf32, #tpu.memory_space<vmem>>) dst(%dma_wait3A_202 : memref<10112x16xf32, #tpu.memory_space<vmem_shared>>)
    %dma_wait3A_203 = arith.constant 0 : i32
    %dma_wait3A_204 = arith.constant 0 : i32
    %dma_wait3A_205 = arith.constant 0 : i32
    %dma_wait3A_206 = tpu.memref_slice %arg10[%dma_wait3A_203, %dma_wait3A_204, %dma_wait3A_205] : memref<12x128x16xf32, #tpu.memory_space<vmem>> -> memref<1x128x16xf32, #tpu.memory_space<vmem>>
    %dma_wait3A_207 = tpu.memref_squeeze %dma_wait3A_206 : memref<1x128x16xf32, #tpu.memory_space<vmem>> -> memref<128x16xf32, #tpu.memory_space<vmem>>
    %dma_wait3A_208 = arith.constant 0 : i32
    %dma_wait3A_209 = tpu.memref_slice %arg9[%dma_wait3A_208] : memref<20000xi32, #tpu.memory_space<vmem>> -> memref<128xi32, #tpu.memory_space<vmem>>
    %dma_wait3A_210 = arith.constant 0 : i32
    %dma_wait3A_211 = arith.constant 0 : i32
    %dma_wait3A_212 = tpu.memref_slice %arg14[%dma_wait3A_210, %dma_wait3A_211] : memref<10112x16xf32, #tpu.memory_space<vmem_shared>> -> memref<10112x16xf32, #tpu.memory_space<vmem_shared>>
    tpu.wait_indirect_dma semaphore(%arg16 : memref<!tpu.dma_semaphore, #tpu.memory_space<semaphore_mem>>) src(%dma_wait3A_207 : memref<128x16xf32, #tpu.memory_space<vmem>>) dst(%dma_wait3A_212 : memref<10112x16xf32, #tpu.memory_space<vmem_shared>>)
    %dma_wait3A_213 = arith.constant 0 : i32
    %dma_wait3A_214 = arith.constant 0 : i32
    %dma_wait3A_215 = arith.constant 0 : i32
    %dma_wait3A_216 = tpu.memref_slice %arg10[%dma_wait3A_213, %dma_wait3A_214, %dma_wait3A_215] : memref<12x128x16xf32, #tpu.memory_space<vmem>> -> memref<1x128x16xf32, #tpu.memory_space<vmem>>
    %dma_wait3A_217 = tpu.memref_squeeze %dma_wait3A_216 : memref<1x128x16xf32, #tpu.memory_space<vmem>> -> memref<128x16xf32, #tpu.memory_space<vmem>>
    %dma_wait3A_218 = arith.constant 0 : i32
    %dma_wait3A_219 = tpu.memref_slice %arg9[%dma_wait3A_218] : memref<20000xi32, #tpu.memory_space<vmem>> -> memref<128xi32, #tpu.memory_space<vmem>>
    %dma_wait3A_220 = arith.constant 0 : i32
    %dma_wait3A_221 = arith.constant 0 : i32
    %dma_wait3A_222 = tpu.memref_slice %arg14[%dma_wait3A_220, %dma_wait3A_221] : memref<10112x16xf32, #tpu.memory_space<vmem_shared>> -> memref<10112x16xf32, #tpu.memory_space<vmem_shared>>
    tpu.wait_indirect_dma semaphore(%arg16 : memref<!tpu.dma_semaphore, #tpu.memory_space<semaphore_mem>>) src(%dma_wait3A_217 : memref<128x16xf32, #tpu.memory_space<vmem>>) dst(%dma_wait3A_222 : memref<10112x16xf32, #tpu.memory_space<vmem_shared>>)
    %dma_wait3A_223 = arith.constant 0 : i32
    %dma_wait3A_224 = arith.constant 0 : i32
    %dma_wait3A_225 = arith.constant 0 : i32
    %dma_wait3A_226 = tpu.memref_slice %arg10[%dma_wait3A_223, %dma_wait3A_224, %dma_wait3A_225] : memref<12x128x16xf32, #tpu.memory_space<vmem>> -> memref<1x128x16xf32, #tpu.memory_space<vmem>>
    %dma_wait3A_227 = tpu.memref_squeeze %dma_wait3A_226 : memref<1x128x16xf32, #tpu.memory_space<vmem>> -> memref<128x16xf32, #tpu.memory_space<vmem>>
    %dma_wait3A_228 = arith.constant 0 : i32
    %dma_wait3A_229 = tpu.memref_slice %arg9[%dma_wait3A_228] : memref<20000xi32, #tpu.memory_space<vmem>> -> memref<128xi32, #tpu.memory_space<vmem>>
    %dma_wait3A_230 = arith.constant 0 : i32
    %dma_wait3A_231 = arith.constant 0 : i32
    %dma_wait3A_232 = tpu.memref_slice %arg14[%dma_wait3A_230, %dma_wait3A_231] : memref<10112x16xf32, #tpu.memory_space<vmem_shared>> -> memref<10112x16xf32, #tpu.memory_space<vmem_shared>>
    tpu.wait_indirect_dma semaphore(%arg16 : memref<!tpu.dma_semaphore, #tpu.memory_space<semaphore_mem>>) src(%dma_wait3A_227 : memref<128x16xf32, #tpu.memory_space<vmem>>) dst(%dma_wait3A_232 : memref<10112x16xf32, #tpu.memory_space<vmem_shared>>)
    %dma_wait3A_233 = arith.constant 0 : i32
    %dma_wait3A_234 = arith.constant 0 : i32
    %dma_wait3A_235 = arith.constant 0 : i32
    %dma_wait3A_236 = tpu.memref_slice %arg10[%dma_wait3A_233, %dma_wait3A_234, %dma_wait3A_235] : memref<12x128x16xf32, #tpu.memory_space<vmem>> -> memref<1x128x16xf32, #tpu.memory_space<vmem>>
    %dma_wait3A_237 = tpu.memref_squeeze %dma_wait3A_236 : memref<1x128x16xf32, #tpu.memory_space<vmem>> -> memref<128x16xf32, #tpu.memory_space<vmem>>
    %dma_wait3A_238 = arith.constant 0 : i32
    %dma_wait3A_239 = tpu.memref_slice %arg9[%dma_wait3A_238] : memref<20000xi32, #tpu.memory_space<vmem>> -> memref<128xi32, #tpu.memory_space<vmem>>
    %dma_wait3A_240 = arith.constant 0 : i32
    %dma_wait3A_241 = arith.constant 0 : i32
    %dma_wait3A_242 = tpu.memref_slice %arg14[%dma_wait3A_240, %dma_wait3A_241] : memref<10112x16xf32, #tpu.memory_space<vmem_shared>> -> memref<10112x16xf32, #tpu.memory_space<vmem_shared>>
    tpu.wait_indirect_dma semaphore(%arg16 : memref<!tpu.dma_semaphore, #tpu.memory_space<semaphore_mem>>) src(%dma_wait3A_237 : memref<128x16xf32, #tpu.memory_space<vmem>>) dst(%dma_wait3A_242 : memref<10112x16xf32, #tpu.memory_space<vmem_shared>>)
    %dma_wait3A_243 = arith.constant 0 : i32
    %dma_wait3A_244 = arith.constant 0 : i32
    %dma_wait3A_245 = arith.constant 0 : i32
    %dma_wait3A_246 = tpu.memref_slice %arg10[%dma_wait3A_243, %dma_wait3A_244, %dma_wait3A_245] : memref<12x128x16xf32, #tpu.memory_space<vmem>> -> memref<1x128x16xf32, #tpu.memory_space<vmem>>
    %dma_wait3A_247 = tpu.memref_squeeze %dma_wait3A_246 : memref<1x128x16xf32, #tpu.memory_space<vmem>> -> memref<128x16xf32, #tpu.memory_space<vmem>>
    %dma_wait3A_248 = arith.constant 0 : i32
    %dma_wait3A_249 = tpu.memref_slice %arg9[%dma_wait3A_248] : memref<20000xi32, #tpu.memory_space<vmem>> -> memref<128xi32, #tpu.memory_space<vmem>>
    %dma_wait3A_250 = arith.constant 0 : i32
    %dma_wait3A_251 = arith.constant 0 : i32
    %dma_wait3A_252 = tpu.memref_slice %arg14[%dma_wait3A_250, %dma_wait3A_251] : memref<10112x16xf32, #tpu.memory_space<vmem_shared>> -> memref<10112x16xf32, #tpu.memory_space<vmem_shared>>
    tpu.wait_indirect_dma semaphore(%arg16 : memref<!tpu.dma_semaphore, #tpu.memory_space<semaphore_mem>>) src(%dma_wait3A_247 : memref<128x16xf32, #tpu.memory_space<vmem>>) dst(%dma_wait3A_252 : memref<10112x16xf32, #tpu.memory_space<vmem_shared>>)
    %dma_wait3A_253 = arith.constant 0 : i32
    %dma_wait3A_254 = arith.constant 0 : i32
    %dma_wait3A_255 = arith.constant 0 : i32
    %dma_wait3A_256 = tpu.memref_slice %arg10[%dma_wait3A_253, %dma_wait3A_254, %dma_wait3A_255] : memref<12x128x16xf32, #tpu.memory_space<vmem>> -> memref<1x128x16xf32, #tpu.memory_space<vmem>>
    %dma_wait3A_257 = tpu.memref_squeeze %dma_wait3A_256 : memref<1x128x16xf32, #tpu.memory_space<vmem>> -> memref<128x16xf32, #tpu.memory_space<vmem>>
    %dma_wait3A_258 = arith.constant 0 : i32
    %dma_wait3A_259 = tpu.memref_slice %arg9[%dma_wait3A_258] : memref<20000xi32, #tpu.memory_space<vmem>> -> memref<128xi32, #tpu.memory_space<vmem>>
    %dma_wait3A_260 = arith.constant 0 : i32
    %dma_wait3A_261 = arith.constant 0 : i32
    %dma_wait3A_262 = tpu.memref_slice %arg14[%dma_wait3A_260, %dma_wait3A_261] : memref<10112x16xf32, #tpu.memory_space<vmem_shared>> -> memref<10112x16xf32, #tpu.memory_space<vmem_shared>>
    tpu.wait_indirect_dma semaphore(%arg16 : memref<!tpu.dma_semaphore, #tpu.memory_space<semaphore_mem>>) src(%dma_wait3A_257 : memref<128x16xf32, #tpu.memory_space<vmem>>) dst(%dma_wait3A_262 : memref<10112x16xf32, #tpu.memory_space<vmem_shared>>)
    %dma_wait3A_263 = arith.constant 0 : i32
    %dma_wait3A_264 = arith.constant 0 : i32
    %dma_wait3A_265 = arith.constant 0 : i32
    %dma_wait3A_266 = tpu.memref_slice %arg10[%dma_wait3A_263, %dma_wait3A_264, %dma_wait3A_265] : memref<12x128x16xf32, #tpu.memory_space<vmem>> -> memref<1x128x16xf32, #tpu.memory_space<vmem>>
    %dma_wait3A_267 = tpu.memref_squeeze %dma_wait3A_266 : memref<1x128x16xf32, #tpu.memory_space<vmem>> -> memref<128x16xf32, #tpu.memory_space<vmem>>
    %dma_wait3A_268 = arith.constant 0 : i32
    %dma_wait3A_269 = tpu.memref_slice %arg9[%dma_wait3A_268] : memref<20000xi32, #tpu.memory_space<vmem>> -> memref<128xi32, #tpu.memory_space<vmem>>
    %dma_wait3A_270 = arith.constant 0 : i32
    %dma_wait3A_271 = arith.constant 0 : i32
    %dma_wait3A_272 = tpu.memref_slice %arg14[%dma_wait3A_270, %dma_wait3A_271] : memref<10112x16xf32, #tpu.memory_space<vmem_shared>> -> memref<10112x16xf32, #tpu.memory_space<vmem_shared>>
    tpu.wait_indirect_dma semaphore(%arg16 : memref<!tpu.dma_semaphore, #tpu.memory_space<semaphore_mem>>) src(%dma_wait3A_267 : memref<128x16xf32, #tpu.memory_space<vmem>>) dst(%dma_wait3A_272 : memref<10112x16xf32, #tpu.memory_space<vmem_shared>>)
    %dma_wait3A_273 = arith.constant 0 : i32
    %dma_wait3A_274 = arith.constant 0 : i32
    %dma_wait3A_275 = arith.constant 0 : i32
    %dma_wait3A_276 = tpu.memref_slice %arg10[%dma_wait3A_273, %dma_wait3A_274, %dma_wait3A_275] : memref<12x128x16xf32, #tpu.memory_space<vmem>> -> memref<1x128x16xf32, #tpu.memory_space<vmem>>
    %dma_wait3A_277 = tpu.memref_squeeze %dma_wait3A_276 : memref<1x128x16xf32, #tpu.memory_space<vmem>> -> memref<128x16xf32, #tpu.memory_space<vmem>>
    %dma_wait3A_278 = arith.constant 0 : i32
    %dma_wait3A_279 = tpu.memref_slice %arg9[%dma_wait3A_278] : memref<20000xi32, #tpu.memory_space<vmem>> -> memref<128xi32, #tpu.memory_space<vmem>>
    %dma_wait3A_280 = arith.constant 0 : i32
    %dma_wait3A_281 = arith.constant 0 : i32
    %dma_wait3A_282 = tpu.memref_slice %arg14[%dma_wait3A_280, %dma_wait3A_281] : memref<10112x16xf32, #tpu.memory_space<vmem_shared>> -> memref<10112x16xf32, #tpu.memory_space<vmem_shared>>
    tpu.wait_indirect_dma semaphore(%arg16 : memref<!tpu.dma_semaphore, #tpu.memory_space<semaphore_mem>>) src(%dma_wait3A_277 : memref<128x16xf32, #tpu.memory_space<vmem>>) dst(%dma_wait3A_282 : memref<10112x16xf32, #tpu.memory_space<vmem_shared>>)
    %dma_wait3A_283 = arith.constant 0 : i32
    %dma_wait3A_284 = arith.constant 0 : i32
    %dma_wait3A_285 = arith.constant 0 : i32
    %dma_wait3A_286 = tpu.memref_slice %arg10[%dma_wait3A_283, %dma_wait3A_284, %dma_wait3A_285] : memref<12x128x16xf32, #tpu.memory_space<vmem>> -> memref<1x128x16xf32, #tpu.memory_space<vmem>>
    %dma_wait3A_287 = tpu.memref_squeeze %dma_wait3A_286 : memref<1x128x16xf32, #tpu.memory_space<vmem>> -> memref<128x16xf32, #tpu.memory_space<vmem>>
    %dma_wait3A_288 = arith.constant 0 : i32
    %dma_wait3A_289 = tpu.memref_slice %arg9[%dma_wait3A_288] : memref<20000xi32, #tpu.memory_space<vmem>> -> memref<128xi32, #tpu.memory_space<vmem>>
    %dma_wait3A_290 = arith.constant 0 : i32
    %dma_wait3A_291 = arith.constant 0 : i32
    %dma_wait3A_292 = tpu.memref_slice %arg14[%dma_wait3A_290, %dma_wait3A_291] : memref<10112x16xf32, #tpu.memory_space<vmem_shared>> -> memref<10112x16xf32, #tpu.memory_space<vmem_shared>>
    tpu.wait_indirect_dma semaphore(%arg16 : memref<!tpu.dma_semaphore, #tpu.memory_space<semaphore_mem>>) src(%dma_wait3A_287 : memref<128x16xf32, #tpu.memory_space<vmem>>) dst(%dma_wait3A_292 : memref<10112x16xf32, #tpu.memory_space<vmem_shared>>)
    %dma_wait3A_293 = arith.constant 0 : i32
    %dma_wait3A_294 = arith.constant 0 : i32
    %dma_wait3A_295 = arith.constant 0 : i32
    %dma_wait3A_296 = tpu.memref_slice %arg10[%dma_wait3A_293, %dma_wait3A_294, %dma_wait3A_295] : memref<12x128x16xf32, #tpu.memory_space<vmem>> -> memref<1x128x16xf32, #tpu.memory_space<vmem>>
    %dma_wait3A_297 = tpu.memref_squeeze %dma_wait3A_296 : memref<1x128x16xf32, #tpu.memory_space<vmem>> -> memref<128x16xf32, #tpu.memory_space<vmem>>
    %dma_wait3A_298 = arith.constant 0 : i32
    %dma_wait3A_299 = tpu.memref_slice %arg9[%dma_wait3A_298] : memref<20000xi32, #tpu.memory_space<vmem>> -> memref<128xi32, #tpu.memory_space<vmem>>
    %dma_wait3A_300 = arith.constant 0 : i32
    %dma_wait3A_301 = arith.constant 0 : i32
    %dma_wait3A_302 = tpu.memref_slice %arg14[%dma_wait3A_300, %dma_wait3A_301] : memref<10112x16xf32, #tpu.memory_space<vmem_shared>> -> memref<10112x16xf32, #tpu.memory_space<vmem_shared>>
    tpu.wait_indirect_dma semaphore(%arg16 : memref<!tpu.dma_semaphore, #tpu.memory_space<semaphore_mem>>) src(%dma_wait3A_297 : memref<128x16xf32, #tpu.memory_space<vmem>>) dst(%dma_wait3A_302 : memref<10112x16xf32, #tpu.memory_space<vmem_shared>>)
    %dma_start3A_303 = arith.constant 0 : i32
    %dma_start3A_304 = arith.constant 0 : i32
    %dma_start3A_305 = arith.constant 0 : i32
    %dma_start3A_306 = tpu.memref_slice %arg10[%dma_start3A_303, %dma_start3A_304, %dma_start3A_305] : memref<12x128x16xf32, #tpu.memory_space<vmem>> -> memref<1x32x16xf32, #tpu.memory_space<vmem>>
    %dma_start3A_307 = tpu.memref_squeeze %dma_start3A_306 : memref<1x32x16xf32, #tpu.memory_space<vmem>> -> memref<32x16xf32, #tpu.memory_space<vmem>>
    %dma_start3A_308 = arith.constant 19968 : i32
    %dma_start3A_309 = tpu.memref_slice %arg8[%dma_start3A_308] : memref<20000xi32, #tpu.memory_space<vmem>> -> memref<32xi32, #tpu.memory_space<vmem>>
    %dma_start3A_310 = arith.constant 0 : i32
    %dma_start3A_311 = arith.constant 0 : i32
    %dma_start3A_312 = tpu.memref_slice %arg3[%arg0, %dma_start3A_310, %dma_start3A_311] : memref<2x10000x16xf32, #tpu.memory_space<hbm>> -> memref<1x10000x16xf32, #tpu.memory_space<hbm>>
    %dma_start3A_313 = tpu.memref_squeeze %dma_start3A_312 : memref<1x10000x16xf32, #tpu.memory_space<hbm>> -> memref<10000x16xf32, #tpu.memory_space<hbm>>
    %dma_start3A_314 = arith.constant 0 : i32
    %dma_start3A_315 = arith.constant 0 : i32
    %dma_start3A_316 = tpu.memref_slice %dma_start3A_313[%dma_start3A_314, %dma_start3A_315] : memref<10000x16xf32, #tpu.memory_space<hbm>> -> memref<10000x16xf32, #tpu.memory_space<hbm>>
    tpu.enqueue_indirect_dma source(%dma_start3A_316 : memref<10000x16xf32, #tpu.memory_space<hbm>>) target(%dma_start3A_307 : memref<32x16xf32, #tpu.memory_space<vmem>>) offsets(%dma_start3A_309 : memref<32xi32, #tpu.memory_space<vmem>>) semaphore(%arg15 : memref<!tpu.dma_semaphore, #tpu.memory_space<semaphore_mem>>)
    %dma_wait3A_317 = arith.constant 0 : i32
    %dma_wait3A_318 = arith.constant 0 : i32
    %dma_wait3A_319 = arith.constant 0 : i32
    %dma_wait3A_320 = tpu.memref_slice %arg10[%dma_wait3A_317, %dma_wait3A_318, %dma_wait3A_319] : memref<12x128x16xf32, #tpu.memory_space<vmem>> -> memref<1x32x16xf32, #tpu.memory_space<vmem>>
    %dma_wait3A_321 = tpu.memref_squeeze %dma_wait3A_320 : memref<1x32x16xf32, #tpu.memory_space<vmem>> -> memref<32x16xf32, #tpu.memory_space<vmem>>
    %dma_wait3A_322 = arith.constant 19968 : i32
    %dma_wait3A_323 = tpu.memref_slice %arg8[%dma_wait3A_322] : memref<20000xi32, #tpu.memory_space<vmem>> -> memref<32xi32, #tpu.memory_space<vmem>>
    %dma_wait3A_324 = arith.constant 0 : i32
    %dma_wait3A_325 = arith.constant 0 : i32
    %dma_wait3A_326 = tpu.memref_slice %arg3[%arg0, %dma_wait3A_324, %dma_wait3A_325] : memref<2x10000x16xf32, #tpu.memory_space<hbm>> -> memref<1x10000x16xf32, #tpu.memory_space<hbm>>
    %dma_wait3A_327 = tpu.memref_squeeze %dma_wait3A_326 : memref<1x10000x16xf32, #tpu.memory_space<hbm>> -> memref<10000x16xf32, #tpu.memory_space<hbm>>
    %dma_wait3A_328 = arith.constant 0 : i32
    %dma_wait3A_329 = arith.constant 0 : i32
    %dma_wait3A_330 = tpu.memref_slice %dma_wait3A_327[%dma_wait3A_328, %dma_wait3A_329] : memref<10000x16xf32, #tpu.memory_space<hbm>> -> memref<10000x16xf32, #tpu.memory_space<hbm>>
    tpu.wait_indirect_dma semaphore(%arg15 : memref<!tpu.dma_semaphore, #tpu.memory_space<semaphore_mem>>) src(%dma_wait3A_330 : memref<10000x16xf32, #tpu.memory_space<hbm>>) dst(%dma_wait3A_321 : memref<32x16xf32, #tpu.memory_space<vmem>>)
    %run_scoped3A_331 = arith.constant 0 : i32
    "tpu.region"() ({
      %run_scoped3A_347 = tpu.sem_alloc : memref<!tpu.dma_semaphore, #tpu.memory_space<semaphore_mem>>
      %dma_start3A_348 = arith.constant 0 : i32
      %dma_start3A_349 = arith.constant 0 : i32
      %dma_start3A_350 = tpu.memref_slice %arg10[%run_scoped3A_331, %dma_start3A_348, %dma_start3A_349] : memref<12x128x16xf32, #tpu.memory_space<vmem>> -> memref<1x32x16xf32, #tpu.memory_space<vmem>>
      %dma_start3A_351 = tpu.memref_squeeze %dma_start3A_350 : memref<1x32x16xf32, #tpu.memory_space<vmem>> -> memref<32x16xf32, #tpu.memory_space<vmem>>
      %dma_start3A_352 = arith.constant 19968 : i32
      %dma_start3A_353 = tpu.memref_slice %arg9[%dma_start3A_352] : memref<20000xi32, #tpu.memory_space<vmem>> -> memref<32xi32, #tpu.memory_space<vmem>>
      %dma_start3A_354 = arith.constant 0 : i32
      %dma_start3A_355 = arith.constant 0 : i32
      %dma_start3A_356 = tpu.memref_slice %arg14[%dma_start3A_354, %dma_start3A_355] : memref<10112x16xf32, #tpu.memory_space<vmem_shared>> -> memref<10112x16xf32, #tpu.memory_space<vmem_shared>>
      tpu.enqueue_indirect_dma source(%dma_start3A_351 : memref<32x16xf32, #tpu.memory_space<vmem>>) target(%dma_start3A_356 : memref<10112x16xf32, #tpu.memory_space<vmem_shared>>) offsets(%dma_start3A_353 : memref<32xi32, #tpu.memory_space<vmem>>) semaphore(%run_scoped3A_347 : memref<!tpu.dma_semaphore, #tpu.memory_space<semaphore_mem>>) {add = true}
      %dma_wait3A_357 = arith.constant 0 : i32
      %dma_wait3A_358 = arith.constant 0 : i32
      %dma_wait3A_359 = tpu.memref_slice %arg10[%run_scoped3A_331, %dma_wait3A_357, %dma_wait3A_358] : memref<12x128x16xf32, #tpu.memory_space<vmem>> -> memref<1x32x16xf32, #tpu.memory_space<vmem>>
      %dma_wait3A_360 = tpu.memref_squeeze %dma_wait3A_359 : memref<1x32x16xf32, #tpu.memory_space<vmem>> -> memref<32x16xf32, #tpu.memory_space<vmem>>
      %dma_wait3A_361 = arith.constant 19968 : i32
      %dma_wait3A_362 = tpu.memref_slice %arg9[%dma_wait3A_361] : memref<20000xi32, #tpu.memory_space<vmem>> -> memref<32xi32, #tpu.memory_space<vmem>>
      %dma_wait3A_363 = arith.constant 0 : i32
      %dma_wait3A_364 = arith.constant 0 : i32
      %dma_wait3A_365 = tpu.memref_slice %arg14[%dma_wait3A_363, %dma_wait3A_364] : memref<10112x16xf32, #tpu.memory_space<vmem_shared>> -> memref<10112x16xf32, #tpu.memory_space<vmem_shared>>
      tpu.wait_indirect_dma semaphore(%run_scoped3A_347 : memref<!tpu.dma_semaphore, #tpu.memory_space<semaphore_mem>>) src(%dma_wait3A_360 : memref<32x16xf32, #tpu.memory_space<vmem>>) dst(%dma_wait3A_365 : memref<10112x16xf32, #tpu.memory_space<vmem_shared>>)
      tpu.yield
    }) : () -> ()
    %barrier3A_332 = arith.constant 0 : index
    tpu.barrier barrier_id(%barrier3A_332)
    %mul3A_333 = arith.constant 632 : i32
    %mul3A_334 = arith.muli %arg1, %mul3A_333 : i32
    "tpu.region"() ({
      %run_scoped3A_347 = tpu.sem_alloc : memref<!tpu.dma_semaphore, #tpu.memory_space<semaphore_mem>>
      %dma_start3A_348 = arith.constant 0 : i32
      %dma_start3A_349 = tpu.memref_slice %arg14[%mul3A_334, %dma_start3A_348] : memref<10112x16xf32, #tpu.memory_space<vmem_shared>> -> memref<632x16xf32, #tpu.memory_space<vmem_shared>>
      %dma_start3A_350 = arith.constant 0 : i32
      %dma_start3A_351 = tpu.memref_slice %arg14[%mul3A_334, %dma_start3A_350] : memref<10112x16xf32, #tpu.memory_space<vmem_shared>> -> memref<632x16xf32, #tpu.memory_space<vmem_shared>>
      tpu.enqueue_dma source(%dma_start3A_351 : memref<632x16xf32, #tpu.memory_space<vmem_shared>>) target(%arg11 : memref<632x16xf32, #tpu.memory_space<vmem>>) target_semaphore(%run_scoped3A_347 : memref<!tpu.dma_semaphore, #tpu.memory_space<semaphore_mem>>)
      %dma_wait3A_352 = arith.constant 0 : i32
      %dma_wait3A_353 = tpu.memref_slice %arg14[%mul3A_334, %dma_wait3A_352] : memref<10112x16xf32, #tpu.memory_space<vmem_shared>> -> memref<632x16xf32, #tpu.memory_space<vmem_shared>>
      %dma_wait3A_354 = arith.constant 0 : i32
      %dma_wait3A_355 = tpu.memref_slice %arg14[%mul3A_334, %dma_wait3A_354] : memref<10112x16xf32, #tpu.memory_space<vmem_shared>> -> memref<632x16xf32, #tpu.memory_space<vmem_shared>>
      tpu.wait_dma2 semaphore(%run_scoped3A_347 : memref<!tpu.dma_semaphore, #tpu.memory_space<semaphore_mem>>) src(%dma_wait3A_355 : memref<632x16xf32, #tpu.memory_space<vmem_shared>>) dst(%arg11 : memref<632x16xf32, #tpu.memory_space<vmem>>)
      tpu.yield
    }) : () -> ()
    %get3A = arith.constant 0 : index
    %get3A_335 = tpu.vector_load %arg13[%get3A] {strides = array<i32>} : memref<16xf32, #tpu.memory_space<vmem>>, vector<16xf32>,
    %get3A_336 = vector.shape_cast %get3A_335 : vector<16xf32> to vector<16xf32>
    %lt3A_337 = arith.constant 15 : i32
    %lt3A_338 = arith.cmpi slt, %arg1, %lt3A_337 : i32
    %convert_element_type3A_339 = arith.extui %lt3A_338 : i1 to i32
    %cond3A_340 = arith.constant 0 : i32
    %cond3A_341 = arith.cmpi ne, %convert_element_type3A_339, %cond3A_340 : i32
    scf.if %cond3A_341 {
      "tpu.region"() ({
        %run_scoped3A_353 = tpu.sem_alloc : memref<!tpu.dma_semaphore, #tpu.memory_space<semaphore_mem>>
        %dma_start3A_354 = arith.constant 0 : i32
        %dma_start3A_355 = tpu.memref_slice %arg5[%mul3A_334, %dma_start3A_354] : memref<10000x16xf32, #tpu.memory_space<hbm>> -> memref<632x16xf32, #tpu.memory_space<hbm>>
        %dma_start3A_356 = arith.constant 0 : i32
        %dma_start3A_357 = tpu.memref_slice %arg5[%mul3A_334, %dma_start3A_356] : memref<10000x16xf32, #tpu.memory_space<hbm>> -> memref<632x16xf32, #tpu.memory_space<hbm>>
        tpu.enqueue_dma source(%dma_start3A_357 : memref<632x16xf32, #tpu.memory_space<hbm>>) target(%arg12 : memref<632x16xf32, #tpu.memory_space<vmem>>) target_semaphore(%run_scoped3A_353 : memref<!tpu.dma_semaphore, #tpu.memory_space<semaphore_mem>>)
        %dma_wait3A_358 = arith.constant 0 : i32
        %dma_wait3A_359 = tpu.memref_slice %arg5[%mul3A_334, %dma_wait3A_358] : memref<10000x16xf32, #tpu.memory_space<hbm>> -> memref<632x16xf32, #tpu.memory_space<hbm>>
        %dma_wait3A_360 = arith.constant 0 : i32
        %dma_wait3A_361 = tpu.memref_slice %arg5[%mul3A_334, %dma_wait3A_360] : memref<10000x16xf32, #tpu.memory_space<hbm>> -> memref<632x16xf32, #tpu.memory_space<hbm>>
        tpu.wait_dma2 semaphore(%run_scoped3A_353 : memref<!tpu.dma_semaphore, #tpu.memory_space<semaphore_mem>>) src(%dma_wait3A_361 : memref<632x16xf32, #tpu.memory_space<hbm>>) dst(%arg12 : memref<632x16xf32, #tpu.memory_space<vmem>>)
        tpu.yield
      }) : () -> ()
      %scan3A_347 = arith.constant 0 : i32
      %scan3A_348 = arith.constant 0 : i32
      %scan3A_349 = arith.constant 632 : i32
      %scan3A_350 = arith.addi %scan3A_348, %scan3A_349 : i32
      %scan3A_351 = arith.constant 1 : i32
      scf.for %scan3A_353 = %scan3A_348 to %scan3A_350 step %scan3A_351  : i32 {
        %get3A_354 = arith.index_cast %scan3A_353 : i32 to index
        %get3A_355 = arith.constant 0 : index
        %get3A_356 = tpu.vector_load %arg11[%get3A_354, %get3A_355] {strides = array<i32>} : memref<632x16xf32, #tpu.memory_space<vmem>>, vector<1x16xf32>,
        %get3A_357 = vector.shape_cast %get3A_356 : vector<1x16xf32> to vector<16xf32>
        %get3A_358 = arith.index_cast %scan3A_353 : i32 to index
        %get3A_359 = arith.constant 0 : index
        %get3A_360 = tpu.vector_load %arg12[%get3A_358, %get3A_359] {strides = array<i32>} : memref<632x16xf32, #tpu.memory_space<vmem>>, vector<1x16xf32>,
        %get3A_361 = vector.shape_cast %get3A_360 : vector<1x16xf32> to vector<16xf32>
        %mul3A_362 = arith.mulf %get3A_357, %get3A_361 : vector<16xf32>
        %add3A = arith.addf %mul3A_362, %get3A_336 : vector<16xf32>
        %swap3A = arith.index_cast %scan3A_353 : i32 to index
        %swap3A_363 = arith.constant 0 : index
        %swap3A_364 = tpu.vector_load %arg11[%swap3A, %swap3A_363] {strides = array<i32>} : memref<632x16xf32, #tpu.memory_space<vmem>>, vector<1x16xf32>,
        %swap3A_365 = vector.shape_cast %swap3A_364 : vector<1x16xf32> to vector<16xf32>
        %swap3A_366 = vector.shape_cast %add3A : vector<16xf32> to vector<1x16xf32>
        tpu.vector_store %arg11[%swap3A, %swap3A_363], %swap3A_366 {strides = array<i32>} : memref<632x16xf32, #tpu.memory_space<vmem>>, vector<1x16xf32>,
      }
      %scan3A_352 = arith.constant 632 : i32
      "tpu.region"() ({
        %run_scoped3A_353 = tpu.sem_alloc : memref<!tpu.dma_semaphore, #tpu.memory_space<semaphore_mem>>
        %dma_start3A_354 = arith.constant 0 : i32
        %dma_start3A_355 = tpu.memref_slice %arg7[%arg0, %mul3A_334, %dma_start3A_354] : memref<2x10000x16xf32, #tpu.memory_space<hbm>> -> memref<1x632x16xf32, #tpu.memory_space<hbm>>
        %dma_start3A_356 = tpu.memref_squeeze %dma_start3A_355 : memref<1x632x16xf32, #tpu.memory_space<hbm>> -> memref<632x16xf32, #tpu.memory_space<hbm>>
        %dma_start3A_357 = arith.constant 0 : i32
        %dma_start3A_358 = tpu.memref_slice %arg7[%arg0, %mul3A_334, %dma_start3A_357] : memref<2x10000x16xf32, #tpu.memory_space<hbm>> -> memref<1x632x16xf32, #tpu.memory_space<hbm>>
        %dma_start3A_359 = tpu.memref_squeeze %dma_start3A_358 : memref<1x632x16xf32, #tpu.memory_space<hbm>> -> memref<632x16xf32, #tpu.memory_space<hbm>>
        tpu.enqueue_dma source(%arg11 : memref<632x16xf32, #tpu.memory_space<vmem>>) target(%dma_start3A_359 : memref<632x16xf32, #tpu.memory_space<hbm>>) target_semaphore(%run_scoped3A_353 : memref<!tpu.dma_semaphore, #tpu.memory_space<semaphore_mem>>)
        %dma_wait3A_360 = arith.constant 0 : i32
        %dma_wait3A_361 = tpu.memref_slice %arg7[%arg0, %mul3A_334, %dma_wait3A_360] : memref<2x10000x16xf32, #tpu.memory_space<hbm>> -> memref<1x632x16xf32, #tpu.memory_space<hbm>>
        %dma_wait3A_362 = tpu.memref_squeeze %dma_wait3A_361 : memref<1x632x16xf32, #tpu.memory_space<hbm>> -> memref<632x16xf32, #tpu.memory_space<hbm>>
        %dma_wait3A_363 = arith.constant 0 : i32
        %dma_wait3A_364 = tpu.memref_slice %arg7[%arg0, %mul3A_334, %dma_wait3A_363] : memref<2x10000x16xf32, #tpu.memory_space<hbm>> -> memref<1x632x16xf32, #tpu.memory_space<hbm>>
        %dma_wait3A_365 = tpu.memref_squeeze %dma_wait3A_364 : memref<1x632x16xf32, #tpu.memory_space<hbm>> -> memref<632x16xf32, #tpu.memory_space<hbm>>
        tpu.wait_dma2 semaphore(%run_scoped3A_353 : memref<!tpu.dma_semaphore, #tpu.memory_space<semaphore_mem>>) src(%arg11 : memref<632x16xf32, #tpu.memory_space<vmem>>) dst(%dma_wait3A_365 : memref<632x16xf32, #tpu.memory_space<hbm>>)
        tpu.yield
      }) : () -> ()
    } else {
    }
    %eq3A_342 = arith.constant 15 : i32
    %eq3A_343 = arith.cmpi eq, %arg1, %eq3A_342 : i32
    %convert_element_type3A_344 = arith.extui %eq3A_343 : i1 to i32
    %cond3A_345 = arith.constant 0 : i32
    %cond3A_346 = arith.cmpi ne, %convert_element_type3A_344, %cond3A_345 : i32
    scf.if %cond3A_346 {
      "tpu.region"() ({
        %run_scoped3A_353 = tpu.sem_alloc : memref<!tpu.dma_semaphore, #tpu.memory_space<semaphore_mem>>
        %dma_start3A_354 = arith.constant 0 : i32
        %dma_start3A_355 = arith.constant 0 : i32
        %dma_start3A_356 = tpu.memref_slice %arg12[%dma_start3A_354, %dma_start3A_355] : memref<632x16xf32, #tpu.memory_space<vmem>> -> memref<520x16xf32, #tpu.memory_space<vmem>>
        %dma_start3A_357 = arith.constant 0 : i32
        %dma_start3A_358 = tpu.memref_slice %arg5[%mul3A_334, %dma_start3A_357] : memref<10000x16xf32, #tpu.memory_space<hbm>> -> memref<520x16xf32, #tpu.memory_space<hbm>>
        %dma_start3A_359 = arith.constant 0 : i32
        %dma_start3A_360 = arith.constant 0 : i32
        %dma_start3A_361 = tpu.memref_slice %arg12[%dma_start3A_359, %dma_start3A_360] : memref<632x16xf32, #tpu.memory_space<vmem>> -> memref<520x16xf32, #tpu.memory_space<vmem>>
        %dma_start3A_362 = arith.constant 0 : i32
        %dma_start3A_363 = tpu.memref_slice %arg5[%mul3A_334, %dma_start3A_362] : memref<10000x16xf32, #tpu.memory_space<hbm>> -> memref<520x16xf32, #tpu.memory_space<hbm>>
        tpu.enqueue_dma source(%dma_start3A_363 : memref<520x16xf32, #tpu.memory_space<hbm>>) target(%dma_start3A_361 : memref<520x16xf32, #tpu.memory_space<vmem>>) target_semaphore(%run_scoped3A_353 : memref<!tpu.dma_semaphore, #tpu.memory_space<semaphore_mem>>)
        %dma_wait3A_364 = arith.constant 0 : i32
        %dma_wait3A_365 = arith.constant 0 : i32
        %dma_wait3A_366 = tpu.memref_slice %arg12[%dma_wait3A_364, %dma_wait3A_365] : memref<632x16xf32, #tpu.memory_space<vmem>> -> memref<520x16xf32, #tpu.memory_space<vmem>>
        %dma_wait3A_367 = arith.constant 0 : i32
        %dma_wait3A_368 = tpu.memref_slice %arg5[%mul3A_334, %dma_wait3A_367] : memref<10000x16xf32, #tpu.memory_space<hbm>> -> memref<520x16xf32, #tpu.memory_space<hbm>>
        %dma_wait3A_369 = arith.constant 0 : i32
        %dma_wait3A_370 = arith.constant 0 : i32
        %dma_wait3A_371 = tpu.memref_slice %arg12[%dma_wait3A_369, %dma_wait3A_370] : memref<632x16xf32, #tpu.memory_space<vmem>> -> memref<520x16xf32, #tpu.memory_space<vmem>>
        %dma_wait3A_372 = arith.constant 0 : i32
        %dma_wait3A_373 = tpu.memref_slice %arg5[%mul3A_334, %dma_wait3A_372] : memref<10000x16xf32, #tpu.memory_space<hbm>> -> memref<520x16xf32, #tpu.memory_space<hbm>>
        tpu.wait_dma2 semaphore(%run_scoped3A_353 : memref<!tpu.dma_semaphore, #tpu.memory_space<semaphore_mem>>) src(%dma_wait3A_373 : memref<520x16xf32, #tpu.memory_space<hbm>>) dst(%dma_wait3A_371 : memref<520x16xf32, #tpu.memory_space<vmem>>)
        tpu.yield
      }) : () -> ()
      %scan3A_347 = arith.constant 0 : i32
      %scan3A_348 = arith.constant 0 : i32
      %scan3A_349 = arith.constant 520 : i32
      %scan3A_350 = arith.addi %scan3A_348, %scan3A_349 : i32
      %scan3A_351 = arith.constant 1 : i32
      scf.for %scan3A_353 = %scan3A_348 to %scan3A_350 step %scan3A_351  : i32 {
        %get3A_354 = arith.index_cast %scan3A_353 : i32 to index
        %get3A_355 = arith.constant 0 : index
        %get3A_356 = tpu.vector_load %arg11[%get3A_354, %get3A_355] {strides = array<i32>} : memref<632x16xf32, #tpu.memory_space<vmem>>, vector<1x16xf32>,
        %get3A_357 = vector.shape_cast %get3A_356 : vector<1x16xf32> to vector<16xf32>
        %get3A_358 = arith.index_cast %scan3A_353 : i32 to index
        %get3A_359 = arith.constant 0 : index
        %get3A_360 = tpu.vector_load %arg12[%get3A_358, %get3A_359] {strides = array<i32>} : memref<632x16xf32, #tpu.memory_space<vmem>>, vector<1x16xf32>,
        %get3A_361 = vector.shape_cast %get3A_360 : vector<1x16xf32> to vector<16xf32>
        %mul3A_362 = arith.mulf %get3A_357, %get3A_361 : vector<16xf32>
        %add3A = arith.addf %mul3A_362, %get3A_336 : vector<16xf32>
        %swap3A = arith.index_cast %scan3A_353 : i32 to index
        %swap3A_363 = arith.constant 0 : index
        %swap3A_364 = tpu.vector_load %arg11[%swap3A, %swap3A_363] {strides = array<i32>} : memref<632x16xf32, #tpu.memory_space<vmem>>, vector<1x16xf32>,
        %swap3A_365 = vector.shape_cast %swap3A_364 : vector<1x16xf32> to vector<16xf32>
        %swap3A_366 = vector.shape_cast %add3A : vector<16xf32> to vector<1x16xf32>
        tpu.vector_store %arg11[%swap3A, %swap3A_363], %swap3A_366 {strides = array<i32>} : memref<632x16xf32, #tpu.memory_space<vmem>>, vector<1x16xf32>,
      }
      %scan3A_352 = arith.constant 520 : i32
      "tpu.region"() ({
        %run_scoped3A_353 = tpu.sem_alloc : memref<!tpu.dma_semaphore, #tpu.memory_space<semaphore_mem>>
        %dma_start3A_354 = arith.constant 0 : i32
        %dma_start3A_355 = arith.constant 0 : i32
        %dma_start3A_356 = tpu.memref_slice %arg11[%dma_start3A_354, %dma_start3A_355] : memref<632x16xf32, #tpu.memory_space<vmem>> -> memref<520x16xf32, #tpu.memory_space<vmem>>
        %dma_start3A_357 = arith.constant 0 : i32
        %dma_start3A_358 = tpu.memref_slice %arg7[%arg0, %mul3A_334, %dma_start3A_357] : memref<2x10000x16xf32, #tpu.memory_space<hbm>> -> memref<1x520x16xf32, #tpu.memory_space<hbm>>
        %dma_start3A_359 = tpu.memref_squeeze %dma_start3A_358 : memref<1x520x16xf32, #tpu.memory_space<hbm>> -> memref<520x16xf32, #tpu.memory_space<hbm>>
        %dma_start3A_360 = arith.constant 0 : i32
        %dma_start3A_361 = tpu.memref_slice %arg7[%arg0, %mul3A_334, %dma_start3A_360] : memref<2x10000x16xf32, #tpu.memory_space<hbm>> -> memref<1x520x16xf32, #tpu.memory_space<hbm>>
        %dma_start3A_362 = tpu.memref_squeeze %dma_start3A_361 : memref<1x520x16xf32, #tpu.memory_space<hbm>> -> memref<520x16xf32, #tpu.memory_space<hbm>>
        %dma_start3A_363 = arith.constant 0 : i32
        %dma_start3A_364 = arith.constant 0 : i32
        %dma_start3A_365 = tpu.memref_slice %arg11[%dma_start3A_363, %dma_start3A_364] : memref<632x16xf32, #tpu.memory_space<vmem>> -> memref<520x16xf32, #tpu.memory_space<vmem>>
        tpu.enqueue_dma source(%dma_start3A_365 : memref<520x16xf32, #tpu.memory_space<vmem>>) target(%dma_start3A_362 : memref<520x16xf32, #tpu.memory_space<hbm>>) target_semaphore(%run_scoped3A_353 : memref<!tpu.dma_semaphore, #tpu.memory_space<semaphore_mem>>)
        %dma_wait3A_366 = arith.constant 0 : i32
        %dma_wait3A_367 = arith.constant 0 : i32
        %dma_wait3A_368 = tpu.memref_slice %arg11[%dma_wait3A_366, %dma_wait3A_367] : memref<632x16xf32, #tpu.memory_space<vmem>> -> memref<520x16xf32, #tpu.memory_space<vmem>>
        %dma_wait3A_369 = arith.constant 0 : i32
        %dma_wait3A_370 = tpu.memref_slice %arg7[%arg0, %mul3A_334, %dma_wait3A_369] : memref<2x10000x16xf32, #tpu.memory_space<hbm>> -> memref<1x520x16xf32, #tpu.memory_space<hbm>>
        %dma_wait3A_371 = tpu.memref_squeeze %dma_wait3A_370 : memref<1x520x16xf32, #tpu.memory_space<hbm>> -> memref<520x16xf32, #tpu.memory_space<hbm>>
        %dma_wait3A_372 = arith.constant 0 : i32
        %dma_wait3A_373 = tpu.memref_slice %arg7[%arg0, %mul3A_334, %dma_wait3A_372] : memref<2x10000x16xf32, #tpu.memory_space<hbm>> -> memref<1x520x16xf32, #tpu.memory_space<hbm>>
        %dma_wait3A_374 = tpu.memref_squeeze %dma_wait3A_373 : memref<1x520x16xf32, #tpu.memory_space<hbm>> -> memref<520x16xf32, #tpu.memory_space<hbm>>
        %dma_wait3A_375 = arith.constant 0 : i32
        %dma_wait3A_376 = arith.constant 0 : i32
        %dma_wait3A_377 = tpu.memref_slice %arg11[%dma_wait3A_375, %dma_wait3A_376] : memref<632x16xf32, #tpu.memory_space<vmem>> -> memref<520x16xf32, #tpu.memory_space<vmem>>
        tpu.wait_dma2 semaphore(%run_scoped3A_353 : memref<!tpu.dma_semaphore, #tpu.memory_space<semaphore_mem>>) src(%dma_wait3A_377 : memref<520x16xf32, #tpu.memory_space<vmem>>) dst(%dma_wait3A_374 : memref<520x16xf32, #tpu.memory_space<hbm>>)
        tpu.yield
      }) : () -> ()
    } else {
    }
    return
  }
}

module attributes {stable_mosaic.version = 14 : i64} {
  func.func @_prescale_body(%arg0: i32, %arg1: memref<2x1000x16xf32, #tpu.memory_space<vmem>>, %arg2: memref<1000x128xf32, #tpu.memory_space<vmem>>, %arg3: memref<2x1000x64xf32, #tpu.memory_space<vmem>>, %arg4: memref<1000x16xf32, #tpu.memory_space<vmem>>) attributes {dimension_semantics = [#tpu.dimension_semantics<arbitrary>], iteration_bounds = array<i64: 10>, scalar_prefetch = 0 : i64, scratch_operands = 0 : i64, tpu.core_type = #tpu.core_type<tc>, window_params = [{transform_indices = @transform_0, window_bounds = array<i64: 2, 1000, 16>}, {transform_indices = @transform_1, window_bounds = array<i64: 1000, 128>}, {transform_indices = @transform_2, window_bounds = array<i64: 2, 1000, 64>}, {transform_indices = @transform_3, window_bounds = array<i64: 1000, 16>}]} {
    %get3A = arith.constant 0 : index
    %get3A_0 = arith.constant 0 : index
    %get3A_1 = arith.constant 0 : index
    %get3A_2 = vector.load %arg1[%get3A, %get3A_0, %get3A_1] : memref<2x1000x16xf32, #tpu.memory_space<vmem>>, vector<1x1000x1xf32>
    %get3A_3 = vector.shape_cast %get3A_2 : vector<1x1000x1xf32> to vector<1000x1xf32>
    %get3A_4 = arith.constant 1 : index
    %get3A_5 = arith.constant 0 : index
    %get3A_6 = arith.constant 0 : index
    %get3A_7 = vector.load %arg1[%get3A_4, %get3A_5, %get3A_6] : memref<2x1000x16xf32, #tpu.memory_space<vmem>>, vector<1x1000x1xf32>
    %get3A_8 = vector.shape_cast %get3A_7 : vector<1x1000x1xf32> to vector<1000x1xf32>
    %add3A = arith.addf %get3A_3, %get3A_8 : vector<1000x1xf32>
    %add3A_9 = arith.constant 1.000000e+00 : f32
    %add3A_10 = vector.broadcast %add3A_9 : f32 to vector<1000x1xf32>
    %add3A_11 = arith.addf %add3A, %add3A_10 : vector<1000x1xf32>
    %rsqrt3A = math.rsqrt %add3A_11 : vector<1000x1xf32>
    %get3A_12 = arith.constant 0 : index
    %get3A_13 = arith.constant 0 : index
    %get3A_14 = vector.load %arg2[%get3A_12, %get3A_13] : memref<1000x128xf32, #tpu.memory_space<vmem>>, vector<1000x64xf32>
    %mul3A = vector.broadcast %rsqrt3A : vector<1000x1xf32> to vector<1000x64xf32>
    %mul3A_15 = arith.mulf %get3A_14, %mul3A : vector<1000x64xf32>
    %swap3A = arith.constant 0 : index
    %swap3A_16 = arith.constant 0 : index
    %swap3A_17 = arith.constant 0 : index
    %swap3A_18 = vector.load %arg3[%swap3A, %swap3A_16, %swap3A_17] : memref<2x1000x64xf32, #tpu.memory_space<vmem>>, vector<1x1000x64xf32>
    %swap3A_19 = vector.shape_cast %swap3A_18 : vector<1x1000x64xf32> to vector<1000x64xf32>
    %swap3A_20 = vector.shape_cast %mul3A_15 : vector<1000x64xf32> to vector<1x1000x64xf32>
    tpu.vector_store %arg3[%swap3A, %swap3A_16, %swap3A_17], %swap3A_20 {strides = array<i32>} : memref<2x1000x64xf32, #tpu.memory_space<vmem>>, vector<1x1000x64xf32>,
    %get3A_21 = arith.constant 0 : index
    %get3A_22 = arith.constant 64 : index
    %get3A_23 = vector.load %arg2[%get3A_21, %get3A_22] : memref<1000x128xf32, #tpu.memory_space<vmem>>, vector<1000x64xf32>
    %mul3A_24 = vector.broadcast %rsqrt3A : vector<1000x1xf32> to vector<1000x64xf32>
    %mul3A_25 = arith.mulf %get3A_23, %mul3A_24 : vector<1000x64xf32>
    %swap3A_26 = arith.constant 1 : index
    %swap3A_27 = arith.constant 0 : index
    %swap3A_28 = arith.constant 0 : index
    %swap3A_29 = vector.load %arg3[%swap3A_26, %swap3A_27, %swap3A_28] : memref<2x1000x64xf32, #tpu.memory_space<vmem>>, vector<1x1000x64xf32>
    %swap3A_30 = vector.shape_cast %swap3A_29 : vector<1x1000x64xf32> to vector<1000x64xf32>
    %swap3A_31 = vector.shape_cast %mul3A_25 : vector<1000x64xf32> to vector<1x1000x64xf32>
    tpu.vector_store %arg3[%swap3A_26, %swap3A_27, %swap3A_28], %swap3A_31 {strides = array<i32>} : memref<2x1000x64xf32, #tpu.memory_space<vmem>>, vector<1x1000x64xf32>,
    %broadcast_in_dim3A = vector.shape_cast %rsqrt3A : vector<1000x1xf32> to vector<1000x1xf32>
    %broadcast_in_dim3A_32 = vector.broadcast %broadcast_in_dim3A : vector<1000x1xf32> to vector<1000x16xf32>
    %swap3A_33 = arith.constant 0 : index
    %swap3A_34 = arith.constant 0 : index
    %swap3A_35 = vector.load %arg4[%swap3A_33, %swap3A_34] : memref<1000x16xf32, #tpu.memory_space<vmem>>, vector<1000x16xf32>
    tpu.vector_store %arg4[%swap3A_33, %swap3A_34], %broadcast_in_dim3A_32 {strides = array<i32>} : memref<1000x16xf32, #tpu.memory_space<vmem>>, vector<1000x16xf32>,
    return
  }
  func.func @transform_0(%arg0: i32) -> (i32, i32, i32) {
    %c0_i32 = arith.constant 0 : i32
    %c0_i32_0 = arith.constant 0 : i32
    %c0_i32_1 = arith.constant 0 : i32
    return %c0_i32, %arg0, %c0_i32_0 : i32, i32, i32
  }
  func.func @transform_1(%arg0: i32) -> (i32, i32) {
    %c0_i32 = arith.constant 0 : i32
    %c0_i32_0 = arith.constant 0 : i32
    return %arg0, %c0_i32 : i32, i32
  }
  func.func @transform_2(%arg0: i32) -> (i32, i32, i32) {
    %c0_i32 = arith.constant 0 : i32
    %c0_i32_0 = arith.constant 0 : i32
    %c0_i32_1 = arith.constant 0 : i32
    return %c0_i32, %arg0, %c0_i32_0 : i32, i32, i32
  }
  func.func @transform_3(%arg0: i32) -> (i32, i32) {
    %c0_i32 = arith.constant 0 : i32
    %c0_i32_0 = arith.constant 0 : i32
    return %arg0, %c0_i32 : i32, i32
  }
}

module attributes {stable_mosaic.version = 14 : i64} {
  func.func @_mlp_body(%arg0: i32, %arg1: memref<1000x16xf32, #tpu.memory_space<vmem>>, %arg2: memref<2x1000x64xf32, #tpu.memory_space<vmem>>, %arg3: memref<128x256xf32, #tpu.memory_space<vmem>>, %arg4: memref<1x256xf32, #tpu.memory_space<vmem>>, %arg5: memref<256x32xf32, #tpu.memory_space<vmem>>, %arg6: memref<2x1000x16xf32, #tpu.memory_space<vmem>>) attributes {dimension_semantics = [#tpu.dimension_semantics<arbitrary>], iteration_bounds = array<i64: 10>, scalar_prefetch = 0 : i64, scratch_operands = 0 : i64, tpu.core_type = #tpu.core_type<tc>, window_params = [{transform_indices = @transform_0, window_bounds = array<i64: 1000, 16>}, {transform_indices = @transform_1, window_bounds = array<i64: 2, 1000, 64>}, {pipeline_mode = #tpu.pipeline_mode<synchronous>, transform_indices = @transform_2, window_bounds = array<i64: 128, 256>}, {pipeline_mode = #tpu.pipeline_mode<synchronous>, transform_indices = @transform_3, window_bounds = array<i64: 1, 256>}, {pipeline_mode = #tpu.pipeline_mode<synchronous>, transform_indices = @transform_4, window_bounds = array<i64: 256, 32>}, {transform_indices = @transform_5, window_bounds = array<i64: 2, 1000, 16>}]} {
    %get3A = arith.constant 0 : index
    %get3A_0 = arith.constant 0 : index
    %get3A_1 = vector.load %arg1[%get3A, %get3A_0] : memref<1000x16xf32, #tpu.memory_space<vmem>>, vector<1000x1xf32>
    %get3A_2 = arith.constant 0 : index
    %get3A_3 = arith.constant 0 : index
    %get3A_4 = arith.constant 0 : index
    %get3A_5 = vector.load %arg2[%get3A_2, %get3A_3, %get3A_4] : memref<2x1000x64xf32, #tpu.memory_space<vmem>>, vector<1x1000x64xf32>
    %get3A_6 = vector.shape_cast %get3A_5 : vector<1x1000x64xf32> to vector<1000x64xf32>
    %get3A_7 = arith.constant 1 : index
    %get3A_8 = arith.constant 0 : index
    %get3A_9 = arith.constant 0 : index
    %get3A_10 = vector.load %arg2[%get3A_7, %get3A_8, %get3A_9] : memref<2x1000x64xf32, #tpu.memory_space<vmem>>, vector<1x1000x64xf32>
    %get3A_11 = vector.shape_cast %get3A_10 : vector<1x1000x64xf32> to vector<1000x64xf32>
    %concatenate3A = tpu.concatenate %get3A_6, %get3A_11 in 1 : vector<1000x64xf32>, vector<1000x64xf32> -> vector<1000x128xf32>
    %mul3A = vector.broadcast %get3A_1 : vector<1000x1xf32> to vector<1000x128xf32>
    %mul3A_12 = arith.mulf %concatenate3A, %mul3A : vector<1000x128xf32>
    %get3A_13 = arith.constant 0 : index
    %get3A_14 = arith.constant 0 : index
    %get3A_15 = vector.load %arg3[%get3A_13, %get3A_14] : memref<128x256xf32, #tpu.memory_space<vmem>>, vector<128x256xf32>
    %dot_general3A = arith.constant dense<0.000000e+00> : vector<1000x256xf32>
    %dot_general3A_16 = tpu.matmul %mul3A_12, %get3A_15, %dot_general3A {dimension_numbers = #tpu.dot_dimension_numbers<[1], [0], [0], [1], [0, 0, 1, 1], [], []>, transpose_lhs_hint = false} : vector<1000x128xf32>, vector<128x256xf32>, vector<1000x256xf32> -> vector<1000x256xf32>
    %get3A_17 = arith.constant 0 : index
    %get3A_18 = arith.constant 0 : index
    %get3A_19 = vector.load %arg4[%get3A_17, %get3A_18] : memref<1x256xf32, #tpu.memory_space<vmem>>, vector<1x256xf32>
    %add3A = vector.broadcast %get3A_19 : vector<1x256xf32> to vector<1000x256xf32>
    %add3A_20 = arith.addf %dot_general3A_16, %add3A : vector<1000x256xf32>
    %max3A = arith.constant 0.000000e+00 : f32
    %max3A_21 = vector.broadcast %max3A : f32 to vector<1000x256xf32>
    %max3A_22 = arith.maximumf %add3A_20, %max3A_21 : vector<1000x256xf32>
    %get3A_23 = arith.constant 0 : index
    %get3A_24 = arith.constant 0 : index
    %get3A_25 = vector.load %arg5[%get3A_23, %get3A_24] : memref<256x32xf32, #tpu.memory_space<vmem>>, vector<256x32xf32>
    %dot_general3A_26 = arith.constant dense<0.000000e+00> : vector<1000x32xf32>
    %dot_general3A_27 = tpu.matmul %max3A_22, %get3A_25, %dot_general3A_26 {dimension_numbers = #tpu.dot_dimension_numbers<[1], [0], [0], [1], [0, 0, 1, 1], [], []>, transpose_lhs_hint = false} : vector<1000x256xf32>, vector<256x32xf32>, vector<1000x32xf32> -> vector<1000x32xf32>
    %mul3A_28 = vector.broadcast %get3A_1 : vector<1000x1xf32> to vector<1000x32xf32>
    %mul3A_29 = arith.mulf %dot_general3A_27, %mul3A_28 : vector<1000x32xf32>
    %slice3A = vector.extract_strided_slice %mul3A_29 {offsets = [0, 0], sizes = [1000, 16], strides = [1, 1]} : vector<1000x32xf32> to vector<1000x16xf32>
    %swap3A = arith.constant 0 : index
    %swap3A_30 = arith.constant 0 : index
    %swap3A_31 = arith.constant 0 : index
    %swap3A_32 = vector.load %arg6[%swap3A, %swap3A_30, %swap3A_31] : memref<2x1000x16xf32, #tpu.memory_space<vmem>>, vector<1x1000x16xf32>
    %swap3A_33 = vector.shape_cast %swap3A_32 : vector<1x1000x16xf32> to vector<1000x16xf32>
    %swap3A_34 = vector.shape_cast %slice3A : vector<1000x16xf32> to vector<1x1000x16xf32>
    tpu.vector_store %arg6[%swap3A, %swap3A_30, %swap3A_31], %swap3A_34 {strides = array<i32>} : memref<2x1000x16xf32, #tpu.memory_space<vmem>>, vector<1x1000x16xf32>,
    %slice3A_35 = vector.extract_strided_slice %mul3A_29 {offsets = [0, 16], sizes = [1000, 16], strides = [1, 1]} : vector<1000x32xf32> to vector<1000x16xf32>
    %swap3A_36 = arith.constant 1 : index
    %swap3A_37 = arith.constant 0 : index
    %swap3A_38 = arith.constant 0 : index
    %swap3A_39 = vector.load %arg6[%swap3A_36, %swap3A_37, %swap3A_38] : memref<2x1000x16xf32, #tpu.memory_space<vmem>>, vector<1x1000x16xf32>
    %swap3A_40 = vector.shape_cast %swap3A_39 : vector<1x1000x16xf32> to vector<1000x16xf32>
    %swap3A_41 = vector.shape_cast %slice3A_35 : vector<1000x16xf32> to vector<1x1000x16xf32>
    tpu.vector_store %arg6[%swap3A_36, %swap3A_37, %swap3A_38], %swap3A_41 {strides = array<i32>} : memref<2x1000x16xf32, #tpu.memory_space<vmem>>, vector<1x1000x16xf32>,
    return
  }
  func.func @transform_0(%arg0: i32) -> (i32, i32) {
    %c0_i32 = arith.constant 0 : i32
    %c0_i32_0 = arith.constant 0 : i32
    return %arg0, %c0_i32 : i32, i32
  }
  func.func @transform_1(%arg0: i32) -> (i32, i32, i32) {
    %c0_i32 = arith.constant 0 : i32
    %c0_i32_0 = arith.constant 0 : i32
    %c0_i32_1 = arith.constant 0 : i32
    return %c0_i32, %arg0, %c0_i32_0 : i32, i32, i32
  }
  func.func @transform_2(%arg0: i32) -> (i32, i32) {
    %c0_i32 = arith.constant 0 : i32
    %c0_i32_0 = arith.constant 0 : i32
    %c0_i32_1 = arith.constant 0 : i32
    return %c0_i32, %c0_i32_0 : i32, i32
  }
  func.func @transform_3(%arg0: i32) -> (i32, i32) {
    %c0_i32 = arith.constant 0 : i32
    %c0_i32_0 = arith.constant 0 : i32
    %c0_i32_1 = arith.constant 0 : i32
    return %c0_i32, %c0_i32_0 : i32, i32
  }
  func.func @transform_4(%arg0: i32) -> (i32, i32) {
    %c0_i32 = arith.constant 0 : i32
    %c0_i32_0 = arith.constant 0 : i32
    %c0_i32_1 = arith.constant 0 : i32
    return %c0_i32, %c0_i32_0 : i32, i32
  }
  func.func @transform_5(%arg0: i32) -> (i32, i32, i32) {
    %c0_i32 = arith.constant 0 : i32
    %c0_i32_0 = arith.constant 0 : i32
    %c0_i32_1 = arith.constant 0 : i32
    return %c0_i32, %arg0, %c0_i32_0 : i32, i32, i32
  }
}

</mosaic_0001>

<sc_bundles>
// kernel: kernel.10.cloned.1.call-start
scs
__scs_entry_jumppad:
0x0: {  	(pc) =	sbr.rel $0x88, $3  }
0x1: {  	(tag) =	ssettag $0x0;
	lr =	simm.s32 $0x1  }
0x2: {  	[smem:$0x3F9B] =	sst lr;
	_ =	strace $0xD0000000  }
0x3: {  	_ = 	snop  }
0x4: {  	_ = 	snop  }
0x5: {  	_ = 	snop  }
0x6: {  	_ = 	snop  }
0x7: {  	_ = 	snop  }
__scs_overlays_trampoline_lowered:
0x8: {  	[smem:$0x3FAA] =	sst s0  }
0x9: {  	[smem:$0x3FAB] =	sst s1  }
0xa: {  	[smem:$0x3FAC] =	sst s2  }
0xb: {  	[smem:$0x3FAD] =	sst s3  }
0xc: {  	[smem:$0x3FAE] =	sst s4  }
0xd: {  	[smem:$0x3FAF] =	sst s5  }
0xe: {  	[smem:$0x3FB0] =	sst s6  }
0xf: {  	[smem:$0x3FB1] =	sst s7  }
0x10: {  	[smem:$0x3FB2] =	sst s8  }
0x11: {  	[smem:$0x3FB3] =	sst s9;
	s0 =	simm.s32 @!p0 $0x0  }
0x12: {  	s1 =	sld [smem:$0x3F99];
	s0 =	simm.s32 @p0 $0x1  }
0x13: {  	[smem:$0x3FB4] =	sst s0;
	s0 =	simm.s32 @!p1 $0x0  }
0x14: {  	s2 =	sld [smem:$0x3F98];
	s0 =	simm.s32 @p1 $0x1  }
0x15: {  	[smem:$0x3FB5] =	sst s0;
	s0 =	simm.s32 @!p2 $0x0  }
0x16: {  	s3 =	sld [smem:$0x3FDB];
	s0 =	simm.s32 @p2 $0x1  }
0x17: {  	s4 =	simm.s32 $0x1BF5;
	[smem:$0x3FB7] =	sst s0  }
0x18: {  	s0 =	sld [smem:$0x3F9A];
	_ =	swait.ge [sflag:s4], $0x0  }
0x19: {  	s7 =	sld [smem:$0x3F9B]  }
0x1a: {  	s8 =	sadd.s32 $0xFFFFE003, lr  }
0x1b: {  	s9 =	sadd.s32 $0xFFFFFEF7, lr;
	s5 =	simm.s32 $0xFFFFFFFF;
	p2 =	slt.u32 s8, $0xFFFFF086  }
0x1c: {  	p1 =	slt.u32 s9, $0xF7A;
	s5 =	simm.s32 @!p2 $0x0  }
0x1d: {  	s5 =	simm.s32 @p1 $0x1;
	p0 =	seq.s32 s7, s2  }
0x1e: {  	s7 =	smul.u32 @!p0 $0xF7A, s2;
	p2 =	seq.s32 @!p0 s5, $0x0  }
0x1f: {  	s9 =	smul.u32 $0xF7A, s1;
	s8 =	simm.s32 @!p0 $0x1BF5;
	p2 =	por !p2, p0  }
0x20: {  	[sflag:s8] =	ssyncset.s32 @!p0 $0xFFFFF086;
	s6 =	sadd.s32 @!p0 s3, s7;
	s7 =	simm.s32 @!p0 $0x108  }
0x21: {  	s3 =	sadd.s32 s3, s9;
	s6 =	sadd.s32 @!p0 $0x88, s6;
	s7 =	simm.s32 @p2 $0x1082  }
0x22: {  	[simem:s7], [sflag:s8] =	dma.local @!p0 [hbm:s6], $0xF7A  }
0x23: {  	s9 =	sor.u32 $0xD0000000, s2;
	s6 =	simm.s32 $0x108;
	_ =	swait.ge @!p0 [sflag:s8], $0x0  }
0x24: {  	s3 =	sadd.s32 $0x88, s3;
	s6 =	simm.s32 @!p1 $0x1082;
	[sflag:s4] =	ssyncset.s32 $0xFFFFF086  }
0x25: {  	[simem:s6], [sflag:s4] =	dma.local [hbm:s3], $0xF7A  }
0x26: {  	[smem:$0x3F9B] =	sst s1;
	(tag) =	ssettag s2;
	_ =	strace s9  }
0x27: {  	s1 =	sld [smem:$0x3FAB]  }
0x28: {  	s2 =	sld [smem:$0x3FAC]  }
0x29: {  	s4 =	sld [smem:$0x3FAE]  }
0x2a: {  	p0 =	seq.s32 s5, $0x0;
	s5 =	sld [smem:$0x3FAF]  }
0x2b: {  	s6 =	sld [smem:$0x3FB0]  }
0x2c: {  	s7 =	sld [smem:$0x3FB1]  }
0x2d: {  	s3 =	simm.s32 $0x108;
	s8 =	sld [smem:$0x3FB2]  }
0x2e: {  	s3 =	simm.s32 @!p0 $0x1082;
	s9 =	sld [smem:$0x3FB3]  }
0x2f: {  	lr =	sadd.s32 s0, s3;
	s0 =	sld [smem:$0x3FAA]  }
0x30: {  	s3 =	sld [smem:$0x3FAD]  }
0x31: {  	[smem:$0x3FB6] =	sst s10  }
0x32: {  	s10 =	sld [smem:$0x3FB4];
	_ =	sdelay $0x3  }
0x33: {  	p0 =	seq.s32 s10, $0x1;
	s10 =	sld [smem:$0x3FB6];
	_ =	sdelay $0x3  }
0x34: {  	[smem:$0x3FB6] =	sst s10  }
0x35: {  	s10 =	sld [smem:$0x3FB5];
	_ =	sdelay $0x3  }
0x36: {  	p1 =	seq.s32 s10, $0x1;
	s10 =	sld [smem:$0x3FB6];
	_ =	sdelay $0x3  }
0x37: {  	[smem:$0x3FB6] =	sst s10  }
0x38: {  	s10 =	sld [smem:$0x3FB7]  }
0x39: {  	_ = 	snop;
	(pc) =	sbr.ind lr, $3  }
0x3a: {  	_ = 	snop  }
0x3b: {  	_ = 	snop  }
0x3c: {  	p2 =	seq.s32 s10, $0x1;
	s10 =	sld [smem:$0x3FB6]  }
0x3d: {  	_ =	shalt  }
0x3e: {  	_ =	shalt  }
0x3f: {  	_ =	shalt  }
0x40: {  	_ =	shalt  }
0x41: {  	_ =	shalt  }
0x42: {  	_ =	shalt  }
0x43: {  	_ =	shalt  }
0x44: {  	_ =	shalt  }
0x45: {  	_ =	shalt  }
0x46: {  	_ =	shalt  }
0x47: {  	_ =	shalt  }
0x48: {  	_ =	shalt  }
0x49: {  	_ =	shalt  }
0x4a: {  	_ =	shalt  }
0x4b: {  	_ =	shalt  }
0x4c: {  	_ =	shalt  }
0x4d: {  	_ =	shalt  }
0x4e: {  	_ =	shalt  }
0x4f: {  	_ =	shalt  }
0x50: {  	_ =	shalt  }
0x51: {  	_ =	shalt  }
0x52: {  	_ =	shalt  }
0x53: {  	_ =	shalt  }
0x54: {  	_ =	shalt  }
0x55: {  	_ =	shalt  }
0x56: {  	_ =	shalt  }
0x57: {  	_ =	shalt  }
0x58: {  	_ =	shalt  }
0x59: {  	_ =	shalt  }
0x5a: {  	_ =	shalt  }
0x5b: {  	_ =	shalt  }
0x5c: {  	_ =	shalt  }
0x5d: {  	_ =	shalt  }
0x5e: {  	_ =	shalt  }
0x5f: {  	_ =	shalt  }
0x60: {  	_ =	shalt  }
0x61: {  	_ =	shalt  }
0x62: {  	_ =	shalt  }
0x63: {  	_ =	shalt  }
0x64: {  	_ =	shalt  }
0x65: {  	_ =	shalt  }
0x66: {  	_ =	shalt  }
0x67: {  	_ =	shalt  }
0x68: {  	_ =	shalt  }
0x69: {  	_ =	shalt  }
0x6a: {  	_ =	shalt  }
0x6b: {  	_ =	shalt  }
0x6c: {  	_ =	shalt  }
0x6d: {  	_ =	shalt  }
0x6e: {  	_ =	shalt  }
0x6f: {  	_ =	shalt  }
0x70: {  	_ =	shalt  }
0x71: {  	_ =	shalt  }
0x72: {  	_ =	shalt  }
0x73: {  	_ =	shalt  }
0x74: {  	_ =	shalt  }
0x75: {  	_ =	shalt  }
0x76: {  	_ =	shalt  }
0x77: {  	_ =	shalt  }
0x78: {  	_ =	shalt  }
0x79: {  	_ =	shalt  }
0x7a: {  	_ =	shalt  }
0x7b: {  	_ =	shalt  }
0x7c: {  	_ =	shalt  }
0x7d: {  	_ =	shalt  }
0x7e: {  	_ =	shalt  }
0x7f: {  	_ =	shalt  }
0x80: {  	_ =	shalt  }
0x81: {  	_ =	shalt  }
0x82: {  	_ =	shalt  }
0x83: {  	_ =	shalt  }
0x84: {  	_ =	shalt  }
0x85: {  	_ =	shalt  }
0x86: {  	_ =	shalt  }
0x87: {  	_ =	shalt  }
.Lfunc_end0:
.L_simem_size_0:
called_computation.1_lowered:
.L_overlay_start_0:
0x88: {  	s2 =	sld [smem:$0x3FD9]  }
0x89: {  	s3 =	sld [smem:$0x3FFE];
	_ =	sdelay $0x1  }
0x8a: {  	s1 =	srdreg.scid  }
0x8b: {  	s0 =	sand.u32 $0x1, s1  }
0x8c: {  	s17 =	sshll.u32 s0, $0xA;
	s2 =	sadd.s32 s3, s2  }
0x8d: {  	s2 =	sadd.s32 s2, s17  }
0x8e: {  	[smem:$0x3FC2] =	sst s2  }
0x8f: {  	_ = 	snop  }
0x90: {  	s2 =	sld [smem:$0x3FD0];
	(tm) =	ssettm $0x1  }
0x91: {  	s18 =	sld [smem:$0x3FFB];
	_ =	sdelay $0x3  }
0x92: {  	_ =	strace s18  }
0x93: {  	s3 =	sld [smem:$0x3FFC];
	_ =	sdelay $0x3  }
0x94: {  	_ =	strace s3  }
0x95: {  	s3 =	sld [smem:$0x3FFD];
	_ =	sdelay $0x3  }
0x96: {  	_ =	strace s3  }
0x97: {  	_ =	strace $0x8FFFFFFF  }
0x98: {  	s19 =	sld [smem:$0x3FDB];
	_ =	sdelay $0x1  }
0x99: {  	s4 =	simm.s32 $_scs_section_size  }
0x9a: {  	s5 =	simm.s32 $_size__tile_overlayer_lowered;
	s6 =	simm.s32 $_tile_overlayer_lowered  }
0x9b: {  	s22 =	simm.s32 $0x1BFF;
	s21 =	sshll.u32 s6, $0x1;
	s3 =	sadd.s32 s4, s19  }
0x9c: {  	s7 =	simm.s32 $0x0;
	s20 =	sshll.u32 s5, $0x1;
	s5 =	sadd.s32 s21, s3  }
0x9d: {  	[timem:s7], [sflag:s22] =	dma.local [hbm:s5], s20  }
0x9e: {  	_ =	swait.ge [sflag:s22], s20  }
0x9f: {  	s4 =	ssub.s32 $0x0, s20;
	[sflag:s22] =	ssyncset.done $0x0  }
0xa0: {  	[sflag:s22] =	ssyncadd.s32 s4;
	_ =	sdelay $0x1  }
0xa1: {  	s23 =	simm.s32 $0x1B8B  }
0xa2: {  	_ =	swait.ge [sflag:s23], $0x1  }
0xa3: {  	[sflag:s23] =	ssyncset.done $0x0  }
0xa4: {  	s25 =	simm.s32 $0x1B8E;
	s24 =	sld [smem:$0x3FFE];
	[sflag:s23] =	ssyncadd.s32 $0xFFFFFFFF  }
0xa5: {  	s26 =	simm.s32 $execute0_lowered;
	[smem:$0x3FD2] =	sst s25  }
0xa6: {  	s5 =	sshll.u32 s26, $0x1;
	_ =	strace $0x80000049;
	[dreg:$0x1] =	wrdreg $0xFFFFFFFF  }
0xa7: {  	s28 =	simm.s32 $_size_execute0_lowered;
	s3 =	sadd.s32 s3, s5;
	[dreg:$0x0] =	wrdreg $0x0  }
0xa8: {  	s5 =	sshll.u32 s28, $0x1;
	[dreg:$0x2] =	wrdreg s3  }
0xa9: {  	[dreg:$0x3] =	wrdreg s5  }
0xaa: {  	[dreg:$0x4] =	wrdreg $0xC0  }
0xab: {  	_ =	task [dreg:s7], $0x5FFFF  }
0xac: {  	[dreg:$0x1] =	wrdreg $0xFFFFFFFF  }
0xad: {  	[dreg:$0x0] =	wrdreg $0x60  }
0xae: {  	[dreg:$0x2] =	wrdreg s24  }
0xaf: {  	[dreg:$0x3] =	wrdreg s2  }
0xb0: {  	[dreg:$0x4] =	wrdreg $0x15C400  }
0xb1: {  	[dreg:$0x5] =	wrdreg $0x9  }
0xb2: {  	_ =	task.clear_ibuf [dreg:s7], $0x6FFFF;
	_ =	strace $0x90000049  }
0xb3: {  	s29 =	simm.s32 $0x9;
	_ =	strace $0x8000004B  }
0xb4: {  	_ =	swait.ge [sflag:s29], $0x1  }
0xb5: {  	[sflag:s29] =	ssyncadd.s32 $0xFFFFFFFF  }
0xb6: {  	_ =	strace $0x9000004B  }
0xb7: {  	_ =	sfence  }
0xb8: {  	s30 =	sld [smem:$0x0];
	_ =	sdelay $0x2  }
0xb9: {  	s31 =	sshll.u32 s1, $0xD;
	s1 =	sshrl.u32 s1, $0x2  }
0xba: {  	s3 =	sand.u32 $0x4000, s31;
	s1 =	sadd.s32 s1, s30  }
0xbb: {  	s0 =	sor.u32 s3, s0;
	s1 =	sshll.u32 s1, $0x11  }
0xbc: {  	s0 =	sor.u32 s1, s0  }
0xbd: {  	s0 =	sadd.s32 $0x8F2B, s0  }
0xbe: {  	[sflag:s0] =	ssyncadd.remote.s32 $0x1  }
0xbf: {  	_ =	sfence.sel $0xFFFF  }
0xc0: {  	[dreg:$0x0] =	wrdreg $0xFFFFFFFF;
	(pc) =	sbr.abs _section_cstart, $3  }
0xc1: {  	[dreg:$0x1] =	wrdreg $0xFFFFFFFF  }
0xc2: {  	_ =	task.clear_ibuf [dreg:s7], $0x2FFFF;
	_ =	strace $0x9FFFFFFF  }
0xc3: {  	(tm) =	ssettm $0x7FFFFFFF  }
tec
execute0_lowered:
.L_overlay_start_1:
0x0: {  	(tag) =	ssettag $0x1  }
0x1: {  	s0 =	rddreg [dreg:$0x0]  }
0x2: {  	s3 =	rddreg [dreg:$0x2];
	s15 =	stileid.u32  }
0x3: {  	s2 =	srdreg.scid;
	s4 =	simm.s32 $0x0;
	s17 =	simm.s32 $0x3  }
0x4: {  	s18 =	simm.s32 $0x80;
	s19 =	simm.s32 $0x9C40;
	s29 =	simm.s32 $0x1  }
0x5: {  	s30 =	simm.s32 $0x2;
	s31 =	simm.s32 $0x20;
	s1 =	smul.u32 $0x4E20, s15  }
0x6: {  	s2 =	sand.u32 $0x1, s2;
	s5 =	smul.u32 $0x9E00, s15;
	[smem:$0x7FF] =	sst s4  }
0x7: {  	s10 =	sadd.s32 $0x15800, s0;
	s13 =	sadd.s32 $0x94200, s3;
	s6 =	smul.u32 $0x9E000, s2  }
0x8: {  	s14 =	sadd.s32 $0x9C400, s3;
	p0 =	seq.s32 s15, $0xF;
	s7 =	smul.u32 $0x9C400, s2  }
0x9: {  	_ =	strace $0x8000004A;
	s8 =	ssub.s32 $0x2, s2;
	s2 =	smul.u32 $0x13880, s2  }
0xa: {  	s13 =	sshrl.u32 @p0 s13, $0x3;
	s14 =	sshrl.u32 @p0 s14, $0x3;
	s1 =	sshrl.u32 s1, $0x3  }
0xb: {  	s9 =	sshrl.u32 s8, $0x1;
	s1 =	sadd.s32 s1, s0;
	s6 =	sadd.s32 s5, s6  }
0xc: {  	s11 =	sadd.s32 s5, s7;
	s12 =	ssub.s32 s8, s9;
	s5 =	sadd.s32 s5, s3  }
0xd: {  	s7 =	sshrl.u32 s7, $0x3;
	s6 =	sshrl.u32 s6, $0x3;
	s28 =	sshrl.u32 s11, $0x3  }
0xe: {  	s7 =	sadd.s32 s10, s7;
	s8 =	sadd.s32 $0x1E00, s1;
	s9 =	sadd.s32 $0xBA40, s1  }
0xf: {  	s12 =	smax.u32 s12, $0x1;
	s16 =	sshrl.u32 @!p0 s5, $0x3;
	s1 =	simm.s32 $0x0  }
0x10: {  	s0 =	sadd.s32 s6, s0;
	s6 =	sadd.s32 s10, s28;
	s7 =	sadd.s32 $0x12840, s7  }
0x11: {  	s10 =	sadd.s32 s10, s2;
	s11 =	sadd.s32 $0x3CA00, s0;
	s0 =	sshll.u32 @!p0 s15, $0x6  }
0x12: {  	s2 =	simm.s32 $0x9C20;
	s15 =	sor.u32 @!p0 $0x1C03, s0;
	s0 =	simm.s32 $0x4E00  }
.LBB2_1:
0x13: {  	s20 =	simm.s32 @p0 $0x1FC3;
	s21 =	simm.s32 @p0 $0x3  }
0x14: {  	[spmem:s13], [sflag:s20] =	dma.local @p0 [hbm:s7], $0x1040  }
0x15: {  	_ =	swait.ge @p0 [sflag:s21], $0x1040  }
0x16: {  	[sflag:s21] =	ssyncset.done @p0 $0x0  }
0x17: {  	[sflag:s21] =	ssyncadd.s32 @p0 $0xFFFFEFC0  }
0x18: {  	s22 =	rddreg [dreg:$0x1]  }
0x19: {  	[spmem:s14], [sflag:s20] =	dma.local @p0 [hbm:s22], $0x380  }
0x1a: {  	_ =	swait.ge @p0 [sflag:s21], $0x380  }
0x1b: {  	[sflag:s21] =	ssyncset.done @p0 $0x0  }
0x1c: {  	s20 =	simm.s32 @!p0 $0x3;
	[sflag:s21] =	ssyncadd.s32 @p0 $0xFFFFFC80  }
0x1d: {  	[spmem:s16], [sflag:s15] =	dma.local @!p0 [hbm:s6], $0x13C0  }
0x1e: {  	_ =	swait.ge @!p0 [sflag:s20], $0x13C0  }
0x1f: {  	[sflag:s20] =	ssyncset.done @!p0 $0x0  }
0x20: {  	[sflag:s20] =	ssyncadd.s32 @!p0 $0xFFFFEC40  }
0x21: {  	[tilespmem:s4], [sflag:$0x3] =	stream.linear.gather [hbm4b:s8+s4], $0x4E20, $0x38;
	[tilespmem:$0x1FA40] =	vst v63  }
0x22: {  	_ =	swait.ge [sflag:s17], $0x4E20  }
0x23: {  	[sflag:s17] =	ssyncset.done $0x0  }
0x24: {  	s20 =	simm.s32 $0x4E20;
	[sflag:s17] =	ssyncadd.s32 $0xFFFFB1E0  }
0x25: {  	[tilespmem:s20], [sflag:$0x3] =	stream.linear.gather [hbm4b:s9+s4], $0x4E20, $0x38;
	[tilespmem:$0x1FA40] =	vst v63  }
0x26: {  	_ =	swait.ge [sflag:s17], $0x4E20  }
0x27: {  	[sflag:s17] =	ssyncset.done $0x0  }
0x28: {  	[sflag:s17] =	ssyncadd.s32 $0xFFFFB1E0  }
0x29: {  	[bflag:$0x0] =	sbarrier.arrive $0xFFFF  }
0x2a: {  	[tilespmem:s19], [sflag:$0x1] =	stream.indirect.gather [hbm4b:s10+s18], $0x40, s4, s18, $0xb8;
	[tilespmem:$0x1FA40] =	vst v63  }
0x2b: {  	s28 =	simm.s32 $0xBC40  }
0x2c: {  	[tilespmem:s28], [sflag:$0x1] =	stream.indirect.gather [hbm4b:s10+s18], $0x40, s18, s18, $0xb8;
	[tilespmem:$0x1FA40] =	vst v63  }
0x2d: {  	s23 =	simm.s32 $0xDC40;
	s22 =	simm.s32 $0x100  }
0x2e: {  	[tilespmem:s23], [sflag:$0x1] =	stream.indirect.gather [hbm4b:s10+s18], $0x40, s22, s18, $0xb8;
	[tilespmem:$0x1FA40] =	vst v63  }
0x2f: {  	s24 =	simm.s32 $0x180;
	s22 =	simm.s32 $0x0  }
0x30: {  	s25 =	simm.s32 $0xFC40;
	s26 =	simm.s32 $0x200;
	s23 =	smul.u32 $0xAB, s22  }
0x31: {  	[tilespmem:s25], [sflag:$0x1] =	stream.indirect.gather [hbm4b:s10+s18], $0x40, s24, s18, $0xb8;
	[tilespmem:$0x1FA40] =	vst v63  }
0x32: {  	p1 =	por $0x1, $0x1;
	s28 =	simm.s32 $0x11C40;
	s23 =	sshrl.u32 s23, $0xA  }
0x33: {  	[tilespmem:s28], [sflag:$0x1] =	stream.indirect.gather [hbm4b:s10+s18], $0x40, s26, s18, $0xb8;
	[tilespmem:$0x1FA40] =	vst v63  }
0x34: {  	s21 =	simm.s32 $0x280;
	s24 =	simm.s32 $0x13C40;
	s23 =	sand.u32 $0x3F, s23  }
0x35: {  	[tilespmem:s24], [sflag:$0x1] =	stream.indirect.gather [hbm4b:s10+s18], $0x40, s21, s18, $0xb8;
	[tilespmem:$0x1FA40] =	vst v63  }
0x36: {  	s23 =	smul.u32 $0x6, s23;
	s24 =	simm.s32 @!p1 $0x5  }
0x37: {  	s24 =	smul.u32 @!p1 $0xAB, s24  }
0x38: {  	s23 =	ssub.s32 $0x0, s23  }
0x39: {  	_ =	swait.ge [sflag:s29], $0x2000;
	s23 =	sand.u32 $0xFF, s23;
	s24 =	sshrl.u32 @!p1 s24, $0xA  }
0x3a: {  	[sflag:s29] =	ssyncset.done $0x0;
	s23 =	sshll.u32 s23, $0xD;
	s24 =	sand.u32 @!p1 $0x3F, s24  }
0x3b: {  	[sflag:s29] =	ssyncadd.s32 $0xFFFFE000;
	s23 =	sadd.s32 $0x9C40, s23;
	s24 =	smul.u32 @!p1 $0x6, s24  }
0x3c: {  	[spmem:s3] =	stream.indirect.scatter.add.f32 [tilespmem:s23], [sflag:$0x2], $0x40, s20, s18, $0xb8;
	[tilespmem:$0x1FA40] =	vst v63  }
0x3d: {  	s23 =	simm.s32 @!p1 $0x2  }
0x3e: {  	_ =	swait.ge @!p1 [sflag:s23], $0x2000;
	s24 =	ssub.s32 @!p1 $0x5, s24  }
0x3f: {  	[sflag:s23] =	ssyncset.done @!p1 $0x0;
	s24 =	sand.u32 @!p1 $0xFF, s24  }
.LBB2_2:
0x40: {  	s24 =	sshll.u32 @!p1 s24, $0xD  }
0x41: {  	s25 =	simm.s32 @!p1 $0x80;
	s26 =	smov.u32 s22;
	s22 =	sadd.s32 $0x1, s22  }
0x42: {  	s28 =	smul.u32 $0xAB, s22;
	s24 =	sadd.s32 @!p1 $0x9C40, s24;
	[sflag:s23] =	ssyncadd.s32 @!p1 $0xFFFFE000  }
0x43: {  	[tilespmem:s24], [sflag:$0x1] =	stream.indirect.gather @!p1 [hbm4b:s10+s25], $0x40, s21, s25, $0xb8;
	[tilespmem:$0x1FA40] =	vst v63  }
0x44: {  	p1 =	sgt.u32 s26, $0x95  }
0x45: {  	p2 =	sne.s32 s22, $0x9B;
	s23 =	sshrl.u32 s28, $0xA;
	s24 =	sadd.s32 @!p1 $0x6, s26  }
0x46: {  	s23 =	sand.u32 $0x3F, s23;
	s25 =	smul.u32 @!p1 $0xAB, s24  }
0x47: {  	s23 =	smul.u32 $0x6, s23  }
0x48: {  	s20 =	sadd.s32 $0x80, s20  }
0x49: {  	s25 =	sshrl.u32 @!p1 s25, $0xA;
	s26 =	ssub.s32 s22, s23;
	s23 =	simm.s32 @!p1 $0x2  }
0x4a: {  	s25 =	sand.u32 @!p1 $0x3F, s25;
	s26 =	sand.u32 $0xFF, s26;
	_ =	swait.ge [sflag:s29], $0x2000  }
.Ltmp0:
0x4b: {  	s26 =	sshll.u32 s26, $0xD;
	[sflag:s29] =	ssyncset.done $0x0;
	(pc) =	sbr.rel @p2 .LBB2_2-.Ltmp0, $4  }
0x4c: {  	s25 =	smul.u32 @!p1 $0x6, s25;
	s26 =	sadd.s32 $0x9C40, s26;
	[sflag:s29] =	ssyncadd.s32 $0xFFFFE000  }
0x4d: {  	[spmem:s3] =	stream.indirect.scatter.add.f32 [tilespmem:s26], [sflag:$0x2], $0x40, s20, s18, $0xb8;
	[tilespmem:$0x1FA40] =	vst v63  }
0x4e: {  	s24 =	ssub.s32 @!p1 s24, s25;
	_ =	swait.ge @!p1 [sflag:s23], $0x2000  }
0x4f: {  	s21 =	sadd.s32 $0x80, s21;
	s24 =	sand.u32 @!p1 $0xFF, s24;
	[sflag:s23] =	ssyncset.done @!p1 $0x0  }
0x50: {  	s20 =	sshll.u32 @!p1 s24, $0xD  }
0x51: {  	s22 =	simm.s32 @!p1 $0x80;
	[sflag:s23] =	ssyncadd.s32 @!p1 $0xFFFFE000;
	s20 =	sadd.s32 @!p1 $0x9C40, s20  }
0x52: {  	[tilespmem:s20], [sflag:$0x1] =	stream.indirect.gather @!p1 [hbm4b:s10+s22], $0x40, s21, s22, $0xb8;
	[tilespmem:$0x1FA40] =	vst v63  }
0x53: {  	_ =	swait.ge [sflag:s30], $0x2000  }
0x54: {  	[sflag:s30] =	ssyncset.done $0x0  }
0x55: {  	[sflag:s30] =	ssyncadd.s32 $0xFFFFE000  }
0x56: {  	_ =	swait.ge [sflag:s30], $0x2000  }
0x57: {  	[sflag:s30] =	ssyncset.done $0x0  }
0x58: {  	[sflag:s30] =	ssyncadd.s32 $0xFFFFE000  }
0x59: {  	_ =	swait.ge [sflag:s30], $0x2000  }
0x5a: {  	[sflag:s30] =	ssyncset.done $0x0  }
0x5b: {  	[sflag:s30] =	ssyncadd.s32 $0xFFFFE000  }
0x5c: {  	_ =	swait.ge [sflag:s30], $0x2000  }
0x5d: {  	[sflag:s30] =	ssyncset.done $0x0  }
0x5e: {  	[sflag:s30] =	ssyncadd.s32 $0xFFFFE000  }
0x5f: {  	_ =	swait.ge [sflag:s30], $0x2000  }
0x60: {  	[sflag:s30] =	ssyncset.done $0x0  }
0x61: {  	[sflag:s30] =	ssyncadd.s32 $0xFFFFE000  }
0x62: {  	_ =	swait.ge [sflag:s30], $0x2000  }
0x63: {  	[sflag:s30] =	ssyncset.done $0x0  }
0x64: {  	[sflag:s30] =	ssyncadd.s32 $0xFFFFE000  }
0x65: {  	[tilespmem:s19], [sflag:$0x1] =	stream.indirect.gather [hbm4b:s10+s31], $0x40, s0, s31, $0xb8;
	[tilespmem:$0x1FA40] =	vst v63  }
0x66: {  	_ =	swait.ge [sflag:s29], $0x800  }
0x67: {  	[sflag:s29] =	ssyncset.done $0x0  }
0x68: {  	[sflag:s29] =	ssyncadd.s32 $0xFFFFF800  }
0x69: {  	[spmem:s3] =	stream.indirect.scatter.add.f32 [tilespmem:s19], [sflag:$0x3], $0x40, s2, s31, $0xb8;
	[tilespmem:$0x1FA40] =	vst v63  }
0x6a: {  	s26 =	stileid.u32;
	_ =	swait.ge [sflag:s17], $0x800  }
0x6b: {  	s28 =	sshrl.u32 s5, $0x3;
	s1 =	sadd.s32 $0x1, s1;
	[sflag:s17] =	ssyncset.done $0x0  }
0x6c: {  	s20 =	sshll.u32 s26, $0x6;
	p1 =	sne.s32 s1, s12;
	[sflag:s17] =	ssyncadd.s32 $0xFFFFF800  }
.Ltmp1:
0x6d: {  	s20 =	sor.u32 $0x1C03, s20;
	[bflag:$0x0] =	sbarrier.arrive $0xFFFF;
	(pc) =	sbr.rel @p1 .LBB2_1-.Ltmp1, $4  }
0x6e: {  	[hbm:s11], [sflag:s20] =	dma.local [spmem:s28], $0x13C0  }
0x6f: {  	_ =	swait.ge [sflag:s17], $0x13C0  }
0x70: {  	[sflag:s17] =	ssyncset.done $0x0  }
0x71: {  	[sflag:s17] =	ssyncadd.s32 $0xFFFFEC40  }
0x72: {  	_ =	sfence.sel $0x180000  }
0x73: {  	[bflag:$0x0] =	sbarrier.arrive $0xFFFF  }
0x74: {  	_ =	strace $0x9000004A  }
0x75: {  	s0 =	stileid.u32;
	[bflag:$0x2] =	sbarrier.arrive $0xFFFF  }
0x76: {  	p0 =	sne.s32 s0, $0x0;
	s0 =	rddreg [dreg:$0x3]  }
0x77: {  	s0 =	sadd.s32 @!p0 $0x100000, s0  }
0x78: {  	[sflag:s0] =	ssyncadd.tile.s32 @!p0 $0x1;
	_ =	shalt  }
.Lfunc_end2:
_tile_overlayer_lowered:
.L_overlay_start_2:
0x79: {  	(tag) =	ssettag $0x2  }
0x7a: {  	s0 =	rddreg [dreg:$0x0];
	s2 =	stileid.u32  }
0x7b: {  	s1 =	rddreg [dreg:$0x1];
	p0 =	sne.s32 s2, $0x0  }
0x7c: {  	s3 =	rddreg [dreg:$0x2];
	[bflag:$0x3] =	sbarrier.arrive $0xFFFF;
	s2 =	simm.s32 @!p0 $0x1C03  }
0x7d: {  	[timem:s3], [sflag:s2] =	dma.local @!p0 [hbm:s0], s1  }
0x7e: {  	s0 =	simm.s32 @!p0 $0x3  }
0x7f: {  	_ =	swait.ge @!p0 [sflag:s0], s1  }
0x80: {  	s1 =	ssub.s32 @!p0 $0x0, s1;
	[sflag:s0] =	ssyncset.done @!p0 $0x0  }
0x81: {  	[sflag:s0] =	ssyncadd.s32 @!p0 s1  }
0x82: {  	[bflag:$0x3] =	sbarrier.arrive $0xFFFF  }
0x83: {  	_ =	shalt  }

// kernel: kernel.13.cloned.1.call-start
scs
__scs_entry_jumppad:
0x0: {  	(pc) =	sbr.rel $0x88, $3  }
0x1: {  	(tag) =	ssettag $0x0;
	lr =	simm.s32 $0x1  }
0x2: {  	[smem:$0x3F9B] =	sst lr;
	_ =	strace $0xD0000000  }
0x3: {  	_ = 	snop  }
0x4: {  	_ = 	snop  }
0x5: {  	_ = 	snop  }
0x6: {  	_ = 	snop  }
0x7: {  	_ = 	snop  }
__scs_overlays_trampoline_lowered:
0x8: {  	[smem:$0x3FAA] =	sst s0  }
0x9: {  	[smem:$0x3FAB] =	sst s1  }
0xa: {  	[smem:$0x3FAC] =	sst s2  }
0xb: {  	[smem:$0x3FAD] =	sst s3  }
0xc: {  	[smem:$0x3FAE] =	sst s4  }
0xd: {  	[smem:$0x3FAF] =	sst s5  }
0xe: {  	[smem:$0x3FB0] =	sst s6  }
0xf: {  	[smem:$0x3FB1] =	sst s7  }
0x10: {  	[smem:$0x3FB2] =	sst s8  }
0x11: {  	[smem:$0x3FB3] =	sst s9;
	s0 =	simm.s32 @!p0 $0x0  }
0x12: {  	s1 =	sld [smem:$0x3F99];
	s0 =	simm.s32 @p0 $0x1  }
0x13: {  	[smem:$0x3FB4] =	sst s0;
	s0 =	simm.s32 @!p1 $0x0  }
0x14: {  	s2 =	sld [smem:$0x3F98];
	s0 =	simm.s32 @p1 $0x1  }
0x15: {  	[smem:$0x3FB5] =	sst s0;
	s0 =	simm.s32 @!p2 $0x0  }
0x16: {  	s3 =	sld [smem:$0x3FDB];
	s0 =	simm.s32 @p2 $0x1  }
0x17: {  	s4 =	simm.s32 $0x1BF5;
	[smem:$0x3FB7] =	sst s0  }
0x18: {  	s0 =	sld [smem:$0x3F9A];
	_ =	swait.ge [sflag:s4], $0x0  }
0x19: {  	s7 =	sld [smem:$0x3F9B]  }
0x1a: {  	s8 =	sadd.s32 $0xFFFFE003, lr  }
0x1b: {  	s9 =	sadd.s32 $0xFFFFFEF7, lr;
	s5 =	simm.s32 $0xFFFFFFFF;
	p2 =	slt.u32 s8, $0xFFFFF086  }
0x1c: {  	p1 =	slt.u32 s9, $0xF7A;
	s5 =	simm.s32 @!p2 $0x0  }
0x1d: {  	s5 =	simm.s32 @p1 $0x1;
	p0 =	seq.s32 s7, s2  }
0x1e: {  	s7 =	smul.u32 @!p0 $0xF7A, s2;
	p2 =	seq.s32 @!p0 s5, $0x0  }
0x1f: {  	s9 =	smul.u32 $0xF7A, s1;
	s8 =	simm.s32 @!p0 $0x1BF5;
	p2 =	por !p2, p0  }
0x20: {  	[sflag:s8] =	ssyncset.s32 @!p0 $0xFFFFF086;
	s6 =	sadd.s32 @!p0 s3, s7;
	s7 =	simm.s32 @!p0 $0x108  }
0x21: {  	s3 =	sadd.s32 s3, s9;
	s6 =	sadd.s32 @!p0 $0x88, s6;
	s7 =	simm.s32 @p2 $0x1082  }
0x22: {  	[simem:s7], [sflag:s8] =	dma.local @!p0 [hbm:s6], $0xF7A  }
0x23: {  	s9 =	sor.u32 $0xD0000000, s2;
	s6 =	simm.s32 $0x108;
	_ =	swait.ge @!p0 [sflag:s8], $0x0  }
0x24: {  	s3 =	sadd.s32 $0x88, s3;
	s6 =	simm.s32 @!p1 $0x1082;
	[sflag:s4] =	ssyncset.s32 $0xFFFFF086  }
0x25: {  	[simem:s6], [sflag:s4] =	dma.local [hbm:s3], $0xF7A  }
0x26: {  	[smem:$0x3F9B] =	sst s1;
	(tag) =	ssettag s2;
	_ =	strace s9  }
0x27: {  	s1 =	sld [smem:$0x3FAB]  }
0x28: {  	s2 =	sld [smem:$0x3FAC]  }
0x29: {  	s4 =	sld [smem:$0x3FAE]  }
0x2a: {  	p0 =	seq.s32 s5, $0x0;
	s5 =	sld [smem:$0x3FAF]  }
0x2b: {  	s6 =	sld [smem:$0x3FB0]  }
0x2c: {  	s7 =	sld [smem:$0x3FB1]  }
0x2d: {  	s3 =	simm.s32 $0x108;
	s8 =	sld [smem:$0x3FB2]  }
0x2e: {  	s3 =	simm.s32 @!p0 $0x1082;
	s9 =	sld [smem:$0x3FB3]  }
0x2f: {  	lr =	sadd.s32 s0, s3;
	s0 =	sld [smem:$0x3FAA]  }
0x30: {  	s3 =	sld [smem:$0x3FAD]  }
0x31: {  	[smem:$0x3FB6] =	sst s10  }
0x32: {  	s10 =	sld [smem:$0x3FB4];
	_ =	sdelay $0x3  }
0x33: {  	p0 =	seq.s32 s10, $0x1;
	s10 =	sld [smem:$0x3FB6];
	_ =	sdelay $0x3  }
0x34: {  	[smem:$0x3FB6] =	sst s10  }
0x35: {  	s10 =	sld [smem:$0x3FB5];
	_ =	sdelay $0x3  }
0x36: {  	p1 =	seq.s32 s10, $0x1;
	s10 =	sld [smem:$0x3FB6];
	_ =	sdelay $0x3  }
0x37: {  	[smem:$0x3FB6] =	sst s10  }
0x38: {  	s10 =	sld [smem:$0x3FB7]  }
0x39: {  	_ = 	snop;
	(pc) =	sbr.ind lr, $3  }
0x3a: {  	_ = 	snop  }
0x3b: {  	_ = 	snop  }
0x3c: {  	p2 =	seq.s32 s10, $0x1;
	s10 =	sld [smem:$0x3FB6]  }
0x3d: {  	_ =	shalt  }
0x3e: {  	_ =	shalt  }
0x3f: {  	_ =	shalt  }
0x40: {  	_ =	shalt  }
0x41: {  	_ =	shalt  }
0x42: {  	_ =	shalt  }
0x43: {  	_ =	shalt  }
0x44: {  	_ =	shalt  }
0x45: {  	_ =	shalt  }
0x46: {  	_ =	shalt  }
0x47: {  	_ =	shalt  }
0x48: {  	_ =	shalt  }
0x49: {  	_ =	shalt  }
0x4a: {  	_ =	shalt  }
0x4b: {  	_ =	shalt  }
0x4c: {  	_ =	shalt  }
0x4d: {  	_ =	shalt  }
0x4e: {  	_ =	shalt  }
0x4f: {  	_ =	shalt  }
0x50: {  	_ =	shalt  }
0x51: {  	_ =	shalt  }
0x52: {  	_ =	shalt  }
0x53: {  	_ =	shalt  }
0x54: {  	_ =	shalt  }
0x55: {  	_ =	shalt  }
0x56: {  	_ =	shalt  }
0x57: {  	_ =	shalt  }
0x58: {  	_ =	shalt  }
0x59: {  	_ =	shalt  }
0x5a: {  	_ =	shalt  }
0x5b: {  	_ =	shalt  }
0x5c: {  	_ =	shalt  }
0x5d: {  	_ =	shalt  }
0x5e: {  	_ =	shalt  }
0x5f: {  	_ =	shalt  }
0x60: {  	_ =	shalt  }
0x61: {  	_ =	shalt  }
0x62: {  	_ =	shalt  }
0x63: {  	_ =	shalt  }
0x64: {  	_ =	shalt  }
0x65: {  	_ =	shalt  }
0x66: {  	_ =	shalt  }
0x67: {  	_ =	shalt  }
0x68: {  	_ =	shalt  }
0x69: {  	_ =	shalt  }
0x6a: {  	_ =	shalt  }
0x6b: {  	_ =	shalt  }
0x6c: {  	_ =	shalt  }
0x6d: {  	_ =	shalt  }
0x6e: {  	_ =	shalt  }
0x6f: {  	_ =	shalt  }
0x70: {  	_ =	shalt  }
0x71: {  	_ =	shalt  }
0x72: {  	_ =	shalt  }
0x73: {  	_ =	shalt  }
0x74: {  	_ =	shalt  }
0x75: {  	_ =	shalt  }
0x76: {  	_ =	shalt  }
0x77: {  	_ =	shalt  }
0x78: {  	_ =	shalt  }
0x79: {  	_ =	shalt  }
0x7a: {  	_ =	shalt  }
0x7b: {  	_ =	shalt  }
0x7c: {  	_ =	shalt  }
0x7d: {  	_ =	shalt  }
0x7e: {  	_ =	shalt  }
0x7f: {  	_ =	shalt  }
0x80: {  	_ =	shalt  }
0x81: {  	_ =	shalt  }
0x82: {  	_ =	shalt  }
0x83: {  	_ =	shalt  }
0x84: {  	_ =	shalt  }
0x85: {  	_ =	shalt  }
0x86: {  	_ =	shalt  }
0x87: {  	_ =	shalt  }
.Lfunc_end0:
.L_simem_size_0:
called_computation.2_lowered:
.L_overlay_start_0:
0x88: {  	s2 =	sld [smem:$0x3FD9]  }
0x89: {  	s3 =	sld [smem:$0x3FFE];
	_ =	sdelay $0x1  }
0x8a: {  	s1 =	srdreg.scid  }
0x8b: {  	s0 =	sand.u32 $0x1, s1  }
0x8c: {  	s17 =	sshll.u32 s0, $0xA;
	s2 =	sadd.s32 s3, s2  }
0x8d: {  	s2 =	sadd.s32 s2, s17  }
0x8e: {  	[smem:$0x3FC2] =	sst s2  }
0x8f: {  	_ = 	snop  }
0x90: {  	s2 =	sld [smem:$0x3FC4]  }
0x91: {  	s18 =	sld [smem:$0x3FD0];
	(tm) =	ssettm $0x1  }
0x92: {  	s4 =	sld [smem:$0x3FFB];
	_ =	sdelay $0x3  }
0x93: {  	_ =	strace s4  }
0x94: {  	s4 =	sld [smem:$0x3FFC];
	_ =	sdelay $0x3  }
0x95: {  	_ =	strace s4  }
0x96: {  	s4 =	sld [smem:$0x3FFD];
	_ =	sdelay $0x3  }
0x97: {  	_ =	strace s4  }
0x98: {  	_ =	strace $0x8FFFFFFF  }
0x99: {  	s19 =	sld [smem:$0x3FDB];
	_ =	sdelay $0x1  }
0x9a: {  	s5 =	simm.s32 $_scs_section_size  }
0x9b: {  	s6 =	simm.s32 $_size__tile_overlayer_lowered;
	s7 =	simm.s32 $_tile_overlayer_lowered  }
0x9c: {  	s22 =	simm.s32 $0x1BFF;
	s21 =	sshll.u32 s7, $0x1;
	s4 =	sadd.s32 s5, s19  }
0x9d: {  	s8 =	simm.s32 $0x0;
	s20 =	sshll.u32 s6, $0x1;
	s6 =	sadd.s32 s21, s4  }
0x9e: {  	[timem:s8], [sflag:s22] =	dma.local [hbm:s6], s20  }
0x9f: {  	_ =	swait.ge [sflag:s22], s20  }
0xa0: {  	s5 =	ssub.s32 $0x0, s20;
	[sflag:s22] =	ssyncset.done $0x0  }
0xa1: {  	[sflag:s22] =	ssyncadd.s32 s5;
	_ =	sdelay $0x1  }
0xa2: {  	s23 =	simm.s32 $0x1B8B  }
0xa3: {  	_ =	swait.ge [sflag:s23], $0x1  }
0xa4: {  	[sflag:s23] =	ssyncset.done $0x0  }
0xa5: {  	s25 =	simm.s32 $0x1B8E;
	s24 =	sld [smem:$0x3FFE];
	[sflag:s23] =	ssyncadd.s32 $0xFFFFFFFF  }
0xa6: {  	s26 =	simm.s32 $execute0_lowered;
	[smem:$0x3FD2] =	sst s25  }
0xa7: {  	s6 =	sshll.u32 s26, $0x1;
	_ =	strace $0x8000004C;
	[dreg:$0x1] =	wrdreg $0xFFFFFFFF  }
0xa8: {  	s28 =	simm.s32 $_size_execute0_lowered;
	s4 =	sadd.s32 s4, s6;
	[dreg:$0x0] =	wrdreg $0x0  }
0xa9: {  	s6 =	sshll.u32 s28, $0x1;
	[dreg:$0x2] =	wrdreg s4  }
0xaa: {  	[dreg:$0x3] =	wrdreg s6  }
0xab: {  	[dreg:$0x4] =	wrdreg $0xC0  }
0xac: {  	_ =	task [dreg:s8], $0x5FFFF  }
0xad: {  	[dreg:$0x1] =	wrdreg $0xFFFFFFFF  }
0xae: {  	[dreg:$0x0] =	wrdreg $0x60  }
0xaf: {  	[dreg:$0x2] =	wrdreg s24  }
0xb0: {  	[dreg:$0x3] =	wrdreg s18  }
0xb1: {  	[dreg:$0x4] =	wrdreg s2  }
0xb2: {  	[dreg:$0x5] =	wrdreg $0x14B500  }
0xb3: {  	[dreg:$0x6] =	wrdreg $0x9  }
0xb4: {  	_ =	task.clear_ibuf [dreg:s8], $0x7FFFF;
	_ =	strace $0x9000004C  }
0xb5: {  	s29 =	simm.s32 $0x9;
	_ =	strace $0x8000004E  }
0xb6: {  	_ =	swait.ge [sflag:s29], $0x1  }
0xb7: {  	[sflag:s29] =	ssyncadd.s32 $0xFFFFFFFF  }
0xb8: {  	_ =	strace $0x9000004E  }
0xb9: {  	_ =	sfence  }
0xba: {  	s30 =	sld [smem:$0x0];
	_ =	sdelay $0x2  }
0xbb: {  	s31 =	sshll.u32 s1, $0xD;
	s1 =	sshrl.u32 s1, $0x2  }
0xbc: {  	s3 =	sand.u32 $0x4000, s31;
	s1 =	sadd.s32 s1, s30  }
0xbd: {  	s0 =	sor.u32 s3, s0;
	s1 =	sshll.u32 s1, $0x11  }
0xbe: {  	s0 =	sor.u32 s1, s0  }
0xbf: {  	s0 =	sadd.s32 $0x8F2B, s0  }
0xc0: {  	[sflag:s0] =	ssyncadd.remote.s32 $0x1  }
0xc1: {  	_ =	sfence.sel $0xFFFF  }
0xc2: {  	[dreg:$0x0] =	wrdreg $0xFFFFFFFF;
	(pc) =	sbr.abs _section_cstart, $3  }
0xc3: {  	[dreg:$0x1] =	wrdreg $0xFFFFFFFF  }
0xc4: {  	_ =	task.clear_ibuf [dreg:s8], $0x2FFFF;
	_ =	strace $0x9FFFFFFF  }
0xc5: {  	(tm) =	ssettm $0x7FFFFFFF  }
tec
execute0_lowered:
.L_overlay_start_1:
0x0: {  	(tag) =	ssettag $0x1  }
0x1: {  	s0 =	rddreg [dreg:$0x0]  }
0x2: {  	s1 =	rddreg [dreg:$0x1]  }
0x3: {  	s10 =	rddreg [dreg:$0x2]  }
0x4: {  	s2 =	rddreg [dreg:$0x3];
	s3 =	simm.s32 $0x0;
	s20 =	stileid.u32  }
0x5: {  	s6 =	srdreg.scid;
	s22 =	simm.s32 $0x80;
	s23 =	simm.s32 $0x9C40  }
0x6: {  	s31 =	simm.s32 $0x1;
	s21 =	simm.s32 $0xFC40;
	s4 =	smul.u32 $0x4E20, s20  }
0x7: {  	[smem:$0x7FF] =	sst s3;
	s5 =	smul.u32 $0x2780, s20;
	s11 =	sand.u32 $0x1, s6  }
0x8: {  	s13 =	sadd.s32 $0x15E00, s0;
	s18 =	sadd.s32 $0x25080, s2;
	s19 =	sadd.s32 $0x27100, s2  }
0x9: {  	p0 =	seq.s32 s20, $0xF;
	_ =	strace $0x8000004D;
	s7 =	ssub.s32 $0x2, s11  }
0xa: {  	s8 =	smul.u32 $0x27100, s11;
	s11 =	sshll.u32 s11, $0x1;
	s4 =	sshrl.u32 s4, $0x3  }
0xb: {  	s24 =	sshrl.u32 s5, $0x3;
	s25 =	sshrl.u32 s7, $0x1;
	s10 =	sadd.s32 s10, s11  }
0xc: {  	s9 =	sadd.s32 s4, s0;
	s4 =	sadd.s32 $0x15800, s0;
	s12 =	sadd.s32 s24, s0  }
0xd: {  	s14 =	ssub.s32 s7, s25;
	s26 =	sadd.s32 s5, s8;
	s15 =	sshrl.u32 s8, $0x3  }
0xe: {  	s5 =	sadd.s32 s5, s2;
	s0 =	sadd.s32 $0x68C10, s0;
	s16 =	sshrl.u32 s26, $0x3  }
0xf: {  	s17 =	sadd.s32 $0x4A10, s15;
	s8 =	sadd.s32 $0x1E00, s9;
	s9 =	sadd.s32 $0xBA40, s9  }
0x10: {  	s11 =	sadd.s32 s1, s15;
	s28 =	sadd.s32 $0x64200, s12;
	[dreg:$0x7] =	wrdreg s0  }
0x11: {  	s0 =	sshll.u32 @!p0 s20, $0x6;
	s20 =	simm.s32 $0x3;
	s15 =	simm.s32 $0x0  }
.Ltmp0:
0x12: {  	s6 =	sadd.s32 s1, s16;
	s7 =	sadd.s32 s1, s17;
	(pc) =	sbr.rel .LBB2_1-.Ltmp0, $4  }
0x13: {  	[dreg:$0x5] =	wrdreg s28;
	s29 =	sadd.s32 s13, s16;
	s30 =	sadd.s32 s13, s17  }
0x14: {  	s16 =	smax.u32 s14, $0x1;
	s17 =	sshrl.u32 @p0 s18, $0x3;
	s18 =	sshrl.u32 @p0 s19, $0x3  }
0x15: {  	s19 =	sor.u32 @!p0 $0x1C03, s0;
	s0 =	simm.s32 $0x2;
	[dreg:$0x6] =	wrdreg s29  }
0x16: {  	s1 =	simm.s32 $0x20;
	s14 =	simm.s32 $0x123C0;
	[dreg:$0x8] =	wrdreg s30  }
.LBB2_6:
0x17: {  	v2 =	vld [tilespmem:s24+$0xFC40];
	_ =	sdelay $0x4  }
0x18: {  	v1 =	vmul.f32 v1, v2;
	_ =	sdelay $0x1  }
0x19: {  	v0 =	vadd.f32 v1, v0;
	_ =	sdelay $0x1  }
0x1a: {  	s12 =	rddreg [dreg:$0x6];
	[tilespmem:s24+$0xFC40] =	vst v0  }
0x1b: {  	[hbm4b:s12+s3] =	stream.linear.scatter [tilespmem:s21], [sflag:$0x3], $0x2780, $0x38;
	[tilespmem:$0x172D0] =	vst v63  }
0x1c: {  	_ =	swait.ge [sflag:s20], $0x2780  }
0x1d: {  	[sflag:s20] =	ssyncset.done $0x0  }
0x1e: {  	[sflag:s20] =	ssyncadd.s32 $0xFFFFD880  }
.LBB2_10:
0x1f: {  	s15 =	sadd.s32 $0x1, s15  }
0x20: {  	p1 =	sne.s32 s15, s16  }
.Ltmp1:
0x21: {  	_ = 	snop;
	(pc) =	sbr.rel @!p1 .LBB2_11-.Ltmp1, $1  }
0x22: {  	_ =	sdelay $0x3  }
.LBB2_1:
0x23: {  	s24 =	simm.s32 @p0 $0x1FC3;
	s25 =	simm.s32 @p0 $0x3  }
0x24: {  	[spmem:s17], [sflag:s24] =	dma.local @p0 [hbm:s7], $0x410  }
0x25: {  	_ =	swait.ge @p0 [sflag:s25], $0x410  }
0x26: {  	[sflag:s25] =	ssyncset.done @p0 $0x0  }
0x27: {  	[sflag:s25] =	ssyncadd.s32 @p0 $0xFFFFFBF0  }
0x28: {  	[spmem:s18], [sflag:s24] =	dma.local @p0 [hbm:s4], $0xE0  }
0x29: {  	_ =	swait.ge @p0 [sflag:s25], $0xE0  }
0x2a: {  	[sflag:s25] =	ssyncset.done @p0 $0x0  }
0x2b: {  	s24 =	sshrl.u32 @!p0 s5, $0x3;
	[sflag:s25] =	ssyncadd.s32 @p0 $0xFFFFFF20  }
0x2c: {  	[spmem:s24], [sflag:s19] =	dma.local @!p0 [hbm:s6], $0x4F0  }
0x2d: {  	s24 =	simm.s32 @!p0 $0x3  }
0x2e: {  	_ =	swait.ge @!p0 [sflag:s24], $0x4F0  }
0x2f: {  	[sflag:s24] =	ssyncset.done @!p0 $0x0  }
0x30: {  	[sflag:s24] =	ssyncadd.s32 @!p0 $0xFFFFFB10  }
0x31: {  	[tilespmem:s3], [sflag:$0x3] =	stream.linear.gather [hbm4b:s8+s3], $0x4E20, $0x38;
	[tilespmem:$0x172D0] =	vst v63  }
0x32: {  	_ =	swait.ge [sflag:s20], $0x4E20  }
0x33: {  	[sflag:s20] =	ssyncset.done $0x0  }
0x34: {  	s24 =	simm.s32 $0x4E20;
	[sflag:s20] =	ssyncadd.s32 $0xFFFFB1E0  }
0x35: {  	[tilespmem:s24], [sflag:$0x3] =	stream.linear.gather [hbm4b:s9+s3], $0x4E20, $0x38;
	[tilespmem:$0x172D0] =	vst v63  }
0x36: {  	_ =	swait.ge [sflag:s20], $0x4E20  }
0x37: {  	[sflag:s20] =	ssyncset.done $0x0  }
0x38: {  	s12 =	simm.s32 $0x14B40;
	[sflag:s20] =	ssyncadd.s32 $0xFFFFB1E0  }
0x39: {  	[tilespmem:s12], [sflag:$0x3] =	stream.linear.gather [hbm4b:s10+s3], $0x10, $0x38;
	[tilespmem:$0x172D0] =	vst v63  }
0x3a: {  	_ =	swait.ge [sflag:s20], $0x10  }
0x3b: {  	[sflag:s20] =	ssyncset.done $0x0  }
0x3c: {  	[sflag:s20] =	ssyncadd.s32 $0xFFFFFFF0  }
0x3d: {  	[bflag:$0x0] =	sbarrier.arrive $0xFFFF  }
0x3e: {  	[tilespmem:s23], [sflag:$0x1] =	stream.indirect.gather [hbm4b:s11+s22], $0x10, s3, s22, $0xb8;
	[tilespmem:$0x172D0] =	vst v63  }
0x3f: {  	s13 =	simm.s32 $0xA440  }
0x40: {  	[tilespmem:s13], [sflag:$0x1] =	stream.indirect.gather [hbm4b:s11+s22], $0x10, s22, s22, $0xb8;
	[tilespmem:$0x172D0] =	vst v63  }
0x41: {  	s25 =	simm.s32 $0x100;
	s13 =	simm.s32 $0xAC40  }
0x42: {  	[tilespmem:s13], [sflag:$0x1] =	stream.indirect.gather [hbm4b:s11+s22], $0x10, s25, s22, $0xb8;
	[tilespmem:$0x172D0] =	vst v63  }
0x43: {  	s26 =	simm.s32 $0x180;
	s30 =	simm.s32 $0xB440  }
0x44: {  	[tilespmem:s30], [sflag:$0x1] =	stream.indirect.gather [hbm4b:s11+s22], $0x10, s26, s22, $0xb8;
	[tilespmem:$0x172D0] =	vst v63  }
0x45: {  	s13 =	simm.s32 $0x200;
	s25 =	simm.s32 $0xBC40  }
0x46: {  	[tilespmem:s25], [sflag:$0x1] =	stream.indirect.gather [hbm4b:s11+s22], $0x10, s13, s22, $0xb8;
	[tilespmem:$0x172D0] =	vst v63  }
0x47: {  	s26 =	simm.s32 $0x280;
	s30 =	simm.s32 $0xC440  }
0x48: {  	[tilespmem:s30], [sflag:$0x1] =	stream.indirect.gather [hbm4b:s11+s22], $0x10, s26, s22, $0xb8;
	[tilespmem:$0x172D0] =	vst v63  }
0x49: {  	s13 =	simm.s32 $0x300;
	s25 =	simm.s32 $0xCC40  }
0x4a: {  	[tilespmem:s25], [sflag:$0x1] =	stream.indirect.gather [hbm4b:s11+s22], $0x10, s13, s22, $0xb8;
	[tilespmem:$0x172D0] =	vst v63  }
0x4b: {  	s26 =	simm.s32 $0x380;
	s30 =	simm.s32 $0xD440  }
0x4c: {  	[tilespmem:s30], [sflag:$0x1] =	stream.indirect.gather [hbm4b:s11+s22], $0x10, s26, s22, $0xb8;
	[tilespmem:$0x172D0] =	vst v63  }
0x4d: {  	s13 =	simm.s32 $0x400;
	s25 =	simm.s32 $0xDC40  }
0x4e: {  	[tilespmem:s25], [sflag:$0x1] =	stream.indirect.gather [hbm4b:s11+s22], $0x10, s13, s22, $0xb8;
	[tilespmem:$0x172D0] =	vst v63  }
0x4f: {  	s26 =	simm.s32 $0x480;
	s30 =	simm.s32 $0xE440  }
0x50: {  	[tilespmem:s30], [sflag:$0x1] =	stream.indirect.gather [hbm4b:s11+s22], $0x10, s26, s22, $0xb8;
	[tilespmem:$0x172D0] =	vst v63  }
0x51: {  	s25 =	simm.s32 $0x500;
	s26 =	simm.s32 $0xEC40  }
0x52: {  	[tilespmem:s26], [sflag:$0x1] =	stream.indirect.gather [hbm4b:s11+s22], $0x10, s25, s22, $0xb8;
	[tilespmem:$0x172D0] =	vst v63  }
0x53: {  	s26 =	simm.s32 $0x0  }
0x54: {  	s28 =	smul.u32 $0xAB, s26  }
0x55: {  	p1 =	por $0x1, $0x1  }
0x56: {  	s29 =	simm.s32 @!p1 $0xB;
	s28 =	sshrl.u32 s28, $0xB  }
0x57: {  	s29 =	smul.u32 @!p1 $0xAB, s29;
	s28 =	sand.u32 $0x1F, s28  }
0x58: {  	s30 =	simm.s32 $0xF440;
	s25 =	simm.s32 $0x580;
	s28 =	smul.u32 $0xC, s28  }
0x59: {  	[tilespmem:s30], [sflag:$0x1] =	stream.indirect.gather [hbm4b:s11+s22], $0x10, s25, s22, $0xb8;
	[tilespmem:$0x172D0] =	vst v63  }
0x5a: {  	s28 =	ssub.s32 $0x0, s28  }
0x5b: {  	s29 =	sshrl.u32 @!p1 s29, $0xB;
	_ =	swait.ge [sflag:s31], $0x800;
	s28 =	sand.u32 $0xFF, s28  }
0x5c: {  	s29 =	sand.u32 @!p1 $0x1F, s29;
	[sflag:s31] =	ssyncset.done $0x0;
	s28 =	sshll.u32 s28, $0xB  }
0x5d: {  	s29 =	smul.u32 @!p1 $0xC, s29;
	[sflag:s31] =	ssyncadd.s32 $0xFFFFF800;
	s28 =	sadd.s32 $0x9C40, s28  }
0x5e: {  	[spmem:s2] =	stream.indirect.scatter.add.f32 [tilespmem:s28], [sflag:$0x2], $0x10, s24, s22, $0xb8;
	[tilespmem:$0x172D0] =	vst v63  }
0x5f: {  	s28 =	simm.s32 @!p1 $0x2  }
0x60: {  	s29 =	ssub.s32 @!p1 $0xB, s29;
	_ =	swait.ge @!p1 [sflag:s28], $0x800  }
0x61: {  	s29 =	sand.u32 @!p1 $0xFF, s29;
	[sflag:s28] =	ssyncset.done @!p1 $0x0  }
.LBB2_2:
0x62: {  	s29 =	sshll.u32 @!p1 s29, $0xB  }
0x63: {  	s30 =	simm.s32 @!p1 $0x80;
	s12 =	smov.u32 s26;
	s26 =	sadd.s32 $0x1, s26  }
0x64: {  	s13 =	smul.u32 $0xAB, s26;
	s29 =	sadd.s32 @!p1 $0x9C40, s29;
	[sflag:s28] =	ssyncadd.s32 @!p1 $0xFFFFF800  }
0x65: {  	[tilespmem:s29], [sflag:$0x1] =	stream.indirect.gather @!p1 [hbm4b:s11+s30], $0x10, s25, s30, $0xb8;
	[tilespmem:$0x172D0] =	vst v63  }
0x66: {  	p1 =	sgt.u32 s12, $0x8F  }
0x67: {  	p2 =	sne.s32 s26, $0x9B;
	s13 =	sshrl.u32 s13, $0xB;
	s12 =	sadd.s32 @!p1 $0xC, s12  }
0x68: {  	s13 =	sand.u32 $0x1F, s13;
	s29 =	smul.u32 @!p1 $0xAB, s12  }
0x69: {  	s13 =	smul.u32 $0xC, s13  }
0x6a: {  	s24 =	sadd.s32 $0x80, s24  }
0x6b: {  	s28 =	simm.s32 @!p1 $0x2;
	s29 =	sshrl.u32 @!p1 s29, $0xB;
	s13 =	ssub.s32 s26, s13  }
0x6c: {  	s29 =	sand.u32 @!p1 $0x1F, s29;
	s13 =	sand.u32 $0xFF, s13;
	_ =	swait.ge [sflag:s31], $0x800  }
.Ltmp2:
0x6d: {  	s13 =	sshll.u32 s13, $0xB;
	[sflag:s31] =	ssyncset.done $0x0;
	(pc) =	sbr.rel @p2 .LBB2_2-.Ltmp2, $4  }
0x6e: {  	s29 =	smul.u32 @!p1 $0xC, s29;
	s13 =	sadd.s32 $0x9C40, s13;
	[sflag:s31] =	ssyncadd.s32 $0xFFFFF800  }
0x6f: {  	[spmem:s2] =	stream.indirect.scatter.add.f32 [tilespmem:s13], [sflag:$0x2], $0x10, s24, s22, $0xb8;
	[tilespmem:$0x172D0] =	vst v63  }
0x70: {  	s12 =	ssub.s32 @!p1 s12, s29;
	_ =	swait.ge @!p1 [sflag:s28], $0x800  }
0x71: {  	s25 =	sadd.s32 $0x80, s25;
	s29 =	sand.u32 @!p1 $0xFF, s12;
	[sflag:s28] =	ssyncset.done @!p1 $0x0  }
0x72: {  	s12 =	sshll.u32 @!p1 s29, $0xB  }
0x73: {  	s13 =	simm.s32 @!p1 $0x80;
	[sflag:s28] =	ssyncadd.s32 @!p1 $0xFFFFF800;
	s12 =	sadd.s32 @!p1 $0x9C40, s12  }
0x74: {  	[tilespmem:s12], [sflag:$0x1] =	stream.indirect.gather @!p1 [hbm4b:s11+s13], $0x10, s25, s13, $0xb8;
	[tilespmem:$0x172D0] =	vst v63  }
0x75: {  	_ =	swait.ge [sflag:s0], $0x800  }
0x76: {  	[sflag:s0] =	ssyncset.done $0x0  }
0x77: {  	[sflag:s0] =	ssyncadd.s32 $0xFFFFF800  }
0x78: {  	_ =	swait.ge [sflag:s0], $0x800  }
0x79: {  	[sflag:s0] =	ssyncset.done $0x0  }
0x7a: {  	[sflag:s0] =	ssyncadd.s32 $0xFFFFF800  }
0x7b: {  	_ =	swait.ge [sflag:s0], $0x800  }
0x7c: {  	[sflag:s0] =	ssyncset.done $0x0  }
0x7d: {  	[sflag:s0] =	ssyncadd.s32 $0xFFFFF800  }
0x7e: {  	_ =	swait.ge [sflag:s0], $0x800  }
0x7f: {  	[sflag:s0] =	ssyncset.done $0x0  }
0x80: {  	[sflag:s0] =	ssyncadd.s32 $0xFFFFF800  }
0x81: {  	_ =	swait.ge [sflag:s0], $0x800  }
0x82: {  	[sflag:s0] =	ssyncset.done $0x0  }
0x83: {  	[sflag:s0] =	ssyncadd.s32 $0xFFFFF800  }
0x84: {  	_ =	swait.ge [sflag:s0], $0x800  }
0x85: {  	[sflag:s0] =	ssyncset.done $0x0  }
0x86: {  	[sflag:s0] =	ssyncadd.s32 $0xFFFFF800  }
0x87: {  	_ =	swait.ge [sflag:s0], $0x800  }
0x88: {  	[sflag:s0] =	ssyncset.done $0x0  }
0x89: {  	[sflag:s0] =	ssyncadd.s32 $0xFFFFF800  }
0x8a: {  	_ =	swait.ge [sflag:s0], $0x800  }
0x8b: {  	[sflag:s0] =	ssyncset.done $0x0  }
0x8c: {  	[sflag:s0] =	ssyncadd.s32 $0xFFFFF800  }
0x8d: {  	_ =	swait.ge [sflag:s0], $0x800  }
0x8e: {  	[sflag:s0] =	ssyncset.done $0x0  }
0x8f: {  	[sflag:s0] =	ssyncadd.s32 $0xFFFFF800  }
0x90: {  	_ =	swait.ge [sflag:s0], $0x800  }
0x91: {  	[sflag:s0] =	ssyncset.done $0x0  }
0x92: {  	[sflag:s0] =	ssyncadd.s32 $0xFFFFF800  }
0x93: {  	_ =	swait.ge [sflag:s0], $0x800  }
0x94: {  	[sflag:s0] =	ssyncset.done $0x0  }
0x95: {  	[sflag:s0] =	ssyncadd.s32 $0xFFFFF800  }
0x96: {  	_ =	swait.ge [sflag:s0], $0x800  }
0x97: {  	[sflag:s0] =	ssyncset.done $0x0  }
0x98: {  	s29 =	simm.s32 $0x4E00;
	[sflag:s0] =	ssyncadd.s32 $0xFFFFF800  }
0x99: {  	[tilespmem:s23], [sflag:$0x1] =	stream.indirect.gather [hbm4b:s11+s1], $0x10, s29, s1, $0xb8;
	[tilespmem:$0x172D0] =	vst v63  }
0x9a: {  	_ =	swait.ge [sflag:s31], $0x200  }
0x9b: {  	[sflag:s31] =	ssyncset.done $0x0  }
0x9c: {  	s30 =	simm.s32 $0x9C20;
	[sflag:s31] =	ssyncadd.s32 $0xFFFFFE00  }
0x9d: {  	[spmem:s2] =	stream.indirect.scatter.add.f32 [tilespmem:s23], [sflag:$0x3], $0x10, s30, s1, $0xb8;
	[tilespmem:$0x172D0] =	vst v63  }
0x9e: {  	_ =	swait.ge [sflag:s20], $0x200  }
0x9f: {  	[sflag:s20] =	ssyncset.done $0x0  }
0xa0: {  	[sflag:s20] =	ssyncadd.s32 $0xFFFFFE00  }
0xa1: {  	[bflag:$0x0] =	sbarrier.arrive $0xFFFF  }
0xa2: {  	[tilespmem:s21], [sflag:$0x3] =	stream.linear.gather [spmem:s5], $0x2780, $0x38;
	[tilespmem:$0x172D0] =	vst v63  }
.Ltmp3:
0xa3: {  	_ = 	snop;
	(pc) =	sbr.rel @!p0 .LBB2_4-.Ltmp3, $4  }
0xa4: {  	_ =	swait.ge [sflag:s20], $0x2780  }
0xa5: {  	[sflag:s20] =	ssyncset.done $0x0  }
0xa6: {  	[sflag:s20] =	ssyncadd.s32 $0xFFFFD880  }
0xa7: {  	s12 =	simm.s32 $0x0;
	v0 =	vld [tilespmem:$0x14B40]  }
0xa8: {  	s13 =	rddreg [dreg:$0x7]  }
0xa9: {  	[tilespmem:s14], [sflag:$0x3] =	stream.linear.gather [hbm4b:s13+s12], $0x2080, $0x38;
	[tilespmem:$0x172D0] =	vst v63  }
0xaa: {  	_ =	swait.ge [sflag:s20], $0x2080  }
0xab: {  	[sflag:s20] =	ssyncset.done $0x0  }
0xac: {  	s24 =	simm.s32 $0x0;
	[sflag:s20] =	ssyncadd.s32 $0xFFFFDF80  }
0xad: {  	s25 =	simm.s32 $0x40;
	v1 =	vld [tilespmem:s24+$0x123C0]  }
.LBB2_8:
0xae: {  	p1 =	sne.s32 s25, $0x81C0;
	v2 =	vld [tilespmem:s24+$0xFC40];
	_ =	sdelay $0x4  }
.Ltmp4:
0xaf: {  	v1 =	vmul.f32 v1, v2;
	(pc) =	sbr.rel @p1 .LBB2_8-.Ltmp4, $4  }
0xb0: {  	_ = 	snop  }
0xb1: {  	v2 =	vadd.f32 v1, v0  }
0xb2: {  	s12 =	sshra.s32 s25, $0x2  }
0xb3: {  	s25 =	sadd.s32 $0x40, s25;
	v1 =	vld [tilespmem:s12+$0x123C0];
	[tilespmem:s24+$0xFC40] =	vst v2;
	s24 =	smov.u32 s12  }
0xb4: {  	v2 =	vld [tilespmem:s24+$0xFC40];
	_ =	sdelay $0x4  }
0xb5: {  	v1 =	vmul.f32 v1, v2;
	_ =	sdelay $0x1  }
0xb6: {  	v0 =	vadd.f32 v1, v0;
	_ =	sdelay $0x1  }
.Ltmp5:
0xb7: {  	s12 =	rddreg [dreg:$0x8];
	[tilespmem:s24+$0xFC40] =	vst v0;
	(pc) =	sbr.rel .LBB2_10-.Ltmp5, $4  }
0xb8: {  	[hbm4b:s12+s3] =	stream.linear.scatter [tilespmem:s21], [sflag:$0x3], $0x2080, $0x38;
	[tilespmem:$0x172D0] =	vst v63  }
0xb9: {  	_ =	swait.ge [sflag:s20], $0x2080  }
0xba: {  	[sflag:s20] =	ssyncset.done $0x0  }
0xbb: {  	[sflag:s20] =	ssyncadd.s32 $0xFFFFDF80  }
.LBB2_4:
0xbc: {  	s13 =	rddreg [dreg:$0x5]  }
0xbd: {  	[tilespmem:s14], [sflag:$0x3] =	stream.linear.gather [hbm4b:s13+s12], $0x2780, $0x38;
	[tilespmem:$0x172D0] =	vst v63  }
0xbe: {  	_ =	swait.ge [sflag:s20], $0x2780  }
0xbf: {  	[sflag:s20] =	ssyncset.done $0x0  }
0xc0: {  	s24 =	simm.s32 $0x0;
	[sflag:s20] =	ssyncadd.s32 $0xFFFFD880  }
0xc1: {  	s25 =	simm.s32 $0x40;
	v1 =	vld [tilespmem:s24+$0x123C0]  }
.LBB2_5:
0xc2: {  	p1 =	sne.s32 s25, $0x9DC0;
	v2 =	vld [tilespmem:s24+$0xFC40];
	_ =	sdelay $0x4  }
.Ltmp6:
0xc3: {  	v1 =	vmul.f32 v1, v2;
	(pc) =	sbr.rel @p1 .LBB2_5-.Ltmp6, $4  }
0xc4: {  	_ = 	snop  }
0xc5: {  	v2 =	vadd.f32 v1, v0  }
0xc6: {  	s12 =	sshra.s32 s25, $0x2  }
0xc7: {  	s25 =	sadd.s32 $0x40, s25;
	v1 =	vld [tilespmem:s12+$0x123C0];
	[tilespmem:s24+$0xFC40] =	vst v2;
	s24 =	smov.u32 s12  }
.Ltmp7:
0xc8: {  	_ = 	snop;
	(pc) =	sbr.rel .LBB2_6-.Ltmp7, $1  }
0xc9: {  	_ =	sdelay $0x3  }
.LBB2_11:
0xca: {  	_ =	sfence.sel $0x180000  }
0xcb: {  	[bflag:$0x0] =	sbarrier.arrive $0xFFFF  }
0xcc: {  	_ =	strace $0x9000004D  }
0xcd: {  	s0 =	stileid.u32;
	[bflag:$0x2] =	sbarrier.arrive $0xFFFF  }
0xce: {  	p0 =	sne.s32 s0, $0x0;
	s0 =	rddreg [dreg:$0x4]  }
0xcf: {  	s0 =	sadd.s32 @!p0 $0x100000, s0  }
0xd0: {  	[sflag:s0] =	ssyncadd.tile.s32 @!p0 $0x1;
	_ =	shalt  }
.Lfunc_end2:
_tile_overlayer_lowered:
.L_overlay_start_2:
0xd1: {  	(tag) =	ssettag $0x2  }
0xd2: {  	s0 =	rddreg [dreg:$0x0];
	s2 =	stileid.u32  }
0xd3: {  	s1 =	rddreg [dreg:$0x1];
	p0 =	sne.s32 s2, $0x0  }
0xd4: {  	s3 =	rddreg [dreg:$0x2];
	[bflag:$0x3] =	sbarrier.arrive $0xFFFF;
	s2 =	simm.s32 @!p0 $0x1C03  }
0xd5: {  	[timem:s3], [sflag:s2] =	dma.local @!p0 [hbm:s0], s1  }
0xd6: {  	s0 =	simm.s32 @!p0 $0x3  }
0xd7: {  	_ =	swait.ge @!p0 [sflag:s0], s1  }
0xd8: {  	s1 =	ssub.s32 @!p0 $0x0, s1;
	[sflag:s0] =	ssyncset.done @!p0 $0x0  }
0xd9: {  	[sflag:s0] =	ssyncadd.s32 @!p0 s1  }
0xda: {  	[bflag:$0x3] =	sbarrier.arrive $0xFFFF  }
0xdb: {  	_ =	shalt  }

// kernel: kernel.7.cloned.1.call-start
scs
__scs_entry_jumppad:
0x0: {  	(pc) =	sbr.rel $0x88, $3  }
0x1: {  	(tag) =	ssettag $0x0;
	lr =	simm.s32 $0x1  }
0x2: {  	[smem:$0x3F9B] =	sst lr;
	_ =	strace $0xD0000000  }
0x3: {  	_ = 	snop  }
0x4: {  	_ = 	snop  }
0x5: {  	_ = 	snop  }
0x6: {  	_ = 	snop  }
0x7: {  	_ = 	snop  }
__scs_overlays_trampoline_lowered:
0x8: {  	[smem:$0x3FAA] =	sst s0  }
0x9: {  	[smem:$0x3FAB] =	sst s1  }
0xa: {  	[smem:$0x3FAC] =	sst s2  }
0xb: {  	[smem:$0x3FAD] =	sst s3  }
0xc: {  	[smem:$0x3FAE] =	sst s4  }
0xd: {  	[smem:$0x3FAF] =	sst s5  }
0xe: {  	[smem:$0x3FB0] =	sst s6  }
0xf: {  	[smem:$0x3FB1] =	sst s7  }
0x10: {  	[smem:$0x3FB2] =	sst s8  }
0x11: {  	[smem:$0x3FB3] =	sst s9;
	s0 =	simm.s32 @!p0 $0x0  }
0x12: {  	s1 =	sld [smem:$0x3F99];
	s0 =	simm.s32 @p0 $0x1  }
0x13: {  	[smem:$0x3FB4] =	sst s0;
	s0 =	simm.s32 @!p1 $0x0  }
0x14: {  	s2 =	sld [smem:$0x3F98];
	s0 =	simm.s32 @p1 $0x1  }
0x15: {  	[smem:$0x3FB5] =	sst s0;
	s0 =	simm.s32 @!p2 $0x0  }
0x16: {  	s3 =	sld [smem:$0x3FDB];
	s0 =	simm.s32 @p2 $0x1  }
0x17: {  	s4 =	simm.s32 $0x1BF5;
	[smem:$0x3FB7] =	sst s0  }
0x18: {  	s0 =	sld [smem:$0x3F9A];
	_ =	swait.ge [sflag:s4], $0x0  }
0x19: {  	s7 =	sld [smem:$0x3F9B]  }
0x1a: {  	s8 =	sadd.s32 $0xFFFFE003, lr  }
0x1b: {  	s9 =	sadd.s32 $0xFFFFFEF7, lr;
	s5 =	simm.s32 $0xFFFFFFFF;
	p2 =	slt.u32 s8, $0xFFFFF086  }
0x1c: {  	p1 =	slt.u32 s9, $0xF7A;
	s5 =	simm.s32 @!p2 $0x0  }
0x1d: {  	s5 =	simm.s32 @p1 $0x1;
	p0 =	seq.s32 s7, s2  }
0x1e: {  	s7 =	smul.u32 @!p0 $0xF7A, s2;
	p2 =	seq.s32 @!p0 s5, $0x0  }
0x1f: {  	s9 =	smul.u32 $0xF7A, s1;
	s8 =	simm.s32 @!p0 $0x1BF5;
	p2 =	por !p2, p0  }
0x20: {  	[sflag:s8] =	ssyncset.s32 @!p0 $0xFFFFF086;
	s6 =	sadd.s32 @!p0 s3, s7;
	s7 =	simm.s32 @!p0 $0x108  }
0x21: {  	s3 =	sadd.s32 s3, s9;
	s6 =	sadd.s32 @!p0 $0x88, s6;
	s7 =	simm.s32 @p2 $0x1082  }
0x22: {  	[simem:s7], [sflag:s8] =	dma.local @!p0 [hbm:s6], $0xF7A  }
0x23: {  	s9 =	sor.u32 $0xD0000000, s2;
	s6 =	simm.s32 $0x108;
	_ =	swait.ge @!p0 [sflag:s8], $0x0  }
0x24: {  	s3 =	sadd.s32 $0x88, s3;
	s6 =	simm.s32 @!p1 $0x1082;
	[sflag:s4] =	ssyncset.s32 $0xFFFFF086  }
0x25: {  	[simem:s6], [sflag:s4] =	dma.local [hbm:s3], $0xF7A  }
0x26: {  	[smem:$0x3F9B] =	sst s1;
	(tag) =	ssettag s2;
	_ =	strace s9  }
0x27: {  	s1 =	sld [smem:$0x3FAB]  }
0x28: {  	s2 =	sld [smem:$0x3FAC]  }
0x29: {  	s4 =	sld [smem:$0x3FAE]  }
0x2a: {  	p0 =	seq.s32 s5, $0x0;
	s5 =	sld [smem:$0x3FAF]  }
0x2b: {  	s6 =	sld [smem:$0x3FB0]  }
0x2c: {  	s7 =	sld [smem:$0x3FB1]  }
0x2d: {  	s3 =	simm.s32 $0x108;
	s8 =	sld [smem:$0x3FB2]  }
0x2e: {  	s3 =	simm.s32 @!p0 $0x1082;
	s9 =	sld [smem:$0x3FB3]  }
0x2f: {  	lr =	sadd.s32 s0, s3;
	s0 =	sld [smem:$0x3FAA]  }
0x30: {  	s3 =	sld [smem:$0x3FAD]  }
0x31: {  	[smem:$0x3FB6] =	sst s10  }
0x32: {  	s10 =	sld [smem:$0x3FB4];
	_ =	sdelay $0x3  }
0x33: {  	p0 =	seq.s32 s10, $0x1;
	s10 =	sld [smem:$0x3FB6];
	_ =	sdelay $0x3  }
0x34: {  	[smem:$0x3FB6] =	sst s10  }
0x35: {  	s10 =	sld [smem:$0x3FB5];
	_ =	sdelay $0x3  }
0x36: {  	p1 =	seq.s32 s10, $0x1;
	s10 =	sld [smem:$0x3FB6];
	_ =	sdelay $0x3  }
0x37: {  	[smem:$0x3FB6] =	sst s10  }
0x38: {  	s10 =	sld [smem:$0x3FB7]  }
0x39: {  	_ = 	snop;
	(pc) =	sbr.ind lr, $3  }
0x3a: {  	_ = 	snop  }
0x3b: {  	_ = 	snop  }
0x3c: {  	p2 =	seq.s32 s10, $0x1;
	s10 =	sld [smem:$0x3FB6]  }
0x3d: {  	_ =	shalt  }
0x3e: {  	_ =	shalt  }
0x3f: {  	_ =	shalt  }
0x40: {  	_ =	shalt  }
0x41: {  	_ =	shalt  }
0x42: {  	_ =	shalt  }
0x43: {  	_ =	shalt  }
0x44: {  	_ =	shalt  }
0x45: {  	_ =	shalt  }
0x46: {  	_ =	shalt  }
0x47: {  	_ =	shalt  }
0x48: {  	_ =	shalt  }
0x49: {  	_ =	shalt  }
0x4a: {  	_ =	shalt  }
0x4b: {  	_ =	shalt  }
0x4c: {  	_ =	shalt  }
0x4d: {  	_ =	shalt  }
0x4e: {  	_ =	shalt  }
0x4f: {  	_ =	shalt  }
0x50: {  	_ =	shalt  }
0x51: {  	_ =	shalt  }
0x52: {  	_ =	shalt  }
0x53: {  	_ =	shalt  }
0x54: {  	_ =	shalt  }
0x55: {  	_ =	shalt  }
0x56: {  	_ =	shalt  }
0x57: {  	_ =	shalt  }
0x58: {  	_ =	shalt  }
0x59: {  	_ =	shalt  }
0x5a: {  	_ =	shalt  }
0x5b: {  	_ =	shalt  }
0x5c: {  	_ =	shalt  }
0x5d: {  	_ =	shalt  }
0x5e: {  	_ =	shalt  }
0x5f: {  	_ =	shalt  }
0x60: {  	_ =	shalt  }
0x61: {  	_ =	shalt  }
0x62: {  	_ =	shalt  }
0x63: {  	_ =	shalt  }
0x64: {  	_ =	shalt  }
0x65: {  	_ =	shalt  }
0x66: {  	_ =	shalt  }
0x67: {  	_ =	shalt  }
0x68: {  	_ =	shalt  }
0x69: {  	_ =	shalt  }
0x6a: {  	_ =	shalt  }
0x6b: {  	_ =	shalt  }
0x6c: {  	_ =	shalt  }
0x6d: {  	_ =	shalt  }
0x6e: {  	_ =	shalt  }
0x6f: {  	_ =	shalt  }
0x70: {  	_ =	shalt  }
0x71: {  	_ =	shalt  }
0x72: {  	_ =	shalt  }
0x73: {  	_ =	shalt  }
0x74: {  	_ =	shalt  }
0x75: {  	_ =	shalt  }
0x76: {  	_ =	shalt  }
0x77: {  	_ =	shalt  }
0x78: {  	_ =	shalt  }
0x79: {  	_ =	shalt  }
0x7a: {  	_ =	shalt  }
0x7b: {  	_ =	shalt  }
0x7c: {  	_ =	shalt  }
0x7d: {  	_ =	shalt  }
0x7e: {  	_ =	shalt  }
0x7f: {  	_ =	shalt  }
0x80: {  	_ =	shalt  }
0x81: {  	_ =	shalt  }
0x82: {  	_ =	shalt  }
0x83: {  	_ =	shalt  }
0x84: {  	_ =	shalt  }
0x85: {  	_ =	shalt  }
0x86: {  	_ =	shalt  }
0x87: {  	_ =	shalt  }
.Lfunc_end0:
.L_simem_size_0:
called_computation_lowered:
.L_overlay_start_0:
0x88: {  	s2 =	sld [smem:$0x3FD9]  }
0x89: {  	s3 =	sld [smem:$0x3FFE];
	_ =	sdelay $0x1  }
0x8a: {  	s1 =	srdreg.scid  }
0x8b: {  	s0 =	sand.u32 $0x1, s1  }
0x8c: {  	s17 =	sshll.u32 s0, $0xA;
	s2 =	sadd.s32 s3, s2  }
0x8d: {  	s2 =	sadd.s32 s2, s17  }
0x8e: {  	[smem:$0x3FC2] =	sst s2  }
0x8f: {  	_ = 	snop  }
0x90: {  	s2 =	sld [smem:$0x3FD0];
	(tm) =	ssettm $0x1  }
0x91: {  	s18 =	sld [smem:$0x3FFB];
	_ =	sdelay $0x3  }
0x92: {  	_ =	strace s18  }
0x93: {  	s3 =	sld [smem:$0x3FFC];
	_ =	sdelay $0x3  }
0x94: {  	_ =	strace s3  }
0x95: {  	s3 =	sld [smem:$0x3FFD];
	_ =	sdelay $0x3  }
0x96: {  	_ =	strace s3  }
0x97: {  	_ =	strace $0x8FFFFFFF  }
0x98: {  	s19 =	sld [smem:$0x3FDB];
	_ =	sdelay $0x1  }
0x99: {  	s4 =	simm.s32 $_scs_section_size  }
0x9a: {  	s5 =	simm.s32 $_size__tile_overlayer_lowered;
	s6 =	simm.s32 $_tile_overlayer_lowered  }
0x9b: {  	s22 =	simm.s32 $0x1BFF;
	s21 =	sshll.u32 s6, $0x1;
	s3 =	sadd.s32 s4, s19  }
0x9c: {  	s7 =	simm.s32 $0x0;
	s20 =	sshll.u32 s5, $0x1;
	s5 =	sadd.s32 s21, s3  }
0x9d: {  	[timem:s7], [sflag:s22] =	dma.local [hbm:s5], s20  }
0x9e: {  	_ =	swait.ge [sflag:s22], s20  }
0x9f: {  	s4 =	ssub.s32 $0x0, s20;
	[sflag:s22] =	ssyncset.done $0x0  }
0xa0: {  	[sflag:s22] =	ssyncadd.s32 s4;
	_ =	sdelay $0x1  }
0xa1: {  	s23 =	simm.s32 $0x1B8B  }
0xa2: {  	_ =	swait.ge [sflag:s23], $0x1  }
0xa3: {  	[sflag:s23] =	ssyncset.done $0x0  }
0xa4: {  	s25 =	simm.s32 $0x1B8E;
	s24 =	sld [smem:$0x3FFE];
	[sflag:s23] =	ssyncadd.s32 $0xFFFFFFFF  }
0xa5: {  	s26 =	simm.s32 $execute0_lowered;
	[smem:$0x3FD2] =	sst s25  }
0xa6: {  	s5 =	sshll.u32 s26, $0x1;
	_ =	strace $0x80000046;
	[dreg:$0x1] =	wrdreg $0xFFFFFFFF  }
0xa7: {  	s28 =	simm.s32 $_size_execute0_lowered;
	s3 =	sadd.s32 s3, s5;
	[dreg:$0x0] =	wrdreg $0x0  }
0xa8: {  	s5 =	sshll.u32 s28, $0x1;
	[dreg:$0x2] =	wrdreg s3  }
0xa9: {  	[dreg:$0x3] =	wrdreg s5  }
0xaa: {  	[dreg:$0x4] =	wrdreg $0xC0  }
0xab: {  	_ =	task [dreg:s7], $0x5FFFF  }
0xac: {  	[dreg:$0x1] =	wrdreg $0xFFFFFFFF  }
0xad: {  	[dreg:$0x0] =	wrdreg $0x60  }
0xae: {  	[dreg:$0x2] =	wrdreg s24  }
0xaf: {  	[dreg:$0x3] =	wrdreg s2  }
0xb0: {  	[dreg:$0x4] =	wrdreg $0x2F100  }
0xb1: {  	[dreg:$0x5] =	wrdreg $0x9  }
0xb2: {  	_ =	task.clear_ibuf [dreg:s7], $0x6FFFF;
	_ =	strace $0x90000046  }
0xb3: {  	s29 =	simm.s32 $0x9;
	_ =	strace $0x80000048  }
0xb4: {  	_ =	swait.ge [sflag:s29], $0x1  }
0xb5: {  	[sflag:s29] =	ssyncadd.s32 $0xFFFFFFFF  }
0xb6: {  	_ =	strace $0x90000048  }
0xb7: {  	_ =	sfence  }
0xb8: {  	s30 =	sld [smem:$0x0];
	_ =	sdelay $0x2  }
0xb9: {  	s31 =	sshll.u32 s1, $0xD;
	s1 =	sshrl.u32 s1, $0x2  }
0xba: {  	s3 =	sand.u32 $0x4000, s31;
	s1 =	sadd.s32 s1, s30  }
0xbb: {  	s0 =	sor.u32 s3, s0;
	s1 =	sshll.u32 s1, $0x11  }
0xbc: {  	s0 =	sor.u32 s1, s0  }
0xbd: {  	s0 =	sadd.s32 $0x8F2B, s0  }
0xbe: {  	[sflag:s0] =	ssyncadd.remote.s32 $0x1  }
0xbf: {  	_ =	sfence.sel $0xFFFF  }
0xc0: {  	[dreg:$0x0] =	wrdreg $0xFFFFFFFF;
	(pc) =	sbr.abs _section_cstart, $3  }
0xc1: {  	[dreg:$0x1] =	wrdreg $0xFFFFFFFF  }
0xc2: {  	_ =	task.clear_ibuf [dreg:s7], $0x2FFFF;
	_ =	strace $0x9FFFFFFF  }
0xc3: {  	(tm) =	ssettm $0x7FFFFFFF  }
tec
execute0_lowered:
.L_overlay_start_1:
0x0: {  	(tag) =	ssettag $0x1  }
0x1: {  	s6 =	rddreg [dreg:$0x0]  }
0x2: {  	s8 =	rddreg [dreg:$0x1]  }
0x3: {  	s2 =	rddreg [dreg:$0x2]  }
0x4: {  	s0 =	rddreg [dreg:$0x3]  }
0x5: {  	s4 =	srdreg.scid;
	s3 =	simm.s32 $0x0;
	s1 =	stileid.u32  }
0x6: {  	s14 =	simm.s32 $0x1;
	s15 =	simm.s32 $0x10;
	s16 =	simm.s32 $0x2700  }
0x7: {  	s17 =	simm.s32 $0x0;
	s4 =	sand.u32 $0x1, s4;
	[smem:$0x7FF] =	sst s3  }
0x8: {  	s7 =	smul.u32 $0x2780, s1;
	s31 =	sshll.u32 s1, $0x6;
	s5 =	sshll.u32 s4, $0x4  }
0x9: {  	_ =	strace $0x80000047;
	s10 =	ssub.s32 $0x2, s4;
	s12 =	smul.u32 $0x27800, s4  }
0xa: {  	s4 =	sadd.s32 $0x1A800, s6;
	s5 =	sor.u32 s1, s5;
	s9 =	sshrl.u32 s7, $0x3  }
0xb: {  	s29 =	sshrl.u32 s10, $0x1;
	s30 =	sadd.s32 s7, s2;
	s11 =	smul.u32 $0x2710, s5  }
0xc: {  	s28 =	sadd.s32 s9, s6;
	s9 =	ssub.s32 s10, s29;
	s7 =	sadd.s32 s7, s12  }
0xd: {  	s10 =	sshrl.u32 s30, $0x3;
	s12 =	simm.s32 $0x2710;
	s5 =	sadd.s32 $0x15800, s28  }
0xe: {  	s13 =	sshrl.u32 s7, $0x3;
	s9 =	smax.u32 s9, $0x1;
	s11 =	sshrl.u32 s11, $0x3  }
0xf: {  	s8 =	sadd.s32 s8, s13;
	s13 =	simm.s32 $0x80;
	s11 =	sadd.s32 s6, s11  }
0x10: {  	s6 =	sor.u32 $0x1C02, s31;
	s7 =	sadd.s32 $0xBA40, s11;
	s11 =	simm.s32 $0x2  }
.LBB2_1:
0x11: {  	[spmem:s10], [sflag:s6] =	dma.local [hbm:s5], $0x4F0  }
0x12: {  	_ =	swait.ge [sflag:s11], $0x4F0  }
0x13: {  	[sflag:s11] =	ssyncset.done $0x0  }
0x14: {  	[sflag:s11] =	ssyncadd.s32 $0xFFFFFB10  }
0x15: {  	[tilespmem:s3], [sflag:$0x2] =	stream.linear.gather [hbm4b:s7+s3], $0x2710, $0x38;
	[tilespmem:$0x5690] =	vst v63  }
0x16: {  	_ =	swait.ge [sflag:s11], $0x2710  }
0x17: {  	[sflag:s11] =	ssyncset.done $0x0  }
0x18: {  	[sflag:s11] =	ssyncadd.s32 $0xFFFFD8F0  }
0x19: {  	[tilespmem:s12], [sflag:$0x2] =	stream.linear.gather [hbm4b:s4+s3], $0x800, $0x38;
	[tilespmem:$0x5690] =	vst v63  }
0x1a: {  	_ =	swait.ge [sflag:s11], $0x800  }
0x1b: {  	[sflag:s11] =	ssyncset.done $0x0  }
0x1c: {  	p0 =	por $0x1, $0x1;
	[sflag:s11] =	ssyncadd.s32 $0xFFFFF800  }
0x1d: {  	s20 =	simm.s32 @!p0 $0x1;
	[bflag:$0x0] =	sbarrier.arrive $0xFFFF  }
0x1e: {  	[spmem:s2] =	stream.indirect.scatter.add.f32 [tilespmem:s12], [sflag:$0x1], $0x10, s3, s13, $0xb8;
	[tilespmem:$0x5690] =	vst v63  }
0x1f: {  	_ =	swait.ge @!p0 [sflag:s20], $0x800  }
0x20: {  	s18 =	simm.s32 $0x1;
	s19 =	simm.s32 $0x0;
	[sflag:s20] =	ssyncset.done @!p0 $0x0  }
.LBB2_2:
0x21: {  	[sflag:s20] =	ssyncadd.s32 @!p0 $0xFFFFF800  }
0x22: {  	s19 =	sadd.s32 $0x80, s19;
	s20 =	smov.u32 s18;
	s18 =	sadd.s32 $0x1, s18  }
0x23: {  	p1 =	sne.s32 s18, $0x4E  }
0x24: {  	[spmem:s2] =	stream.indirect.scatter.add.f32 [tilespmem:s12], [sflag:$0x1], $0x10, s19, s13, $0xb8;
	[tilespmem:$0x5690] =	vst v63  }
.Ltmp0:
0x25: {  	_ = 	snop;
	(pc) =	sbr.rel @p1 .LBB2_2-.Ltmp0, $4  }
0x26: {  	p0 =	slt.u32 s20, $0x8  }
0x27: {  	s20 =	simm.s32 @!p0 $0x1  }
0x28: {  	_ =	swait.ge @!p0 [sflag:s20], $0x800  }
0x29: {  	[sflag:s20] =	ssyncset.done @!p0 $0x0  }
0x2a: {  	[sflag:s20] =	ssyncadd.s32 @!p0 $0xFFFFF800  }
0x2b: {  	_ =	swait.ge [sflag:s14], $0x800  }
0x2c: {  	[sflag:s14] =	ssyncset.done $0x0  }
0x2d: {  	[sflag:s14] =	ssyncadd.s32 $0xFFFFF800  }
0x2e: {  	_ =	swait.ge [sflag:s14], $0x800  }
0x2f: {  	[sflag:s14] =	ssyncset.done $0x0  }
0x30: {  	[sflag:s14] =	ssyncadd.s32 $0xFFFFF800  }
0x31: {  	_ =	swait.ge [sflag:s14], $0x800  }
0x32: {  	[sflag:s14] =	ssyncset.done $0x0  }
0x33: {  	[sflag:s14] =	ssyncadd.s32 $0xFFFFF800  }
0x34: {  	_ =	swait.ge [sflag:s14], $0x800  }
0x35: {  	[sflag:s14] =	ssyncset.done $0x0  }
0x36: {  	[sflag:s14] =	ssyncadd.s32 $0xFFFFF800  }
0x37: {  	_ =	swait.ge [sflag:s14], $0x800  }
0x38: {  	[sflag:s14] =	ssyncset.done $0x0  }
0x39: {  	[sflag:s14] =	ssyncadd.s32 $0xFFFFF800  }
0x3a: {  	_ =	swait.ge [sflag:s14], $0x800  }
0x3b: {  	[sflag:s14] =	ssyncset.done $0x0  }
0x3c: {  	[sflag:s14] =	ssyncadd.s32 $0xFFFFF800  }
0x3d: {  	_ =	swait.ge [sflag:s14], $0x800  }
0x3e: {  	[sflag:s14] =	ssyncset.done $0x0  }
0x3f: {  	[sflag:s14] =	ssyncadd.s32 $0xFFFFF800  }
0x40: {  	_ =	swait.ge [sflag:s14], $0x800  }
0x41: {  	[sflag:s14] =	ssyncset.done $0x0  }
0x42: {  	[sflag:s14] =	ssyncadd.s32 $0xFFFFF800  }
0x43: {  	[spmem:s2] =	stream.indirect.scatter.add.f32 [tilespmem:s12], [sflag:$0x2], $0x10, s16, s15, $0xb8;
	[tilespmem:$0x5690] =	vst v63  }
0x44: {  	_ =	swait.ge [sflag:s11], $0x100  }
0x45: {  	s17 =	sadd.s32 $0x1, s17;
	[sflag:s11] =	ssyncset.done $0x0  }
0x46: {  	p0 =	sne.s32 s17, s9;
	[sflag:s11] =	ssyncadd.s32 $0xFFFFFF00  }
.Ltmp1:
0x47: {  	[bflag:$0x0] =	sbarrier.arrive $0xFFFF;
	(pc) =	sbr.rel @p0 .LBB2_1-.Ltmp1, $4  }
0x48: {  	[hbm:s8], [sflag:s6] =	dma.local [spmem:s10], $0x4F0  }
0x49: {  	_ =	swait.ge [sflag:s11], $0x4F0  }
0x4a: {  	[sflag:s11] =	ssyncset.done $0x0  }
0x4b: {  	[sflag:s11] =	ssyncadd.s32 $0xFFFFFB10  }
0x4c: {  	_ =	sfence.sel $0x180000  }
0x4d: {  	[bflag:$0x0] =	sbarrier.arrive $0xFFFF  }
0x4e: {  	p0 =	sne.s32 s1, $0x0;
	_ =	strace $0x90000047  }
0x4f: {  	s0 =	sadd.s32 @!p0 $0x100000, s0;
	[bflag:$0x2] =	sbarrier.arrive $0xFFFF  }
0x50: {  	[sflag:s0] =	ssyncadd.tile.s32 @!p0 $0x1;
	_ =	shalt  }
.Lfunc_end2:
_tile_overlayer_lowered:
.L_overlay_start_2:
0x51: {  	(tag) =	ssettag $0x2  }
0x52: {  	s0 =	rddreg [dreg:$0x0];
	s2 =	stileid.u32  }
0x53: {  	s1 =	rddreg [dreg:$0x1];
	p0 =	sne.s32 s2, $0x0  }
0x54: {  	s3 =	rddreg [dreg:$0x2];
	[bflag:$0x3] =	sbarrier.arrive $0xFFFF;
	s2 =	simm.s32 @!p0 $0x1C02  }
0x55: {  	[timem:s3], [sflag:s2] =	dma.local @!p0 [hbm:s0], s1  }
0x56: {  	s0 =	simm.s32 @!p0 $0x2  }
0x57: {  	_ =	swait.ge @!p0 [sflag:s0], s1  }
0x58: {  	s1 =	ssub.s32 @!p0 $0x0, s1;
	[sflag:s0] =	ssyncset.done @!p0 $0x0  }
0x59: {  	[sflag:s0] =	ssyncadd.s32 @!p0 s1  }
0x5a: {  	[bflag:$0x3] =	sbarrier.arrive $0xFFFF  }
0x5b: {  	_ =	shalt  }

</sc_bundles>
